<compile_context>
chip_gen: v7x
topology: tpu7x:2x2x1
jax: 0.10.2.dev20260603
libtpu: 0.0.44.dev20260713+nightly
codegen_flags: <defaults>
</compile_context>

<pallas_src>
import functools

import jax
import jax.numpy as jnp
from jax import lax
from jax.experimental import pallas as pl
from jax.experimental.pallas import tpu as pltpu
from jax.experimental.pallas import tpu_sc as plsc

N = 10000
E = 160000
D_IN = 767
H = 64
D_OUT = 10

NPAD = 10240
NC = 2
NS = 16
NW = NC * NS
CH = 128
KCH = 40
NBUF1 = 4
NBUF2 = 8
TROW = N // NS
EPAD = NW * KCH * CH
RPT = NPAD // NS



def _mm_body(x_ref, w_ref, y_ref):
    y_ref[...] = jnp.dot(x_ref[...], w_ref[...],
                         preferred_element_type=jnp.float32)


def _project_x(x, w1t):
    return pl.pallas_call(
        _mm_body,
        grid=(5,),
        in_specs=[
            pl.BlockSpec((2000, D_IN), lambda i: (i, 0)),
            pl.BlockSpec((D_IN, 2 * H), lambda i: (0, 0)),
        ],
        out_specs=pl.BlockSpec((2000, 2 * H), lambda i: (i, 0)),
        out_shape=jax.ShapeDtypeStruct((N, 2 * H), jnp.float32),
    )(x, w1t)


def _combine1_body(acc_ref, cnt_ref, y1_ref, b1_ref, w2_ref, b2_ref, y2_ref):
    s = acc_ref[:N, :H] + acc_ref[:N, H:]
    c = cnt_ref[0, :N] + cnt_ref[1, :N]
    inv = 1.0 / jnp.maximum(c, 1.0)
    h = jnp.maximum(s * inv[:, None] + b1_ref[...] + y1_ref[:, H:], 0.0)
    y2_ref[...] = jnp.dot(h, w2_ref[...],
                          preferred_element_type=jnp.float32) + b2_ref[...]


def _combine1(acc1, cnt, y1, b1r, w2t, b2r):
    return pl.pallas_call(
        _combine1_body,
        out_shape=jax.ShapeDtypeStruct((N, 128), jnp.float32),
    )(acc1, cnt, y1, b1r, w2t, b2r)


def _combine2_body(acc_ref, cnt_ref, y2_ref, out_ref):
    s = acc_ref[:N, :16] + acc_ref[:N, 16:32]
    c = cnt_ref[0, :N] + cnt_ref[1, :N]
    inv = 1.0 / jnp.maximum(c, 1.0)
    out = s * inv[:, None] + y2_ref[:, 16:32]
    out_ref[...] = out[:, :D_OUT]


def _combine2(acc2, cnt, y2):
    return pl.pallas_call(
        _combine2_body,
        out_shape=jax.ShapeDtypeStruct((N, D_OUT), jnp.float32),
    )(acc2, cnt, y2)



def _sc_agg1(p1, src3, dst3, z2d, z1d):
    mesh = plsc.VectorSubcoreMesh(core_axis_name="c", subcore_axis_name="s")

    @functools.partial(
        pl.kernel,
        mesh=mesh,
        compiler_params=pltpu.CompilerParams(use_tc_tiling_on_sc=False),
        out_type=[
            jax.ShapeDtypeStruct((NPAD, 2 * H), jnp.float32),
            jax.ShapeDtypeStruct((NC, NPAD), jnp.float32),
        ],
        scratch_types=[
            pltpu.VMEM((KCH, CH), jnp.int32),
            pltpu.VMEM((KCH, CH), jnp.int32),
            pltpu.VMEM((NBUF1, CH, H), jnp.float32),
            pltpu.VMEM((CH,), jnp.float32),
            pltpu.VMEM_SHARED((N, H), jnp.float32),
            pltpu.VMEM_SHARED((NPAD, H), jnp.float32),
            pltpu.VMEM_SHARED((NPAD,), jnp.float32),
            [pltpu.SemaphoreType.DMA] * NBUF1,
            [pltpu.SemaphoreType.DMA] * NBUF1,
            pltpu.SemaphoreType.DMA,
        ],
    )
    def k(p1_hbm, src_hbm, dst_hbm, z2d_hbm, z1d_hbm, acc_out, cnt_out,
          src_v, dst_v, rows_v, ones_v, tbl_sh, acc_sh, cnt_sh,
          sems, ssems, osem):
        c = lax.axis_index("c")
        s = lax.axis_index("s")
        wid = s * NC + c
        base = s * RPT

        pltpu.sync_copy(src_hbm.at[wid], src_v)
        pltpu.sync_copy(dst_hbm.at[wid], dst_v)
        pltpu.sync_copy(p1_hbm.at[pl.ds(s * TROW, TROW), pl.ds(0, H)],
                        tbl_sh.at[pl.ds(s * TROW, TROW)])
        pltpu.sync_copy(z2d_hbm, acc_sh.at[pl.ds(base, RPT)])
        pltpu.sync_copy(z1d_hbm, cnt_sh.at[pl.ds(base, RPT)])
        for kk in range(CH // 16):
            ones_v[pl.ds(16 * kk, 16)] = jnp.full((16,), 1.0, jnp.float32)
        plsc.subcore_barrier()

        for b in range(NBUF1 - 1):
            pltpu.async_copy(tbl_sh.at[src_v.at[b]], rows_v.at[b], sems[b])

        def body(g, carry):
            for b in range(NBUF1):
                j = g * NBUF1 + b
                pltpu.make_async_copy(
                    tbl_sh.at[src_v.at[j]], rows_v.at[b], sems[b]).wait()
                pltpu.async_copy(
                    rows_v.at[b], acc_sh.at[dst_v.at[j]], ssems[b], add=True)
                pltpu.async_copy(
                    ones_v, cnt_sh.at[dst_v.at[j]], osem, add=True)

                bn = (b + NBUF1 - 1) % NBUF1

                @pl.when(j + NBUF1 - 1 < KCH)
                def _():
                    @pl.when(j >= 1)
                    def _():
                        pltpu.make_async_copy(
                            rows_v.at[bn], acc_sh.at[dst_v.at[0]],
                            ssems[bn]).wait()

                    pltpu.async_copy(
                        tbl_sh.at[src_v.at[j + NBUF1 - 1]], rows_v.at[bn],
                        sems[bn])
            return carry

        lax.fori_loop(0, KCH // NBUF1, body, 0)

        for b in range(NBUF1):
            pltpu.make_async_copy(
                rows_v.at[b], acc_sh.at[dst_v.at[0]], ssems[b]).wait()

        def drain(j, carry):
            pltpu.make_async_copy(
                ones_v, cnt_sh.at[dst_v.at[0]], osem).wait()
            return carry

        lax.fori_loop(0, KCH, drain, 0)
        plsc.subcore_barrier()

        pltpu.sync_copy(
            acc_sh.at[pl.ds(base, RPT)],
            acc_out.at[pl.ds(base, RPT), pl.ds(c * H, H)])
        pltpu.sync_copy(cnt_sh.at[pl.ds(base, RPT)],
                        cnt_out.at[c].at[pl.ds(base, RPT)])

    return k(p1, src3, dst3, z2d, z1d)


def _sc_agg2(p2, src3, dst3, z2d):
    mesh = plsc.VectorSubcoreMesh(core_axis_name="c", subcore_axis_name="s")

    @functools.partial(
        pl.kernel,
        mesh=mesh,
        compiler_params=pltpu.CompilerParams(use_tc_tiling_on_sc=False),
        out_type=jax.ShapeDtypeStruct((NPAD, 128), jnp.float32),
        scratch_types=[
            pltpu.VMEM((KCH, CH), jnp.int32),
            pltpu.VMEM((KCH, CH), jnp.int32),
            pltpu.VMEM((NBUF2, CH, 16), jnp.float32),
            pltpu.VMEM_SHARED((N, 16), jnp.float32),
            pltpu.VMEM_SHARED((NPAD, 16), jnp.float32),
            [pltpu.SemaphoreType.DMA] * NBUF2,
            [pltpu.SemaphoreType.DMA] * NBUF2,
        ],
    )
    def k(p2_hbm, src_hbm, dst_hbm, z2d_hbm, acc_out,
          src_v, dst_v, rows_v, tbl_sh, acc_sh, sems, ssems):
        c = lax.axis_index("c")
        s = lax.axis_index("s")
        wid = s * NC + c
        base = s * RPT

        pltpu.sync_copy(src_hbm.at[wid], src_v)
        pltpu.sync_copy(dst_hbm.at[wid], dst_v)
        pltpu.sync_copy(
            p2_hbm.at[pl.ds(s * TROW, TROW), pl.ds(0, 16)],
            tbl_sh.at[pl.ds(s * TROW, TROW)])
        pltpu.sync_copy(z2d_hbm, acc_sh.at[pl.ds(base, RPT)])
        plsc.subcore_barrier()

        for b in range(NBUF2 - 1):
            pltpu.async_copy(tbl_sh.at[src_v.at[b]], rows_v.at[b], sems[b])

        def body(g, carry):
            for b in range(NBUF2):
                j = g * NBUF2 + b
                pltpu.make_async_copy(
                    tbl_sh.at[src_v.at[j]], rows_v.at[b], sems[b]).wait()
                pltpu.async_copy(
                    rows_v.at[b], acc_sh.at[dst_v.at[j]], ssems[b], add=True)

                bn = (b + NBUF2 - 1) % NBUF2

                @pl.when(j + NBUF2 - 1 < KCH)
                def _():
                    @pl.when(j >= 1)
                    def _():
                        pltpu.make_async_copy(
                            rows_v.at[bn], acc_sh.at[dst_v.at[0]],
                            ssems[bn]).wait()

                    pltpu.async_copy(
                        tbl_sh.at[src_v.at[j + NBUF2 - 1]], rows_v.at[bn],
                        sems[bn])
            return carry

        lax.fori_loop(0, KCH // NBUF2, body, 0)

        for b in range(NBUF2):
            pltpu.make_async_copy(
                rows_v.at[b], acc_sh.at[dst_v.at[0]], ssems[b]).wait()

        plsc.subcore_barrier()

        pltpu.sync_copy(acc_sh.at[pl.ds(base, RPT)],
                        acc_out.at[pl.ds(base, RPT), pl.ds(c * 16, 16)])

    return k(p2, src3, dst3, z2d)



def kernel(x, edge_index, W1_l, b1_l, W1_r, W2_l, b2_l, W2_r):
    f32 = jnp.float32
    w1t = jnp.concatenate([W1_l, W1_r], axis=0).T
    w2t = jnp.zeros((H, 128), f32)
    w2t = w2t.at[:, :D_OUT].set(W2_l.T).at[:, 16:16 + D_OUT].set(W2_r.T)
    b1r = b1_l.reshape(1, H)
    b2r = jnp.zeros((1, 128), f32).at[0, 16:16 + D_OUT].set(b2_l)

    src = edge_index[0]
    dst = edge_index[1]
    pad_e = EPAD - E
    pad_dst = N + (jnp.arange(pad_e, dtype=jnp.int32) % (NPAD - N))
    src3 = jnp.concatenate(
        [src, jnp.zeros((pad_e,), jnp.int32)]).reshape(NW, KCH, CH)
    dst3 = jnp.concatenate([dst, pad_dst]).reshape(NW, KCH, CH)

    z2d64 = jnp.zeros((RPT, H), f32)
    z2d16 = jnp.zeros((RPT, 16), f32)
    z1d = jnp.zeros((RPT,), f32)

    y1 = _project_x(x, w1t)
    acc1, cnt = _sc_agg1(y1, src3, dst3, z2d64, z1d)
    y2 = _combine1(acc1, cnt, y1, b1r, w2t, b2r)
    acc2 = _sc_agg2(y2, src3, dst3, z2d16)
    return _combine2(acc2, cnt, y2)

# --- scband reference (transcript-rebuilt; emitter-appended) ---
"""Pipeline reference for scband-graph-sage-20091857011051 (READ-ONLY COPY).

The authoritative reference and input builder live on the scoring server;
editing this copy changes nothing except your own understanding.
"""

import jax, jax.numpy as jnp
import numpy as np

N = 10000
E = 160000
D_IN = 767
H = 64
D_OUT = 10


def _sage_conv(x, src, dst, W_l, b_l, W_r, num_nodes):
    # PyG SAGEConv (aggr='mean'): out = lin_l(mean_j x_j) + lin_r(x)
    msg = jnp.take(x, src, axis=0)                       # gather: [E, d]
    agg = jax.ops.segment_sum(msg, dst, num_segments=num_nodes)
    cnt = jax.ops.segment_sum(jnp.ones((src.shape[0],), dtype=x.dtype), dst, num_segments=num_nodes)
    mean = agg / jnp.clip(cnt, 1.0, None)[:, None]
    return mean @ W_l.T + b_l + x @ W_r.T


def setup_inputs(seed: int = 0) -> dict:
    key = jax.random.key(seed)
    ks = jax.random.split(key, 9)
    x = jax.random.normal(ks[0], (N, D_IN), dtype=jnp.float32)
    edge_index = jax.random.randint(ks[1], (2, E), 0, N, dtype=jnp.int32)
    s1 = 1.0 / np.sqrt(D_IN)
    s2 = 1.0 / np.sqrt(H)
    W1_l = jax.random.uniform(ks[2], (H, D_IN), jnp.float32, -s1, s1)
    b1_l = jax.random.uniform(ks[3], (H,), jnp.float32, -s1, s1)
    W1_r = jax.random.uniform(ks[4], (H, D_IN), jnp.float32, -s1, s1)
    W2_l = jax.random.uniform(ks[5], (D_OUT, H), jnp.float32, -s2, s2)
    b2_l = jax.random.uniform(ks[6], (D_OUT,), jnp.float32, -s2, s2)
    W2_r = jax.random.uniform(ks[7], (D_OUT, H), jnp.float32, -s2, s2)
    return {"x": x, "edge_index": edge_index, "W1_l": W1_l, "b1_l": b1_l, "W1_r": W1_r,
            "W2_l": W2_l, "b2_l": b2_l, "W2_r": W2_r}


def reference(x, edge_index, W1_l, b1_l, W1_r, W2_l, b2_l, W2_r):
    src = edge_index[0]
    dst = edge_index[1]
    h = _sage_conv(x, src, dst, W1_l, b1_l, W1_r, N)
    h = jax.nn.relu(h)
    # dropout is identity in eval / deterministic reference
    out = _sage_conv(h, src, dst, W2_l, b2_l, W2_r, N)
    return out

if __name__ == "__main__":
    import jax
    _d = setup_inputs()
    print(jax.jit(kernel)(*tuple(_d.values())))

</pallas_src>

<mosaic_0001>
#map = affine_map<(d0, d1) -> (0, 0)>
#map1 = affine_map<(d0, d1) -> (0, 0, 0)>
module attributes {stable_mosaic.version = 14 : i64} {
  func.func @k(%arg0: i32, %arg1: i32, %arg2: memref<10000x128xf32, #tpu.memory_space<hbm>>, %arg3: memref<32x40x128xi32, #tpu.memory_space<hbm>>, %arg4: memref<32x40x128xi32, #tpu.memory_space<hbm>>, %arg5: memref<640x16xf32, #tpu.memory_space<hbm>>, %arg6: memref<10240x128xf32, #tpu.memory_space<hbm>>, %arg7: memref<40x128xi32, #tpu.memory_space<vmem>>, %arg8: memref<40x128xi32, #tpu.memory_space<vmem>>, %arg9: memref<8x128x16xf32, #tpu.memory_space<vmem>>, %arg10: memref<10000x16xf32, #tpu.memory_space<vmem_shared>>, %arg11: memref<10240x16xf32, #tpu.memory_space<vmem_shared>>, %arg12: memref<!tpu.dma_semaphore, #tpu.memory_space<semaphore_mem>>, %arg13: memref<!tpu.dma_semaphore, #tpu.memory_space<semaphore_mem>>, %arg14: memref<!tpu.dma_semaphore, #tpu.memory_space<semaphore_mem>>, %arg15: memref<!tpu.dma_semaphore, #tpu.memory_space<semaphore_mem>>, %arg16: memref<!tpu.dma_semaphore, #tpu.memory_space<semaphore_mem>>, %arg17: memref<!tpu.dma_semaphore, #tpu.memory_space<semaphore_mem>>, %arg18: memref<!tpu.dma_semaphore, #tpu.memory_space<semaphore_mem>>, %arg19: memref<!tpu.dma_semaphore, #tpu.memory_space<semaphore_mem>>, %arg20: memref<!tpu.dma_semaphore, #tpu.memory_space<semaphore_mem>>, %arg21: memref<!tpu.dma_semaphore, #tpu.memory_space<semaphore_mem>>, %arg22: memref<!tpu.dma_semaphore, #tpu.memory_space<semaphore_mem>>, %arg23: memref<!tpu.dma_semaphore, #tpu.memory_space<semaphore_mem>>, %arg24: memref<!tpu.dma_semaphore, #tpu.memory_space<semaphore_mem>>, %arg25: memref<!tpu.dma_semaphore, #tpu.memory_space<semaphore_mem>>, %arg26: memref<!tpu.dma_semaphore, #tpu.memory_space<semaphore_mem>>, %arg27: memref<!tpu.dma_semaphore, #tpu.memory_space<semaphore_mem>>) attributes {dimension_semantics = [#tpu.dimension_semantics<core_parallel>, #tpu.dimension_semantics<subcore_parallel>], iteration_bounds = array<i64: 2, 16>, scalar_prefetch = 0 : i64, scratch_operands = 21 : i64, tpu.core_type = #tpu.core_type<sc_vector_subcore>, window_params = [{transform_indices = #map}, {transform_indices = #map1}, {transform_indices = #map1}, {transform_indices = #map}, {transform_indices = #map}]} {
    %mul3A = arith.constant 2 : i32
    %mul3A_0 = arith.muli %arg1, %mul3A : i32
    %add3A = arith.addi %mul3A_0, %arg0 : i32
    %mul3A_1 = arith.constant 640 : i32
    %mul3A_2 = arith.muli %arg1, %mul3A_1 : i32
    "tpu.region"() ({
      %run_scoped3A = tpu.sem_alloc : memref<!tpu.dma_semaphore, #tpu.memory_space<semaphore_mem>>
      %dma_start3A_193 = arith.constant 0 : i32
      %dma_start3A_194 = arith.constant 0 : i32
      %dma_start3A_195 = tpu.memref_slice %arg3[%add3A, %dma_start3A_193, %dma_start3A_194] : memref<32x40x128xi32, #tpu.memory_space<hbm>> -> memref<1x40x128xi32, #tpu.memory_space<hbm>>
      %dma_start3A_196 = tpu.memref_squeeze %dma_start3A_195 : memref<1x40x128xi32, #tpu.memory_space<hbm>> -> memref<40x128xi32, #tpu.memory_space<hbm>>
      %dma_start3A_197 = arith.constant 0 : i32
      %dma_start3A_198 = arith.constant 0 : i32
      %dma_start3A_199 = tpu.memref_slice %arg3[%add3A, %dma_start3A_197, %dma_start3A_198] : memref<32x40x128xi32, #tpu.memory_space<hbm>> -> memref<1x40x128xi32, #tpu.memory_space<hbm>>
      %dma_start3A_200 = tpu.memref_squeeze %dma_start3A_199 : memref<1x40x128xi32, #tpu.memory_space<hbm>> -> memref<40x128xi32, #tpu.memory_space<hbm>>
      tpu.enqueue_dma source(%dma_start3A_200 : memref<40x128xi32, #tpu.memory_space<hbm>>) target(%arg7 : memref<40x128xi32, #tpu.memory_space<vmem>>) target_semaphore(%run_scoped3A : memref<!tpu.dma_semaphore, #tpu.memory_space<semaphore_mem>>)
      %dma_wait3A_201 = arith.constant 0 : i32
      %dma_wait3A_202 = arith.constant 0 : i32
      %dma_wait3A_203 = tpu.memref_slice %arg3[%add3A, %dma_wait3A_201, %dma_wait3A_202] : memref<32x40x128xi32, #tpu.memory_space<hbm>> -> memref<1x40x128xi32, #tpu.memory_space<hbm>>
      %dma_wait3A_204 = tpu.memref_squeeze %dma_wait3A_203 : memref<1x40x128xi32, #tpu.memory_space<hbm>> -> memref<40x128xi32, #tpu.memory_space<hbm>>
      %dma_wait3A_205 = arith.constant 0 : i32
      %dma_wait3A_206 = arith.constant 0 : i32
      %dma_wait3A_207 = tpu.memref_slice %arg3[%add3A, %dma_wait3A_205, %dma_wait3A_206] : memref<32x40x128xi32, #tpu.memory_space<hbm>> -> memref<1x40x128xi32, #tpu.memory_space<hbm>>
      %dma_wait3A_208 = tpu.memref_squeeze %dma_wait3A_207 : memref<1x40x128xi32, #tpu.memory_space<hbm>> -> memref<40x128xi32, #tpu.memory_space<hbm>>
      tpu.wait_dma2 semaphore(%run_scoped3A : memref<!tpu.dma_semaphore, #tpu.memory_space<semaphore_mem>>) src(%dma_wait3A_208 : memref<40x128xi32, #tpu.memory_space<hbm>>) dst(%arg7 : memref<40x128xi32, #tpu.memory_space<vmem>>)
      tpu.yield
    }) : () -> ()
    "tpu.region"() ({
      %run_scoped3A = tpu.sem_alloc : memref<!tpu.dma_semaphore, #tpu.memory_space<semaphore_mem>>
      %dma_start3A_193 = arith.constant 0 : i32
      %dma_start3A_194 = arith.constant 0 : i32
      %dma_start3A_195 = tpu.memref_slice %arg4[%add3A, %dma_start3A_193, %dma_start3A_194] : memref<32x40x128xi32, #tpu.memory_space<hbm>> -> memref<1x40x128xi32, #tpu.memory_space<hbm>>
      %dma_start3A_196 = tpu.memref_squeeze %dma_start3A_195 : memref<1x40x128xi32, #tpu.memory_space<hbm>> -> memref<40x128xi32, #tpu.memory_space<hbm>>
      %dma_start3A_197 = arith.constant 0 : i32
      %dma_start3A_198 = arith.constant 0 : i32
      %dma_start3A_199 = tpu.memref_slice %arg4[%add3A, %dma_start3A_197, %dma_start3A_198] : memref<32x40x128xi32, #tpu.memory_space<hbm>> -> memref<1x40x128xi32, #tpu.memory_space<hbm>>
      %dma_start3A_200 = tpu.memref_squeeze %dma_start3A_199 : memref<1x40x128xi32, #tpu.memory_space<hbm>> -> memref<40x128xi32, #tpu.memory_space<hbm>>
      tpu.enqueue_dma source(%dma_start3A_200 : memref<40x128xi32, #tpu.memory_space<hbm>>) target(%arg8 : memref<40x128xi32, #tpu.memory_space<vmem>>) target_semaphore(%run_scoped3A : memref<!tpu.dma_semaphore, #tpu.memory_space<semaphore_mem>>)
      %dma_wait3A_201 = arith.constant 0 : i32
      %dma_wait3A_202 = arith.constant 0 : i32
      %dma_wait3A_203 = tpu.memref_slice %arg4[%add3A, %dma_wait3A_201, %dma_wait3A_202] : memref<32x40x128xi32, #tpu.memory_space<hbm>> -> memref<1x40x128xi32, #tpu.memory_space<hbm>>
      %dma_wait3A_204 = tpu.memref_squeeze %dma_wait3A_203 : memref<1x40x128xi32, #tpu.memory_space<hbm>> -> memref<40x128xi32, #tpu.memory_space<hbm>>
      %dma_wait3A_205 = arith.constant 0 : i32
      %dma_wait3A_206 = arith.constant 0 : i32
      %dma_wait3A_207 = tpu.memref_slice %arg4[%add3A, %dma_wait3A_205, %dma_wait3A_206] : memref<32x40x128xi32, #tpu.memory_space<hbm>> -> memref<1x40x128xi32, #tpu.memory_space<hbm>>
      %dma_wait3A_208 = tpu.memref_squeeze %dma_wait3A_207 : memref<1x40x128xi32, #tpu.memory_space<hbm>> -> memref<40x128xi32, #tpu.memory_space<hbm>>
      tpu.wait_dma2 semaphore(%run_scoped3A : memref<!tpu.dma_semaphore, #tpu.memory_space<semaphore_mem>>) src(%dma_wait3A_208 : memref<40x128xi32, #tpu.memory_space<hbm>>) dst(%arg8 : memref<40x128xi32, #tpu.memory_space<vmem>>)
      tpu.yield
    }) : () -> ()
    %mul3A_3 = arith.constant 625 : i32
    %mul3A_4 = arith.muli %arg1, %mul3A_3 : i32
    %mul3A_5 = arith.constant 625 : i32
    %mul3A_6 = arith.muli %arg1, %mul3A_5 : i32
    "tpu.region"() ({
      %run_scoped3A = tpu.sem_alloc : memref<!tpu.dma_semaphore, #tpu.memory_space<semaphore_mem>>
      %dma_start3A_193 = arith.constant 0 : i32
      %dma_start3A_194 = tpu.memref_slice %arg10[%mul3A_6, %dma_start3A_193] : memref<10000x16xf32, #tpu.memory_space<vmem_shared>> -> memref<625x16xf32, #tpu.memory_space<vmem_shared>>
      %dma_start3A_195 = arith.constant 0 : i32
      %dma_start3A_196 = tpu.memref_slice %arg2[%mul3A_4, %dma_start3A_195] : memref<10000x128xf32, #tpu.memory_space<hbm>> -> memref<625x16xf32, #tpu.memory_space<hbm>>
      tpu.enqueue_dma source(%dma_start3A_196 : memref<625x16xf32, #tpu.memory_space<hbm>>) target(%dma_start3A_194 : memref<625x16xf32, #tpu.memory_space<vmem_shared>>) target_semaphore(%run_scoped3A : memref<!tpu.dma_semaphore, #tpu.memory_space<semaphore_mem>>)
      %dma_wait3A_197 = arith.constant 0 : i32
      %dma_wait3A_198 = tpu.memref_slice %arg10[%mul3A_6, %dma_wait3A_197] : memref<10000x16xf32, #tpu.memory_space<vmem_shared>> -> memref<625x16xf32, #tpu.memory_space<vmem_shared>>
      %dma_wait3A_199 = arith.constant 0 : i32
      %dma_wait3A_200 = tpu.memref_slice %arg2[%mul3A_4, %dma_wait3A_199] : memref<10000x128xf32, #tpu.memory_space<hbm>> -> memref<625x16xf32, #tpu.memory_space<hbm>>
      tpu.wait_dma2 semaphore(%run_scoped3A : memref<!tpu.dma_semaphore, #tpu.memory_space<semaphore_mem>>) src(%dma_wait3A_200 : memref<625x16xf32, #tpu.memory_space<hbm>>) dst(%dma_wait3A_198 : memref<625x16xf32, #tpu.memory_space<vmem_shared>>)
      tpu.yield
    }) : () -> ()
    "tpu.region"() ({
      %run_scoped3A = tpu.sem_alloc : memref<!tpu.dma_semaphore, #tpu.memory_space<semaphore_mem>>
      %dma_start3A_193 = arith.constant 0 : i32
      %dma_start3A_194 = tpu.memref_slice %arg11[%mul3A_2, %dma_start3A_193] : memref<10240x16xf32, #tpu.memory_space<vmem_shared>> -> memref<640x16xf32, #tpu.memory_space<vmem_shared>>
      tpu.enqueue_dma source(%arg5 : memref<640x16xf32, #tpu.memory_space<hbm>>) target(%dma_start3A_194 : memref<640x16xf32, #tpu.memory_space<vmem_shared>>) target_semaphore(%run_scoped3A : memref<!tpu.dma_semaphore, #tpu.memory_space<semaphore_mem>>)
      %dma_wait3A_195 = arith.constant 0 : i32
      %dma_wait3A_196 = tpu.memref_slice %arg11[%mul3A_2, %dma_wait3A_195] : memref<10240x16xf32, #tpu.memory_space<vmem_shared>> -> memref<640x16xf32, #tpu.memory_space<vmem_shared>>
      tpu.wait_dma2 semaphore(%run_scoped3A : memref<!tpu.dma_semaphore, #tpu.memory_space<semaphore_mem>>) src(%arg5 : memref<640x16xf32, #tpu.memory_space<hbm>>) dst(%dma_wait3A_196 : memref<640x16xf32, #tpu.memory_space<vmem_shared>>)
      tpu.yield
    }) : () -> ()
    %barrier3A = arith.constant 0 : index
    tpu.barrier barrier_id(%barrier3A)
    %dma_start3A = arith.constant 0 : i32
    %dma_start3A_7 = arith.constant 0 : i32
    %dma_start3A_8 = arith.constant 0 : i32
    %dma_start3A_9 = arith.constant 0 : i32
    %dma_start3A_10 = tpu.memref_slice %arg9[%dma_start3A_7, %dma_start3A_8, %dma_start3A_9] : memref<8x128x16xf32, #tpu.memory_space<vmem>> -> memref<1x128x16xf32, #tpu.memory_space<vmem>>
    %dma_start3A_11 = tpu.memref_squeeze %dma_start3A_10 : memref<1x128x16xf32, #tpu.memory_space<vmem>> -> memref<128x16xf32, #tpu.memory_space<vmem>>
    %dma_start3A_12 = arith.constant 0 : i32
    %dma_start3A_13 = tpu.memref_slice %arg7[%dma_start3A, %dma_start3A_12] : memref<40x128xi32, #tpu.memory_space<vmem>> -> memref<1x128xi32, #tpu.memory_space<vmem>>
    %dma_start3A_14 = tpu.memref_squeeze %dma_start3A_13 : memref<1x128xi32, #tpu.memory_space<vmem>> -> memref<128xi32, #tpu.memory_space<vmem>>
    %dma_start3A_15 = arith.constant 0 : i32
    %dma_start3A_16 = arith.constant 0 : i32
    %dma_start3A_17 = tpu.memref_slice %arg10[%dma_start3A_15, %dma_start3A_16] : memref<10000x16xf32, #tpu.memory_space<vmem_shared>> -> memref<10000x16xf32, #tpu.memory_space<vmem_shared>>
    tpu.enqueue_indirect_dma source(%dma_start3A_17 : memref<10000x16xf32, #tpu.memory_space<vmem_shared>>) target(%dma_start3A_11 : memref<128x16xf32, #tpu.memory_space<vmem>>) offsets(%dma_start3A_14 : memref<128xi32, #tpu.memory_space<vmem>>) semaphore(%arg12 : memref<!tpu.dma_semaphore, #tpu.memory_space<semaphore_mem>>)
    %dma_start3A_18 = arith.constant 1 : i32
    %dma_start3A_19 = arith.constant 1 : i32
    %dma_start3A_20 = arith.constant 0 : i32
    %dma_start3A_21 = arith.constant 0 : i32
    %dma_start3A_22 = tpu.memref_slice %arg9[%dma_start3A_19, %dma_start3A_20, %dma_start3A_21] : memref<8x128x16xf32, #tpu.memory_space<vmem>> -> memref<1x128x16xf32, #tpu.memory_space<vmem>>
    %dma_start3A_23 = tpu.memref_squeeze %dma_start3A_22 : memref<1x128x16xf32, #tpu.memory_space<vmem>> -> memref<128x16xf32, #tpu.memory_space<vmem>>
    %dma_start3A_24 = arith.constant 0 : i32
    %dma_start3A_25 = tpu.memref_slice %arg7[%dma_start3A_18, %dma_start3A_24] : memref<40x128xi32, #tpu.memory_space<vmem>> -> memref<1x128xi32, #tpu.memory_space<vmem>>
    %dma_start3A_26 = tpu.memref_squeeze %dma_start3A_25 : memref<1x128xi32, #tpu.memory_space<vmem>> -> memref<128xi32, #tpu.memory_space<vmem>>
    %dma_start3A_27 = arith.constant 0 : i32
    %dma_start3A_28 = arith.constant 0 : i32
    %dma_start3A_29 = tpu.memref_slice %arg10[%dma_start3A_27, %dma_start3A_28] : memref<10000x16xf32, #tpu.memory_space<vmem_shared>> -> memref<10000x16xf32, #tpu.memory_space<vmem_shared>>
    tpu.enqueue_indirect_dma source(%dma_start3A_29 : memref<10000x16xf32, #tpu.memory_space<vmem_shared>>) target(%dma_start3A_23 : memref<128x16xf32, #tpu.memory_space<vmem>>) offsets(%dma_start3A_26 : memref<128xi32, #tpu.memory_space<vmem>>) semaphore(%arg13 : memref<!tpu.dma_semaphore, #tpu.memory_space<semaphore_mem>>)
    %dma_start3A_30 = arith.constant 2 : i32
    %dma_start3A_31 = arith.constant 2 : i32
    %dma_start3A_32 = arith.constant 0 : i32
    %dma_start3A_33 = arith.constant 0 : i32
    %dma_start3A_34 = tpu.memref_slice %arg9[%dma_start3A_31, %dma_start3A_32, %dma_start3A_33] : memref<8x128x16xf32, #tpu.memory_space<vmem>> -> memref<1x128x16xf32, #tpu.memory_space<vmem>>
    %dma_start3A_35 = tpu.memref_squeeze %dma_start3A_34 : memref<1x128x16xf32, #tpu.memory_space<vmem>> -> memref<128x16xf32, #tpu.memory_space<vmem>>
    %dma_start3A_36 = arith.constant 0 : i32
    %dma_start3A_37 = tpu.memref_slice %arg7[%dma_start3A_30, %dma_start3A_36] : memref<40x128xi32, #tpu.memory_space<vmem>> -> memref<1x128xi32, #tpu.memory_space<vmem>>
    %dma_start3A_38 = tpu.memref_squeeze %dma_start3A_37 : memref<1x128xi32, #tpu.memory_space<vmem>> -> memref<128xi32, #tpu.memory_space<vmem>>
    %dma_start3A_39 = arith.constant 0 : i32
    %dma_start3A_40 = arith.constant 0 : i32
    %dma_start3A_41 = tpu.memref_slice %arg10[%dma_start3A_39, %dma_start3A_40] : memref<10000x16xf32, #tpu.memory_space<vmem_shared>> -> memref<10000x16xf32, #tpu.memory_space<vmem_shared>>
    tpu.enqueue_indirect_dma source(%dma_start3A_41 : memref<10000x16xf32, #tpu.memory_space<vmem_shared>>) target(%dma_start3A_35 : memref<128x16xf32, #tpu.memory_space<vmem>>) offsets(%dma_start3A_38 : memref<128xi32, #tpu.memory_space<vmem>>) semaphore(%arg14 : memref<!tpu.dma_semaphore, #tpu.memory_space<semaphore_mem>>)
    %dma_start3A_42 = arith.constant 3 : i32
    %dma_start3A_43 = arith.constant 3 : i32
    %dma_start3A_44 = arith.constant 0 : i32
    %dma_start3A_45 = arith.constant 0 : i32
    %dma_start3A_46 = tpu.memref_slice %arg9[%dma_start3A_43, %dma_start3A_44, %dma_start3A_45] : memref<8x128x16xf32, #tpu.memory_space<vmem>> -> memref<1x128x16xf32, #tpu.memory_space<vmem>>
    %dma_start3A_47 = tpu.memref_squeeze %dma_start3A_46 : memref<1x128x16xf32, #tpu.memory_space<vmem>> -> memref<128x16xf32, #tpu.memory_space<vmem>>
    %dma_start3A_48 = arith.constant 0 : i32
    %dma_start3A_49 = tpu.memref_slice %arg7[%dma_start3A_42, %dma_start3A_48] : memref<40x128xi32, #tpu.memory_space<vmem>> -> memref<1x128xi32, #tpu.memory_space<vmem>>
    %dma_start3A_50 = tpu.memref_squeeze %dma_start3A_49 : memref<1x128xi32, #tpu.memory_space<vmem>> -> memref<128xi32, #tpu.memory_space<vmem>>
    %dma_start3A_51 = arith.constant 0 : i32
    %dma_start3A_52 = arith.constant 0 : i32
    %dma_start3A_53 = tpu.memref_slice %arg10[%dma_start3A_51, %dma_start3A_52] : memref<10000x16xf32, #tpu.memory_space<vmem_shared>> -> memref<10000x16xf32, #tpu.memory_space<vmem_shared>>
    tpu.enqueue_indirect_dma source(%dma_start3A_53 : memref<10000x16xf32, #tpu.memory_space<vmem_shared>>) target(%dma_start3A_47 : memref<128x16xf32, #tpu.memory_space<vmem>>) offsets(%dma_start3A_50 : memref<128xi32, #tpu.memory_space<vmem>>) semaphore(%arg15 : memref<!tpu.dma_semaphore, #tpu.memory_space<semaphore_mem>>)
    %dma_start3A_54 = arith.constant 4 : i32
    %dma_start3A_55 = arith.constant 4 : i32
    %dma_start3A_56 = arith.constant 0 : i32
    %dma_start3A_57 = arith.constant 0 : i32
    %dma_start3A_58 = tpu.memref_slice %arg9[%dma_start3A_55, %dma_start3A_56, %dma_start3A_57] : memref<8x128x16xf32, #tpu.memory_space<vmem>> -> memref<1x128x16xf32, #tpu.memory_space<vmem>>
    %dma_start3A_59 = tpu.memref_squeeze %dma_start3A_58 : memref<1x128x16xf32, #tpu.memory_space<vmem>> -> memref<128x16xf32, #tpu.memory_space<vmem>>
    %dma_start3A_60 = arith.constant 0 : i32
    %dma_start3A_61 = tpu.memref_slice %arg7[%dma_start3A_54, %dma_start3A_60] : memref<40x128xi32, #tpu.memory_space<vmem>> -> memref<1x128xi32, #tpu.memory_space<vmem>>
    %dma_start3A_62 = tpu.memref_squeeze %dma_start3A_61 : memref<1x128xi32, #tpu.memory_space<vmem>> -> memref<128xi32, #tpu.memory_space<vmem>>
    %dma_start3A_63 = arith.constant 0 : i32
    %dma_start3A_64 = arith.constant 0 : i32
    %dma_start3A_65 = tpu.memref_slice %arg10[%dma_start3A_63, %dma_start3A_64] : memref<10000x16xf32, #tpu.memory_space<vmem_shared>> -> memref<10000x16xf32, #tpu.memory_space<vmem_shared>>
    tpu.enqueue_indirect_dma source(%dma_start3A_65 : memref<10000x16xf32, #tpu.memory_space<vmem_shared>>) target(%dma_start3A_59 : memref<128x16xf32, #tpu.memory_space<vmem>>) offsets(%dma_start3A_62 : memref<128xi32, #tpu.memory_space<vmem>>) semaphore(%arg16 : memref<!tpu.dma_semaphore, #tpu.memory_space<semaphore_mem>>)
    %dma_start3A_66 = arith.constant 5 : i32
    %dma_start3A_67 = arith.constant 5 : i32
    %dma_start3A_68 = arith.constant 0 : i32
    %dma_start3A_69 = arith.constant 0 : i32
    %dma_start3A_70 = tpu.memref_slice %arg9[%dma_start3A_67, %dma_start3A_68, %dma_start3A_69] : memref<8x128x16xf32, #tpu.memory_space<vmem>> -> memref<1x128x16xf32, #tpu.memory_space<vmem>>
    %dma_start3A_71 = tpu.memref_squeeze %dma_start3A_70 : memref<1x128x16xf32, #tpu.memory_space<vmem>> -> memref<128x16xf32, #tpu.memory_space<vmem>>
    %dma_start3A_72 = arith.constant 0 : i32
    %dma_start3A_73 = tpu.memref_slice %arg7[%dma_start3A_66, %dma_start3A_72] : memref<40x128xi32, #tpu.memory_space<vmem>> -> memref<1x128xi32, #tpu.memory_space<vmem>>
    %dma_start3A_74 = tpu.memref_squeeze %dma_start3A_73 : memref<1x128xi32, #tpu.memory_space<vmem>> -> memref<128xi32, #tpu.memory_space<vmem>>
    %dma_start3A_75 = arith.constant 0 : i32
    %dma_start3A_76 = arith.constant 0 : i32
    %dma_start3A_77 = tpu.memref_slice %arg10[%dma_start3A_75, %dma_start3A_76] : memref<10000x16xf32, #tpu.memory_space<vmem_shared>> -> memref<10000x16xf32, #tpu.memory_space<vmem_shared>>
    tpu.enqueue_indirect_dma source(%dma_start3A_77 : memref<10000x16xf32, #tpu.memory_space<vmem_shared>>) target(%dma_start3A_71 : memref<128x16xf32, #tpu.memory_space<vmem>>) offsets(%dma_start3A_74 : memref<128xi32, #tpu.memory_space<vmem>>) semaphore(%arg17 : memref<!tpu.dma_semaphore, #tpu.memory_space<semaphore_mem>>)
    %dma_start3A_78 = arith.constant 6 : i32
    %dma_start3A_79 = arith.constant 6 : i32
    %dma_start3A_80 = arith.constant 0 : i32
    %dma_start3A_81 = arith.constant 0 : i32
    %dma_start3A_82 = tpu.memref_slice %arg9[%dma_start3A_79, %dma_start3A_80, %dma_start3A_81] : memref<8x128x16xf32, #tpu.memory_space<vmem>> -> memref<1x128x16xf32, #tpu.memory_space<vmem>>
    %dma_start3A_83 = tpu.memref_squeeze %dma_start3A_82 : memref<1x128x16xf32, #tpu.memory_space<vmem>> -> memref<128x16xf32, #tpu.memory_space<vmem>>
    %dma_start3A_84 = arith.constant 0 : i32
    %dma_start3A_85 = tpu.memref_slice %arg7[%dma_start3A_78, %dma_start3A_84] : memref<40x128xi32, #tpu.memory_space<vmem>> -> memref<1x128xi32, #tpu.memory_space<vmem>>
    %dma_start3A_86 = tpu.memref_squeeze %dma_start3A_85 : memref<1x128xi32, #tpu.memory_space<vmem>> -> memref<128xi32, #tpu.memory_space<vmem>>
    %dma_start3A_87 = arith.constant 0 : i32
    %dma_start3A_88 = arith.constant 0 : i32
    %dma_start3A_89 = tpu.memref_slice %arg10[%dma_start3A_87, %dma_start3A_88] : memref<10000x16xf32, #tpu.memory_space<vmem_shared>> -> memref<10000x16xf32, #tpu.memory_space<vmem_shared>>
    tpu.enqueue_indirect_dma source(%dma_start3A_89 : memref<10000x16xf32, #tpu.memory_space<vmem_shared>>) target(%dma_start3A_83 : memref<128x16xf32, #tpu.memory_space<vmem>>) offsets(%dma_start3A_86 : memref<128xi32, #tpu.memory_space<vmem>>) semaphore(%arg18 : memref<!tpu.dma_semaphore, #tpu.memory_space<semaphore_mem>>)
    %scan3A = arith.constant 0 : i32
    %scan3A_90 = arith.constant 0 : i32
    %scan3A_91 = arith.constant 5 : i32
    %scan3A_92 = arith.addi %scan3A_90, %scan3A_91 : i32
    %scan3A_93 = arith.constant 1 : i32
    scf.for %scan3A_193 = %scan3A_90 to %scan3A_92 step %scan3A_93  : i32 {
      %mul3A_194 = arith.constant 8 : i32
      %mul3A_195 = arith.muli %scan3A_193, %mul3A_194 : i32
      %add3A_196 = arith.constant 0 : i32
      %add3A_197 = arith.addi %mul3A_195, %add3A_196 : i32
      %dma_wait3A_198 = arith.constant 0 : i32
      %dma_wait3A_199 = arith.constant 0 : i32
      %dma_wait3A_200 = arith.constant 0 : i32
      %dma_wait3A_201 = tpu.memref_slice %arg9[%dma_wait3A_198, %dma_wait3A_199, %dma_wait3A_200] : memref<8x128x16xf32, #tpu.memory_space<vmem>> -> memref<1x128x16xf32, #tpu.memory_space<vmem>>
      %dma_wait3A_202 = tpu.memref_squeeze %dma_wait3A_201 : memref<1x128x16xf32, #tpu.memory_space<vmem>> -> memref<128x16xf32, #tpu.memory_space<vmem>>
      %dma_wait3A_203 = arith.constant 0 : i32
      %dma_wait3A_204 = tpu.memref_slice %arg7[%add3A_197, %dma_wait3A_203] : memref<40x128xi32, #tpu.memory_space<vmem>> -> memref<1x128xi32, #tpu.memory_space<vmem>>
      %dma_wait3A_205 = tpu.memref_squeeze %dma_wait3A_204 : memref<1x128xi32, #tpu.memory_space<vmem>> -> memref<128xi32, #tpu.memory_space<vmem>>
      %dma_wait3A_206 = arith.constant 0 : i32
      %dma_wait3A_207 = arith.constant 0 : i32
      %dma_wait3A_208 = tpu.memref_slice %arg10[%dma_wait3A_206, %dma_wait3A_207] : memref<10000x16xf32, #tpu.memory_space<vmem_shared>> -> memref<10000x16xf32, #tpu.memory_space<vmem_shared>>
      tpu.wait_indirect_dma semaphore(%arg12 : memref<!tpu.dma_semaphore, #tpu.memory_space<semaphore_mem>>) src(%dma_wait3A_208 : memref<10000x16xf32, #tpu.memory_space<vmem_shared>>) dst(%dma_wait3A_202 : memref<128x16xf32, #tpu.memory_space<vmem>>)
      %dma_start3A_209 = arith.constant 0 : i32
      %dma_start3A_210 = arith.constant 0 : i32
      %dma_start3A_211 = arith.constant 0 : i32
      %dma_start3A_212 = tpu.memref_slice %arg9[%dma_start3A_209, %dma_start3A_210, %dma_start3A_211] : memref<8x128x16xf32, #tpu.memory_space<vmem>> -> memref<1x128x16xf32, #tpu.memory_space<vmem>>
      %dma_start3A_213 = tpu.memref_squeeze %dma_start3A_212 : memref<1x128x16xf32, #tpu.memory_space<vmem>> -> memref<128x16xf32, #tpu.memory_space<vmem>>
      %dma_start3A_214 = arith.constant 0 : i32
      %dma_start3A_215 = tpu.memref_slice %arg8[%add3A_197, %dma_start3A_214] : memref<40x128xi32, #tpu.memory_space<vmem>> -> memref<1x128xi32, #tpu.memory_space<vmem>>
      %dma_start3A_216 = tpu.memref_squeeze %dma_start3A_215 : memref<1x128xi32, #tpu.memory_space<vmem>> -> memref<128xi32, #tpu.memory_space<vmem>>
      %dma_start3A_217 = arith.constant 0 : i32
      %dma_start3A_218 = arith.constant 0 : i32
      %dma_start3A_219 = tpu.memref_slice %arg11[%dma_start3A_217, %dma_start3A_218] : memref<10240x16xf32, #tpu.memory_space<vmem_shared>> -> memref<10240x16xf32, #tpu.memory_space<vmem_shared>>
      tpu.enqueue_indirect_dma source(%dma_start3A_213 : memref<128x16xf32, #tpu.memory_space<vmem>>) target(%dma_start3A_219 : memref<10240x16xf32, #tpu.memory_space<vmem_shared>>) offsets(%dma_start3A_216 : memref<128xi32, #tpu.memory_space<vmem>>) semaphore(%arg20 : memref<!tpu.dma_semaphore, #tpu.memory_space<semaphore_mem>>) {add = true}
      %add3A_220 = arith.constant 8 : i32
      %add3A_221 = arith.addi %add3A_197, %add3A_220 : i32
      %sub3A = arith.constant 1 : i32
      %sub3A_222 = arith.subi %add3A_221, %sub3A : i32
      %lt3A = arith.constant 40 : i32
      %lt3A_223 = arith.cmpi slt, %sub3A_222, %lt3A : i32
      %convert_element_type3A = arith.extui %lt3A_223 : i1 to i32
      %cond3A = arith.constant 0 : i32
      %cond3A_224 = arith.cmpi ne, %convert_element_type3A, %cond3A : i32
      scf.if %cond3A_224 {
        %ge3A = arith.constant 1 : i32
        %ge3A_470 = arith.cmpi sge, %add3A_197, %ge3A : i32
        %convert_element_type3A_471 = arith.extui %ge3A_470 : i1 to i32
        %cond3A_472 = arith.constant 0 : i32
        %cond3A_473 = arith.cmpi ne, %convert_element_type3A_471, %cond3A_472 : i32
        scf.if %cond3A_473 {
          %dma_wait3A_489 = arith.constant 7 : i32
          %dma_wait3A_490 = arith.constant 0 : i32
          %dma_wait3A_491 = arith.constant 0 : i32
          %dma_wait3A_492 = arith.constant 0 : i32
          %dma_wait3A_493 = tpu.memref_slice %arg9[%dma_wait3A_489, %dma_wait3A_491, %dma_wait3A_492] : memref<8x128x16xf32, #tpu.memory_space<vmem>> -> memref<1x128x16xf32, #tpu.memory_space<vmem>>
          %dma_wait3A_494 = tpu.memref_squeeze %dma_wait3A_493 : memref<1x128x16xf32, #tpu.memory_space<vmem>> -> memref<128x16xf32, #tpu.memory_space<vmem>>
          %dma_wait3A_495 = arith.constant 0 : i32
          %dma_wait3A_496 = tpu.memref_slice %arg8[%dma_wait3A_490, %dma_wait3A_495] : memref<40x128xi32, #tpu.memory_space<vmem>> -> memref<1x128xi32, #tpu.memory_space<vmem>>
          %dma_wait3A_497 = tpu.memref_squeeze %dma_wait3A_496 : memref<1x128xi32, #tpu.memory_space<vmem>> -> memref<128xi32, #tpu.memory_space<vmem>>
          %dma_wait3A_498 = arith.constant 0 : i32
          %dma_wait3A_499 = arith.constant 0 : i32
          %dma_wait3A_500 = tpu.memref_slice %arg11[%dma_wait3A_498, %dma_wait3A_499] : memref<10240x16xf32, #tpu.memory_space<vmem_shared>> -> memref<10240x16xf32, #tpu.memory_space<vmem_shared>>
          tpu.wait_indirect_dma semaphore(%arg27 : memref<!tpu.dma_semaphore, #tpu.memory_space<semaphore_mem>>) src(%dma_wait3A_494 : memref<128x16xf32, #tpu.memory_space<vmem>>) dst(%dma_wait3A_500 : memref<10240x16xf32, #tpu.memory_space<vmem_shared>>)
        } else {
        }
        %add3A_474 = arith.constant 8 : i32
        %add3A_475 = arith.addi %add3A_197, %add3A_474 : i32
        %sub3A_476 = arith.constant 1 : i32
        %sub3A_477 = arith.subi %add3A_475, %sub3A_476 : i32
        %dma_start3A_478 = arith.constant 7 : i32
        %dma_start3A_479 = arith.constant 0 : i32
        %dma_start3A_480 = arith.constant 0 : i32
        %dma_start3A_481 = tpu.memref_slice %arg9[%dma_start3A_478, %dma_start3A_479, %dma_start3A_480] : memref<8x128x16xf32, #tpu.memory_space<vmem>> -> memref<1x128x16xf32, #tpu.memory_space<vmem>>
        %dma_start3A_482 = tpu.memref_squeeze %dma_start3A_481 : memref<1x128x16xf32, #tpu.memory_space<vmem>> -> memref<128x16xf32, #tpu.memory_space<vmem>>
        %dma_start3A_483 = arith.constant 0 : i32
        %dma_start3A_484 = tpu.memref_slice %arg7[%sub3A_477, %dma_start3A_483] : memref<40x128xi32, #tpu.memory_space<vmem>> -> memref<1x128xi32, #tpu.memory_space<vmem>>
        %dma_start3A_485 = tpu.memref_squeeze %dma_start3A_484 : memref<1x128xi32, #tpu.memory_space<vmem>> -> memref<128xi32, #tpu.memory_space<vmem>>
        %dma_start3A_486 = arith.constant 0 : i32
        %dma_start3A_487 = arith.constant 0 : i32
        %dma_start3A_488 = tpu.memref_slice %arg10[%dma_start3A_486, %dma_start3A_487] : memref<10000x16xf32, #tpu.memory_space<vmem_shared>> -> memref<10000x16xf32, #tpu.memory_space<vmem_shared>>
        tpu.enqueue_indirect_dma source(%dma_start3A_488 : memref<10000x16xf32, #tpu.memory_space<vmem_shared>>) target(%dma_start3A_482 : memref<128x16xf32, #tpu.memory_space<vmem>>) offsets(%dma_start3A_485 : memref<128xi32, #tpu.memory_space<vmem>>) semaphore(%arg19 : memref<!tpu.dma_semaphore, #tpu.memory_space<semaphore_mem>>)
      } else {
      }
      %mul3A_225 = arith.constant 8 : i32
      %mul3A_226 = arith.muli %scan3A_193, %mul3A_225 : i32
      %add3A_227 = arith.constant 1 : i32
      %add3A_228 = arith.addi %mul3A_226, %add3A_227 : i32
      %dma_wait3A_229 = arith.constant 1 : i32
      %dma_wait3A_230 = arith.constant 0 : i32
      %dma_wait3A_231 = arith.constant 0 : i32
      %dma_wait3A_232 = tpu.memref_slice %arg9[%dma_wait3A_229, %dma_wait3A_230, %dma_wait3A_231] : memref<8x128x16xf32, #tpu.memory_space<vmem>> -> memref<1x128x16xf32, #tpu.memory_space<vmem>>
      %dma_wait3A_233 = tpu.memref_squeeze %dma_wait3A_232 : memref<1x128x16xf32, #tpu.memory_space<vmem>> -> memref<128x16xf32, #tpu.memory_space<vmem>>
      %dma_wait3A_234 = arith.constant 0 : i32
      %dma_wait3A_235 = tpu.memref_slice %arg7[%add3A_228, %dma_wait3A_234] : memref<40x128xi32, #tpu.memory_space<vmem>> -> memref<1x128xi32, #tpu.memory_space<vmem>>
      %dma_wait3A_236 = tpu.memref_squeeze %dma_wait3A_235 : memref<1x128xi32, #tpu.memory_space<vmem>> -> memref<128xi32, #tpu.memory_space<vmem>>
      %dma_wait3A_237 = arith.constant 0 : i32
      %dma_wait3A_238 = arith.constant 0 : i32
      %dma_wait3A_239 = tpu.memref_slice %arg10[%dma_wait3A_237, %dma_wait3A_238] : memref<10000x16xf32, #tpu.memory_space<vmem_shared>> -> memref<10000x16xf32, #tpu.memory_space<vmem_shared>>
      tpu.wait_indirect_dma semaphore(%arg13 : memref<!tpu.dma_semaphore, #tpu.memory_space<semaphore_mem>>) src(%dma_wait3A_239 : memref<10000x16xf32, #tpu.memory_space<vmem_shared>>) dst(%dma_wait3A_233 : memref<128x16xf32, #tpu.memory_space<vmem>>)
      %dma_start3A_240 = arith.constant 1 : i32
      %dma_start3A_241 = arith.constant 0 : i32
      %dma_start3A_242 = arith.constant 0 : i32
      %dma_start3A_243 = tpu.memref_slice %arg9[%dma_start3A_240, %dma_start3A_241, %dma_start3A_242] : memref<8x128x16xf32, #tpu.memory_space<vmem>> -> memref<1x128x16xf32, #tpu.memory_space<vmem>>
      %dma_start3A_244 = tpu.memref_squeeze %dma_start3A_243 : memref<1x128x16xf32, #tpu.memory_space<vmem>> -> memref<128x16xf32, #tpu.memory_space<vmem>>
      %dma_start3A_245 = arith.constant 0 : i32
      %dma_start3A_246 = tpu.memref_slice %arg8[%add3A_228, %dma_start3A_245] : memref<40x128xi32, #tpu.memory_space<vmem>> -> memref<1x128xi32, #tpu.memory_space<vmem>>
      %dma_start3A_247 = tpu.memref_squeeze %dma_start3A_246 : memref<1x128xi32, #tpu.memory_space<vmem>> -> memref<128xi32, #tpu.memory_space<vmem>>
      %dma_start3A_248 = arith.constant 0 : i32
      %dma_start3A_249 = arith.constant 0 : i32
      %dma_start3A_250 = tpu.memref_slice %arg11[%dma_start3A_248, %dma_start3A_249] : memref<10240x16xf32, #tpu.memory_space<vmem_shared>> -> memref<10240x16xf32, #tpu.memory_space<vmem_shared>>
      tpu.enqueue_indirect_dma source(%dma_start3A_244 : memref<128x16xf32, #tpu.memory_space<vmem>>) target(%dma_start3A_250 : memref<10240x16xf32, #tpu.memory_space<vmem_shared>>) offsets(%dma_start3A_247 : memref<128xi32, #tpu.memory_space<vmem>>) semaphore(%arg21 : memref<!tpu.dma_semaphore, #tpu.memory_space<semaphore_mem>>) {add = true}
      %add3A_251 = arith.constant 8 : i32
      %add3A_252 = arith.addi %add3A_228, %add3A_251 : i32
      %sub3A_253 = arith.constant 1 : i32
      %sub3A_254 = arith.subi %add3A_252, %sub3A_253 : i32
      %lt3A_255 = arith.constant 40 : i32
      %lt3A_256 = arith.cmpi slt, %sub3A_254, %lt3A_255 : i32
      %convert_element_type3A_257 = arith.extui %lt3A_256 : i1 to i32
      %cond3A_258 = arith.constant 0 : i32
      %cond3A_259 = arith.cmpi ne, %convert_element_type3A_257, %cond3A_258 : i32
      scf.if %cond3A_259 {
        %ge3A = arith.constant 1 : i32
        %ge3A_470 = arith.cmpi sge, %add3A_228, %ge3A : i32
        %convert_element_type3A_471 = arith.extui %ge3A_470 : i1 to i32
        %cond3A_472 = arith.constant 0 : i32
        %cond3A_473 = arith.cmpi ne, %convert_element_type3A_471, %cond3A_472 : i32
        scf.if %cond3A_473 {
          %dma_wait3A_489 = arith.constant 0 : i32
          %dma_wait3A_490 = arith.constant 0 : i32
          %dma_wait3A_491 = arith.constant 0 : i32
          %dma_wait3A_492 = arith.constant 0 : i32
          %dma_wait3A_493 = tpu.memref_slice %arg9[%dma_wait3A_489, %dma_wait3A_491, %dma_wait3A_492] : memref<8x128x16xf32, #tpu.memory_space<vmem>> -> memref<1x128x16xf32, #tpu.memory_space<vmem>>
          %dma_wait3A_494 = tpu.memref_squeeze %dma_wait3A_493 : memref<1x128x16xf32, #tpu.memory_space<vmem>> -> memref<128x16xf32, #tpu.memory_space<vmem>>
          %dma_wait3A_495 = arith.constant 0 : i32
          %dma_wait3A_496 = tpu.memref_slice %arg8[%dma_wait3A_490, %dma_wait3A_495] : memref<40x128xi32, #tpu.memory_space<vmem>> -> memref<1x128xi32, #tpu.memory_space<vmem>>
          %dma_wait3A_497 = tpu.memref_squeeze %dma_wait3A_496 : memref<1x128xi32, #tpu.memory_space<vmem>> -> memref<128xi32, #tpu.memory_space<vmem>>
          %dma_wait3A_498 = arith.constant 0 : i32
          %dma_wait3A_499 = arith.constant 0 : i32
          %dma_wait3A_500 = tpu.memref_slice %arg11[%dma_wait3A_498, %dma_wait3A_499] : memref<10240x16xf32, #tpu.memory_space<vmem_shared>> -> memref<10240x16xf32, #tpu.memory_space<vmem_shared>>
          tpu.wait_indirect_dma semaphore(%arg20 : memref<!tpu.dma_semaphore, #tpu.memory_space<semaphore_mem>>) src(%dma_wait3A_494 : memref<128x16xf32, #tpu.memory_space<vmem>>) dst(%dma_wait3A_500 : memref<10240x16xf32, #tpu.memory_space<vmem_shared>>)
        } else {
        }
        %add3A_474 = arith.constant 8 : i32
        %add3A_475 = arith.addi %add3A_228, %add3A_474 : i32
        %sub3A_476 = arith.constant 1 : i32
        %sub3A_477 = arith.subi %add3A_475, %sub3A_476 : i32
        %dma_start3A_478 = arith.constant 0 : i32
        %dma_start3A_479 = arith.constant 0 : i32
        %dma_start3A_480 = arith.constant 0 : i32
        %dma_start3A_481 = tpu.memref_slice %arg9[%dma_start3A_478, %dma_start3A_479, %dma_start3A_480] : memref<8x128x16xf32, #tpu.memory_space<vmem>> -> memref<1x128x16xf32, #tpu.memory_space<vmem>>
        %dma_start3A_482 = tpu.memref_squeeze %dma_start3A_481 : memref<1x128x16xf32, #tpu.memory_space<vmem>> -> memref<128x16xf32, #tpu.memory_space<vmem>>
        %dma_start3A_483 = arith.constant 0 : i32
        %dma_start3A_484 = tpu.memref_slice %arg7[%sub3A_477, %dma_start3A_483] : memref<40x128xi32, #tpu.memory_space<vmem>> -> memref<1x128xi32, #tpu.memory_space<vmem>>
        %dma_start3A_485 = tpu.memref_squeeze %dma_start3A_484 : memref<1x128xi32, #tpu.memory_space<vmem>> -> memref<128xi32, #tpu.memory_space<vmem>>
        %dma_start3A_486 = arith.constant 0 : i32
        %dma_start3A_487 = arith.constant 0 : i32
        %dma_start3A_488 = tpu.memref_slice %arg10[%dma_start3A_486, %dma_start3A_487] : memref<10000x16xf32, #tpu.memory_space<vmem_shared>> -> memref<10000x16xf32, #tpu.memory_space<vmem_shared>>
        tpu.enqueue_indirect_dma source(%dma_start3A_488 : memref<10000x16xf32, #tpu.memory_space<vmem_shared>>) target(%dma_start3A_482 : memref<128x16xf32, #tpu.memory_space<vmem>>) offsets(%dma_start3A_485 : memref<128xi32, #tpu.memory_space<vmem>>) semaphore(%arg12 : memref<!tpu.dma_semaphore, #tpu.memory_space<semaphore_mem>>)
      } else {
      }
      %mul3A_260 = arith.constant 8 : i32
      %mul3A_261 = arith.muli %scan3A_193, %mul3A_260 : i32
      %add3A_262 = arith.constant 2 : i32
      %add3A_263 = arith.addi %mul3A_261, %add3A_262 : i32
      %dma_wait3A_264 = arith.constant 2 : i32
      %dma_wait3A_265 = arith.constant 0 : i32
      %dma_wait3A_266 = arith.constant 0 : i32
      %dma_wait3A_267 = tpu.memref_slice %arg9[%dma_wait3A_264, %dma_wait3A_265, %dma_wait3A_266] : memref<8x128x16xf32, #tpu.memory_space<vmem>> -> memref<1x128x16xf32, #tpu.memory_space<vmem>>
      %dma_wait3A_268 = tpu.memref_squeeze %dma_wait3A_267 : memref<1x128x16xf32, #tpu.memory_space<vmem>> -> memref<128x16xf32, #tpu.memory_space<vmem>>
      %dma_wait3A_269 = arith.constant 0 : i32
      %dma_wait3A_270 = tpu.memref_slice %arg7[%add3A_263, %dma_wait3A_269] : memref<40x128xi32, #tpu.memory_space<vmem>> -> memref<1x128xi32, #tpu.memory_space<vmem>>
      %dma_wait3A_271 = tpu.memref_squeeze %dma_wait3A_270 : memref<1x128xi32, #tpu.memory_space<vmem>> -> memref<128xi32, #tpu.memory_space<vmem>>
      %dma_wait3A_272 = arith.constant 0 : i32
      %dma_wait3A_273 = arith.constant 0 : i32
      %dma_wait3A_274 = tpu.memref_slice %arg10[%dma_wait3A_272, %dma_wait3A_273] : memref<10000x16xf32, #tpu.memory_space<vmem_shared>> -> memref<10000x16xf32, #tpu.memory_space<vmem_shared>>
      tpu.wait_indirect_dma semaphore(%arg14 : memref<!tpu.dma_semaphore, #tpu.memory_space<semaphore_mem>>) src(%dma_wait3A_274 : memref<10000x16xf32, #tpu.memory_space<vmem_shared>>) dst(%dma_wait3A_268 : memref<128x16xf32, #tpu.memory_space<vmem>>)
      %dma_start3A_275 = arith.constant 2 : i32
      %dma_start3A_276 = arith.constant 0 : i32
      %dma_start3A_277 = arith.constant 0 : i32
      %dma_start3A_278 = tpu.memref_slice %arg9[%dma_start3A_275, %dma_start3A_276, %dma_start3A_277] : memref<8x128x16xf32, #tpu.memory_space<vmem>> -> memref<1x128x16xf32, #tpu.memory_space<vmem>>
      %dma_start3A_279 = tpu.memref_squeeze %dma_start3A_278 : memref<1x128x16xf32, #tpu.memory_space<vmem>> -> memref<128x16xf32, #tpu.memory_space<vmem>>
      %dma_start3A_280 = arith.constant 0 : i32
      %dma_start3A_281 = tpu.memref_slice %arg8[%add3A_263, %dma_start3A_280] : memref<40x128xi32, #tpu.memory_space<vmem>> -> memref<1x128xi32, #tpu.memory_space<vmem>>
      %dma_start3A_282 = tpu.memref_squeeze %dma_start3A_281 : memref<1x128xi32, #tpu.memory_space<vmem>> -> memref<128xi32, #tpu.memory_space<vmem>>
      %dma_start3A_283 = arith.constant 0 : i32
      %dma_start3A_284 = arith.constant 0 : i32
      %dma_start3A_285 = tpu.memref_slice %arg11[%dma_start3A_283, %dma_start3A_284] : memref<10240x16xf32, #tpu.memory_space<vmem_shared>> -> memref<10240x16xf32, #tpu.memory_space<vmem_shared>>
      tpu.enqueue_indirect_dma source(%dma_start3A_279 : memref<128x16xf32, #tpu.memory_space<vmem>>) target(%dma_start3A_285 : memref<10240x16xf32, #tpu.memory_space<vmem_shared>>) offsets(%dma_start3A_282 : memref<128xi32, #tpu.memory_space<vmem>>) semaphore(%arg22 : memref<!tpu.dma_semaphore, #tpu.memory_space<semaphore_mem>>) {add = true}
      %add3A_286 = arith.constant 8 : i32
      %add3A_287 = arith.addi %add3A_263, %add3A_286 : i32
      %sub3A_288 = arith.constant 1 : i32
      %sub3A_289 = arith.subi %add3A_287, %sub3A_288 : i32
      %lt3A_290 = arith.constant 40 : i32
      %lt3A_291 = arith.cmpi slt, %sub3A_289, %lt3A_290 : i32
      %convert_element_type3A_292 = arith.extui %lt3A_291 : i1 to i32
      %cond3A_293 = arith.constant 0 : i32
      %cond3A_294 = arith.cmpi ne, %convert_element_type3A_292, %cond3A_293 : i32
      scf.if %cond3A_294 {
        %ge3A = arith.constant 1 : i32
        %ge3A_470 = arith.cmpi sge, %add3A_263, %ge3A : i32
        %convert_element_type3A_471 = arith.extui %ge3A_470 : i1 to i32
        %cond3A_472 = arith.constant 0 : i32
        %cond3A_473 = arith.cmpi ne, %convert_element_type3A_471, %cond3A_472 : i32
        scf.if %cond3A_473 {
          %dma_wait3A_489 = arith.constant 1 : i32
          %dma_wait3A_490 = arith.constant 0 : i32
          %dma_wait3A_491 = arith.constant 0 : i32
          %dma_wait3A_492 = arith.constant 0 : i32
          %dma_wait3A_493 = tpu.memref_slice %arg9[%dma_wait3A_489, %dma_wait3A_491, %dma_wait3A_492] : memref<8x128x16xf32, #tpu.memory_space<vmem>> -> memref<1x128x16xf32, #tpu.memory_space<vmem>>
          %dma_wait3A_494 = tpu.memref_squeeze %dma_wait3A_493 : memref<1x128x16xf32, #tpu.memory_space<vmem>> -> memref<128x16xf32, #tpu.memory_space<vmem>>
          %dma_wait3A_495 = arith.constant 0 : i32
          %dma_wait3A_496 = tpu.memref_slice %arg8[%dma_wait3A_490, %dma_wait3A_495] : memref<40x128xi32, #tpu.memory_space<vmem>> -> memref<1x128xi32, #tpu.memory_space<vmem>>
          %dma_wait3A_497 = tpu.memref_squeeze %dma_wait3A_496 : memref<1x128xi32, #tpu.memory_space<vmem>> -> memref<128xi32, #tpu.memory_space<vmem>>
          %dma_wait3A_498 = arith.constant 0 : i32
          %dma_wait3A_499 = arith.constant 0 : i32
          %dma_wait3A_500 = tpu.memref_slice %arg11[%dma_wait3A_498, %dma_wait3A_499] : memref<10240x16xf32, #tpu.memory_space<vmem_shared>> -> memref<10240x16xf32, #tpu.memory_space<vmem_shared>>
          tpu.wait_indirect_dma semaphore(%arg21 : memref<!tpu.dma_semaphore, #tpu.memory_space<semaphore_mem>>) src(%dma_wait3A_494 : memref<128x16xf32, #tpu.memory_space<vmem>>) dst(%dma_wait3A_500 : memref<10240x16xf32, #tpu.memory_space<vmem_shared>>)
        } else {
        }
        %add3A_474 = arith.constant 8 : i32
        %add3A_475 = arith.addi %add3A_263, %add3A_474 : i32
        %sub3A_476 = arith.constant 1 : i32
        %sub3A_477 = arith.subi %add3A_475, %sub3A_476 : i32
        %dma_start3A_478 = arith.constant 1 : i32
        %dma_start3A_479 = arith.constant 0 : i32
        %dma_start3A_480 = arith.constant 0 : i32
        %dma_start3A_481 = tpu.memref_slice %arg9[%dma_start3A_478, %dma_start3A_479, %dma_start3A_480] : memref<8x128x16xf32, #tpu.memory_space<vmem>> -> memref<1x128x16xf32, #tpu.memory_space<vmem>>
        %dma_start3A_482 = tpu.memref_squeeze %dma_start3A_481 : memref<1x128x16xf32, #tpu.memory_space<vmem>> -> memref<128x16xf32, #tpu.memory_space<vmem>>
        %dma_start3A_483 = arith.constant 0 : i32
        %dma_start3A_484 = tpu.memref_slice %arg7[%sub3A_477, %dma_start3A_483] : memref<40x128xi32, #tpu.memory_space<vmem>> -> memref<1x128xi32, #tpu.memory_space<vmem>>
        %dma_start3A_485 = tpu.memref_squeeze %dma_start3A_484 : memref<1x128xi32, #tpu.memory_space<vmem>> -> memref<128xi32, #tpu.memory_space<vmem>>
        %dma_start3A_486 = arith.constant 0 : i32
        %dma_start3A_487 = arith.constant 0 : i32
        %dma_start3A_488 = tpu.memref_slice %arg10[%dma_start3A_486, %dma_start3A_487] : memref<10000x16xf32, #tpu.memory_space<vmem_shared>> -> memref<10000x16xf32, #tpu.memory_space<vmem_shared>>
        tpu.enqueue_indirect_dma source(%dma_start3A_488 : memref<10000x16xf32, #tpu.memory_space<vmem_shared>>) target(%dma_start3A_482 : memref<128x16xf32, #tpu.memory_space<vmem>>) offsets(%dma_start3A_485 : memref<128xi32, #tpu.memory_space<vmem>>) semaphore(%arg13 : memref<!tpu.dma_semaphore, #tpu.memory_space<semaphore_mem>>)
      } else {
      }
      %mul3A_295 = arith.constant 8 : i32
      %mul3A_296 = arith.muli %scan3A_193, %mul3A_295 : i32
      %add3A_297 = arith.constant 3 : i32
      %add3A_298 = arith.addi %mul3A_296, %add3A_297 : i32
      %dma_wait3A_299 = arith.constant 3 : i32
      %dma_wait3A_300 = arith.constant 0 : i32
      %dma_wait3A_301 = arith.constant 0 : i32
      %dma_wait3A_302 = tpu.memref_slice %arg9[%dma_wait3A_299, %dma_wait3A_300, %dma_wait3A_301] : memref<8x128x16xf32, #tpu.memory_space<vmem>> -> memref<1x128x16xf32, #tpu.memory_space<vmem>>
      %dma_wait3A_303 = tpu.memref_squeeze %dma_wait3A_302 : memref<1x128x16xf32, #tpu.memory_space<vmem>> -> memref<128x16xf32, #tpu.memory_space<vmem>>
      %dma_wait3A_304 = arith.constant 0 : i32
      %dma_wait3A_305 = tpu.memref_slice %arg7[%add3A_298, %dma_wait3A_304] : memref<40x128xi32, #tpu.memory_space<vmem>> -> memref<1x128xi32, #tpu.memory_space<vmem>>
      %dma_wait3A_306 = tpu.memref_squeeze %dma_wait3A_305 : memref<1x128xi32, #tpu.memory_space<vmem>> -> memref<128xi32, #tpu.memory_space<vmem>>
      %dma_wait3A_307 = arith.constant 0 : i32
      %dma_wait3A_308 = arith.constant 0 : i32
      %dma_wait3A_309 = tpu.memref_slice %arg10[%dma_wait3A_307, %dma_wait3A_308] : memref<10000x16xf32, #tpu.memory_space<vmem_shared>> -> memref<10000x16xf32, #tpu.memory_space<vmem_shared>>
      tpu.wait_indirect_dma semaphore(%arg15 : memref<!tpu.dma_semaphore, #tpu.memory_space<semaphore_mem>>) src(%dma_wait3A_309 : memref<10000x16xf32, #tpu.memory_space<vmem_shared>>) dst(%dma_wait3A_303 : memref<128x16xf32, #tpu.memory_space<vmem>>)
      %dma_start3A_310 = arith.constant 3 : i32
      %dma_start3A_311 = arith.constant 0 : i32
      %dma_start3A_312 = arith.constant 0 : i32
      %dma_start3A_313 = tpu.memref_slice %arg9[%dma_start3A_310, %dma_start3A_311, %dma_start3A_312] : memref<8x128x16xf32, #tpu.memory_space<vmem>> -> memref<1x128x16xf32, #tpu.memory_space<vmem>>
      %dma_start3A_314 = tpu.memref_squeeze %dma_start3A_313 : memref<1x128x16xf32, #tpu.memory_space<vmem>> -> memref<128x16xf32, #tpu.memory_space<vmem>>
      %dma_start3A_315 = arith.constant 0 : i32
      %dma_start3A_316 = tpu.memref_slice %arg8[%add3A_298, %dma_start3A_315] : memref<40x128xi32, #tpu.memory_space<vmem>> -> memref<1x128xi32, #tpu.memory_space<vmem>>
      %dma_start3A_317 = tpu.memref_squeeze %dma_start3A_316 : memref<1x128xi32, #tpu.memory_space<vmem>> -> memref<128xi32, #tpu.memory_space<vmem>>
      %dma_start3A_318 = arith.constant 0 : i32
      %dma_start3A_319 = arith.constant 0 : i32
      %dma_start3A_320 = tpu.memref_slice %arg11[%dma_start3A_318, %dma_start3A_319] : memref<10240x16xf32, #tpu.memory_space<vmem_shared>> -> memref<10240x16xf32, #tpu.memory_space<vmem_shared>>
      tpu.enqueue_indirect_dma source(%dma_start3A_314 : memref<128x16xf32, #tpu.memory_space<vmem>>) target(%dma_start3A_320 : memref<10240x16xf32, #tpu.memory_space<vmem_shared>>) offsets(%dma_start3A_317 : memref<128xi32, #tpu.memory_space<vmem>>) semaphore(%arg23 : memref<!tpu.dma_semaphore, #tpu.memory_space<semaphore_mem>>) {add = true}
      %add3A_321 = arith.constant 8 : i32
      %add3A_322 = arith.addi %add3A_298, %add3A_321 : i32
      %sub3A_323 = arith.constant 1 : i32
      %sub3A_324 = arith.subi %add3A_322, %sub3A_323 : i32
      %lt3A_325 = arith.constant 40 : i32
      %lt3A_326 = arith.cmpi slt, %sub3A_324, %lt3A_325 : i32
      %convert_element_type3A_327 = arith.extui %lt3A_326 : i1 to i32
      %cond3A_328 = arith.constant 0 : i32
      %cond3A_329 = arith.cmpi ne, %convert_element_type3A_327, %cond3A_328 : i32
      scf.if %cond3A_329 {
        %ge3A = arith.constant 1 : i32
        %ge3A_470 = arith.cmpi sge, %add3A_298, %ge3A : i32
        %convert_element_type3A_471 = arith.extui %ge3A_470 : i1 to i32
        %cond3A_472 = arith.constant 0 : i32
        %cond3A_473 = arith.cmpi ne, %convert_element_type3A_471, %cond3A_472 : i32
        scf.if %cond3A_473 {
          %dma_wait3A_489 = arith.constant 2 : i32
          %dma_wait3A_490 = arith.constant 0 : i32
          %dma_wait3A_491 = arith.constant 0 : i32
          %dma_wait3A_492 = arith.constant 0 : i32
          %dma_wait3A_493 = tpu.memref_slice %arg9[%dma_wait3A_489, %dma_wait3A_491, %dma_wait3A_492] : memref<8x128x16xf32, #tpu.memory_space<vmem>> -> memref<1x128x16xf32, #tpu.memory_space<vmem>>
          %dma_wait3A_494 = tpu.memref_squeeze %dma_wait3A_493 : memref<1x128x16xf32, #tpu.memory_space<vmem>> -> memref<128x16xf32, #tpu.memory_space<vmem>>
          %dma_wait3A_495 = arith.constant 0 : i32
          %dma_wait3A_496 = tpu.memref_slice %arg8[%dma_wait3A_490, %dma_wait3A_495] : memref<40x128xi32, #tpu.memory_space<vmem>> -> memref<1x128xi32, #tpu.memory_space<vmem>>
          %dma_wait3A_497 = tpu.memref_squeeze %dma_wait3A_496 : memref<1x128xi32, #tpu.memory_space<vmem>> -> memref<128xi32, #tpu.memory_space<vmem>>
          %dma_wait3A_498 = arith.constant 0 : i32
          %dma_wait3A_499 = arith.constant 0 : i32
          %dma_wait3A_500 = tpu.memref_slice %arg11[%dma_wait3A_498, %dma_wait3A_499] : memref<10240x16xf32, #tpu.memory_space<vmem_shared>> -> memref<10240x16xf32, #tpu.memory_space<vmem_shared>>
          tpu.wait_indirect_dma semaphore(%arg22 : memref<!tpu.dma_semaphore, #tpu.memory_space<semaphore_mem>>) src(%dma_wait3A_494 : memref<128x16xf32, #tpu.memory_space<vmem>>) dst(%dma_wait3A_500 : memref<10240x16xf32, #tpu.memory_space<vmem_shared>>)
        } else {
        }
        %add3A_474 = arith.constant 8 : i32
        %add3A_475 = arith.addi %add3A_298, %add3A_474 : i32
        %sub3A_476 = arith.constant 1 : i32
        %sub3A_477 = arith.subi %add3A_475, %sub3A_476 : i32
        %dma_start3A_478 = arith.constant 2 : i32
        %dma_start3A_479 = arith.constant 0 : i32
        %dma_start3A_480 = arith.constant 0 : i32
        %dma_start3A_481 = tpu.memref_slice %arg9[%dma_start3A_478, %dma_start3A_479, %dma_start3A_480] : memref<8x128x16xf32, #tpu.memory_space<vmem>> -> memref<1x128x16xf32, #tpu.memory_space<vmem>>
        %dma_start3A_482 = tpu.memref_squeeze %dma_start3A_481 : memref<1x128x16xf32, #tpu.memory_space<vmem>> -> memref<128x16xf32, #tpu.memory_space<vmem>>
        %dma_start3A_483 = arith.constant 0 : i32
        %dma_start3A_484 = tpu.memref_slice %arg7[%sub3A_477, %dma_start3A_483] : memref<40x128xi32, #tpu.memory_space<vmem>> -> memref<1x128xi32, #tpu.memory_space<vmem>>
        %dma_start3A_485 = tpu.memref_squeeze %dma_start3A_484 : memref<1x128xi32, #tpu.memory_space<vmem>> -> memref<128xi32, #tpu.memory_space<vmem>>
        %dma_start3A_486 = arith.constant 0 : i32
        %dma_start3A_487 = arith.constant 0 : i32
        %dma_start3A_488 = tpu.memref_slice %arg10[%dma_start3A_486, %dma_start3A_487] : memref<10000x16xf32, #tpu.memory_space<vmem_shared>> -> memref<10000x16xf32, #tpu.memory_space<vmem_shared>>
        tpu.enqueue_indirect_dma source(%dma_start3A_488 : memref<10000x16xf32, #tpu.memory_space<vmem_shared>>) target(%dma_start3A_482 : memref<128x16xf32, #tpu.memory_space<vmem>>) offsets(%dma_start3A_485 : memref<128xi32, #tpu.memory_space<vmem>>) semaphore(%arg14 : memref<!tpu.dma_semaphore, #tpu.memory_space<semaphore_mem>>)
      } else {
      }
      %mul3A_330 = arith.constant 8 : i32
      %mul3A_331 = arith.muli %scan3A_193, %mul3A_330 : i32
      %add3A_332 = arith.constant 4 : i32
      %add3A_333 = arith.addi %mul3A_331, %add3A_332 : i32
      %dma_wait3A_334 = arith.constant 4 : i32
      %dma_wait3A_335 = arith.constant 0 : i32
      %dma_wait3A_336 = arith.constant 0 : i32
      %dma_wait3A_337 = tpu.memref_slice %arg9[%dma_wait3A_334, %dma_wait3A_335, %dma_wait3A_336] : memref<8x128x16xf32, #tpu.memory_space<vmem>> -> memref<1x128x16xf32, #tpu.memory_space<vmem>>
      %dma_wait3A_338 = tpu.memref_squeeze %dma_wait3A_337 : memref<1x128x16xf32, #tpu.memory_space<vmem>> -> memref<128x16xf32, #tpu.memory_space<vmem>>
      %dma_wait3A_339 = arith.constant 0 : i32
      %dma_wait3A_340 = tpu.memref_slice %arg7[%add3A_333, %dma_wait3A_339] : memref<40x128xi32, #tpu.memory_space<vmem>> -> memref<1x128xi32, #tpu.memory_space<vmem>>
      %dma_wait3A_341 = tpu.memref_squeeze %dma_wait3A_340 : memref<1x128xi32, #tpu.memory_space<vmem>> -> memref<128xi32, #tpu.memory_space<vmem>>
      %dma_wait3A_342 = arith.constant 0 : i32
      %dma_wait3A_343 = arith.constant 0 : i32
      %dma_wait3A_344 = tpu.memref_slice %arg10[%dma_wait3A_342, %dma_wait3A_343] : memref<10000x16xf32, #tpu.memory_space<vmem_shared>> -> memref<10000x16xf32, #tpu.memory_space<vmem_shared>>
      tpu.wait_indirect_dma semaphore(%arg16 : memref<!tpu.dma_semaphore, #tpu.memory_space<semaphore_mem>>) src(%dma_wait3A_344 : memref<10000x16xf32, #tpu.memory_space<vmem_shared>>) dst(%dma_wait3A_338 : memref<128x16xf32, #tpu.memory_space<vmem>>)
      %dma_start3A_345 = arith.constant 4 : i32
      %dma_start3A_346 = arith.constant 0 : i32
      %dma_start3A_347 = arith.constant 0 : i32
      %dma_start3A_348 = tpu.memref_slice %arg9[%dma_start3A_345, %dma_start3A_346, %dma_start3A_347] : memref<8x128x16xf32, #tpu.memory_space<vmem>> -> memref<1x128x16xf32, #tpu.memory_space<vmem>>
      %dma_start3A_349 = tpu.memref_squeeze %dma_start3A_348 : memref<1x128x16xf32, #tpu.memory_space<vmem>> -> memref<128x16xf32, #tpu.memory_space<vmem>>
      %dma_start3A_350 = arith.constant 0 : i32
      %dma_start3A_351 = tpu.memref_slice %arg8[%add3A_333, %dma_start3A_350] : memref<40x128xi32, #tpu.memory_space<vmem>> -> memref<1x128xi32, #tpu.memory_space<vmem>>
      %dma_start3A_352 = tpu.memref_squeeze %dma_start3A_351 : memref<1x128xi32, #tpu.memory_space<vmem>> -> memref<128xi32, #tpu.memory_space<vmem>>
      %dma_start3A_353 = arith.constant 0 : i32
      %dma_start3A_354 = arith.constant 0 : i32
      %dma_start3A_355 = tpu.memref_slice %arg11[%dma_start3A_353, %dma_start3A_354] : memref<10240x16xf32, #tpu.memory_space<vmem_shared>> -> memref<10240x16xf32, #tpu.memory_space<vmem_shared>>
      tpu.enqueue_indirect_dma source(%dma_start3A_349 : memref<128x16xf32, #tpu.memory_space<vmem>>) target(%dma_start3A_355 : memref<10240x16xf32, #tpu.memory_space<vmem_shared>>) offsets(%dma_start3A_352 : memref<128xi32, #tpu.memory_space<vmem>>) semaphore(%arg24 : memref<!tpu.dma_semaphore, #tpu.memory_space<semaphore_mem>>) {add = true}
      %add3A_356 = arith.constant 8 : i32
      %add3A_357 = arith.addi %add3A_333, %add3A_356 : i32
      %sub3A_358 = arith.constant 1 : i32
      %sub3A_359 = arith.subi %add3A_357, %sub3A_358 : i32
      %lt3A_360 = arith.constant 40 : i32
      %lt3A_361 = arith.cmpi slt, %sub3A_359, %lt3A_360 : i32
      %convert_element_type3A_362 = arith.extui %lt3A_361 : i1 to i32
      %cond3A_363 = arith.constant 0 : i32
      %cond3A_364 = arith.cmpi ne, %convert_element_type3A_362, %cond3A_363 : i32
      scf.if %cond3A_364 {
        %ge3A = arith.constant 1 : i32
        %ge3A_470 = arith.cmpi sge, %add3A_333, %ge3A : i32
        %convert_element_type3A_471 = arith.extui %ge3A_470 : i1 to i32
        %cond3A_472 = arith.constant 0 : i32
        %cond3A_473 = arith.cmpi ne, %convert_element_type3A_471, %cond3A_472 : i32
        scf.if %cond3A_473 {
          %dma_wait3A_489 = arith.constant 3 : i32
          %dma_wait3A_490 = arith.constant 0 : i32
          %dma_wait3A_491 = arith.constant 0 : i32
          %dma_wait3A_492 = arith.constant 0 : i32
          %dma_wait3A_493 = tpu.memref_slice %arg9[%dma_wait3A_489, %dma_wait3A_491, %dma_wait3A_492] : memref<8x128x16xf32, #tpu.memory_space<vmem>> -> memref<1x128x16xf32, #tpu.memory_space<vmem>>
          %dma_wait3A_494 = tpu.memref_squeeze %dma_wait3A_493 : memref<1x128x16xf32, #tpu.memory_space<vmem>> -> memref<128x16xf32, #tpu.memory_space<vmem>>
          %dma_wait3A_495 = arith.constant 0 : i32
          %dma_wait3A_496 = tpu.memref_slice %arg8[%dma_wait3A_490, %dma_wait3A_495] : memref<40x128xi32, #tpu.memory_space<vmem>> -> memref<1x128xi32, #tpu.memory_space<vmem>>
          %dma_wait3A_497 = tpu.memref_squeeze %dma_wait3A_496 : memref<1x128xi32, #tpu.memory_space<vmem>> -> memref<128xi32, #tpu.memory_space<vmem>>
          %dma_wait3A_498 = arith.constant 0 : i32
          %dma_wait3A_499 = arith.constant 0 : i32
          %dma_wait3A_500 = tpu.memref_slice %arg11[%dma_wait3A_498, %dma_wait3A_499] : memref<10240x16xf32, #tpu.memory_space<vmem_shared>> -> memref<10240x16xf32, #tpu.memory_space<vmem_shared>>
          tpu.wait_indirect_dma semaphore(%arg23 : memref<!tpu.dma_semaphore, #tpu.memory_space<semaphore_mem>>) src(%dma_wait3A_494 : memref<128x16xf32, #tpu.memory_space<vmem>>) dst(%dma_wait3A_500 : memref<10240x16xf32, #tpu.memory_space<vmem_shared>>)
        } else {
        }
        %add3A_474 = arith.constant 8 : i32
        %add3A_475 = arith.addi %add3A_333, %add3A_474 : i32
        %sub3A_476 = arith.constant 1 : i32
        %sub3A_477 = arith.subi %add3A_475, %sub3A_476 : i32
        %dma_start3A_478 = arith.constant 3 : i32
        %dma_start3A_479 = arith.constant 0 : i32
        %dma_start3A_480 = arith.constant 0 : i32
        %dma_start3A_481 = tpu.memref_slice %arg9[%dma_start3A_478, %dma_start3A_479, %dma_start3A_480] : memref<8x128x16xf32, #tpu.memory_space<vmem>> -> memref<1x128x16xf32, #tpu.memory_space<vmem>>
        %dma_start3A_482 = tpu.memref_squeeze %dma_start3A_481 : memref<1x128x16xf32, #tpu.memory_space<vmem>> -> memref<128x16xf32, #tpu.memory_space<vmem>>
        %dma_start3A_483 = arith.constant 0 : i32
        %dma_start3A_484 = tpu.memref_slice %arg7[%sub3A_477, %dma_start3A_483] : memref<40x128xi32, #tpu.memory_space<vmem>> -> memref<1x128xi32, #tpu.memory_space<vmem>>
        %dma_start3A_485 = tpu.memref_squeeze %dma_start3A_484 : memref<1x128xi32, #tpu.memory_space<vmem>> -> memref<128xi32, #tpu.memory_space<vmem>>
        %dma_start3A_486 = arith.constant 0 : i32
        %dma_start3A_487 = arith.constant 0 : i32
        %dma_start3A_488 = tpu.memref_slice %arg10[%dma_start3A_486, %dma_start3A_487] : memref<10000x16xf32, #tpu.memory_space<vmem_shared>> -> memref<10000x16xf32, #tpu.memory_space<vmem_shared>>
        tpu.enqueue_indirect_dma source(%dma_start3A_488 : memref<10000x16xf32, #tpu.memory_space<vmem_shared>>) target(%dma_start3A_482 : memref<128x16xf32, #tpu.memory_space<vmem>>) offsets(%dma_start3A_485 : memref<128xi32, #tpu.memory_space<vmem>>) semaphore(%arg15 : memref<!tpu.dma_semaphore, #tpu.memory_space<semaphore_mem>>)
      } else {
      }
      %mul3A_365 = arith.constant 8 : i32
      %mul3A_366 = arith.muli %scan3A_193, %mul3A_365 : i32
      %add3A_367 = arith.constant 5 : i32
      %add3A_368 = arith.addi %mul3A_366, %add3A_367 : i32
      %dma_wait3A_369 = arith.constant 5 : i32
      %dma_wait3A_370 = arith.constant 0 : i32
      %dma_wait3A_371 = arith.constant 0 : i32
      %dma_wait3A_372 = tpu.memref_slice %arg9[%dma_wait3A_369, %dma_wait3A_370, %dma_wait3A_371] : memref<8x128x16xf32, #tpu.memory_space<vmem>> -> memref<1x128x16xf32, #tpu.memory_space<vmem>>
      %dma_wait3A_373 = tpu.memref_squeeze %dma_wait3A_372 : memref<1x128x16xf32, #tpu.memory_space<vmem>> -> memref<128x16xf32, #tpu.memory_space<vmem>>
      %dma_wait3A_374 = arith.constant 0 : i32
      %dma_wait3A_375 = tpu.memref_slice %arg7[%add3A_368, %dma_wait3A_374] : memref<40x128xi32, #tpu.memory_space<vmem>> -> memref<1x128xi32, #tpu.memory_space<vmem>>
      %dma_wait3A_376 = tpu.memref_squeeze %dma_wait3A_375 : memref<1x128xi32, #tpu.memory_space<vmem>> -> memref<128xi32, #tpu.memory_space<vmem>>
      %dma_wait3A_377 = arith.constant 0 : i32
      %dma_wait3A_378 = arith.constant 0 : i32
      %dma_wait3A_379 = tpu.memref_slice %arg10[%dma_wait3A_377, %dma_wait3A_378] : memref<10000x16xf32, #tpu.memory_space<vmem_shared>> -> memref<10000x16xf32, #tpu.memory_space<vmem_shared>>
      tpu.wait_indirect_dma semaphore(%arg17 : memref<!tpu.dma_semaphore, #tpu.memory_space<semaphore_mem>>) src(%dma_wait3A_379 : memref<10000x16xf32, #tpu.memory_space<vmem_shared>>) dst(%dma_wait3A_373 : memref<128x16xf32, #tpu.memory_space<vmem>>)
      %dma_start3A_380 = arith.constant 5 : i32
      %dma_start3A_381 = arith.constant 0 : i32
      %dma_start3A_382 = arith.constant 0 : i32
      %dma_start3A_383 = tpu.memref_slice %arg9[%dma_start3A_380, %dma_start3A_381, %dma_start3A_382] : memref<8x128x16xf32, #tpu.memory_space<vmem>> -> memref<1x128x16xf32, #tpu.memory_space<vmem>>
      %dma_start3A_384 = tpu.memref_squeeze %dma_start3A_383 : memref<1x128x16xf32, #tpu.memory_space<vmem>> -> memref<128x16xf32, #tpu.memory_space<vmem>>
      %dma_start3A_385 = arith.constant 0 : i32
      %dma_start3A_386 = tpu.memref_slice %arg8[%add3A_368, %dma_start3A_385] : memref<40x128xi32, #tpu.memory_space<vmem>> -> memref<1x128xi32, #tpu.memory_space<vmem>>
      %dma_start3A_387 = tpu.memref_squeeze %dma_start3A_386 : memref<1x128xi32, #tpu.memory_space<vmem>> -> memref<128xi32, #tpu.memory_space<vmem>>
      %dma_start3A_388 = arith.constant 0 : i32
      %dma_start3A_389 = arith.constant 0 : i32
      %dma_start3A_390 = tpu.memref_slice %arg11[%dma_start3A_388, %dma_start3A_389] : memref<10240x16xf32, #tpu.memory_space<vmem_shared>> -> memref<10240x16xf32, #tpu.memory_space<vmem_shared>>
      tpu.enqueue_indirect_dma source(%dma_start3A_384 : memref<128x16xf32, #tpu.memory_space<vmem>>) target(%dma_start3A_390 : memref<10240x16xf32, #tpu.memory_space<vmem_shared>>) offsets(%dma_start3A_387 : memref<128xi32, #tpu.memory_space<vmem>>) semaphore(%arg25 : memref<!tpu.dma_semaphore, #tpu.memory_space<semaphore_mem>>) {add = true}
      %add3A_391 = arith.constant 8 : i32
      %add3A_392 = arith.addi %add3A_368, %add3A_391 : i32
      %sub3A_393 = arith.constant 1 : i32
      %sub3A_394 = arith.subi %add3A_392, %sub3A_393 : i32
      %lt3A_395 = arith.constant 40 : i32
      %lt3A_396 = arith.cmpi slt, %sub3A_394, %lt3A_395 : i32
      %convert_element_type3A_397 = arith.extui %lt3A_396 : i1 to i32
      %cond3A_398 = arith.constant 0 : i32
      %cond3A_399 = arith.cmpi ne, %convert_element_type3A_397, %cond3A_398 : i32
      scf.if %cond3A_399 {
        %ge3A = arith.constant 1 : i32
        %ge3A_470 = arith.cmpi sge, %add3A_368, %ge3A : i32
        %convert_element_type3A_471 = arith.extui %ge3A_470 : i1 to i32
        %cond3A_472 = arith.constant 0 : i32
        %cond3A_473 = arith.cmpi ne, %convert_element_type3A_471, %cond3A_472 : i32
        scf.if %cond3A_473 {
          %dma_wait3A_489 = arith.constant 4 : i32
          %dma_wait3A_490 = arith.constant 0 : i32
          %dma_wait3A_491 = arith.constant 0 : i32
          %dma_wait3A_492 = arith.constant 0 : i32
          %dma_wait3A_493 = tpu.memref_slice %arg9[%dma_wait3A_489, %dma_wait3A_491, %dma_wait3A_492] : memref<8x128x16xf32, #tpu.memory_space<vmem>> -> memref<1x128x16xf32, #tpu.memory_space<vmem>>
          %dma_wait3A_494 = tpu.memref_squeeze %dma_wait3A_493 : memref<1x128x16xf32, #tpu.memory_space<vmem>> -> memref<128x16xf32, #tpu.memory_space<vmem>>
          %dma_wait3A_495 = arith.constant 0 : i32
          %dma_wait3A_496 = tpu.memref_slice %arg8[%dma_wait3A_490, %dma_wait3A_495] : memref<40x128xi32, #tpu.memory_space<vmem>> -> memref<1x128xi32, #tpu.memory_space<vmem>>
          %dma_wait3A_497 = tpu.memref_squeeze %dma_wait3A_496 : memref<1x128xi32, #tpu.memory_space<vmem>> -> memref<128xi32, #tpu.memory_space<vmem>>
          %dma_wait3A_498 = arith.constant 0 : i32
          %dma_wait3A_499 = arith.constant 0 : i32
          %dma_wait3A_500 = tpu.memref_slice %arg11[%dma_wait3A_498, %dma_wait3A_499] : memref<10240x16xf32, #tpu.memory_space<vmem_shared>> -> memref<10240x16xf32, #tpu.memory_space<vmem_shared>>
          tpu.wait_indirect_dma semaphore(%arg24 : memref<!tpu.dma_semaphore, #tpu.memory_space<semaphore_mem>>) src(%dma_wait3A_494 : memref<128x16xf32, #tpu.memory_space<vmem>>) dst(%dma_wait3A_500 : memref<10240x16xf32, #tpu.memory_space<vmem_shared>>)
        } else {
        }
        %add3A_474 = arith.constant 8 : i32
        %add3A_475 = arith.addi %add3A_368, %add3A_474 : i32
        %sub3A_476 = arith.constant 1 : i32
        %sub3A_477 = arith.subi %add3A_475, %sub3A_476 : i32
        %dma_start3A_478 = arith.constant 4 : i32
        %dma_start3A_479 = arith.constant 0 : i32
        %dma_start3A_480 = arith.constant 0 : i32
        %dma_start3A_481 = tpu.memref_slice %arg9[%dma_start3A_478, %dma_start3A_479, %dma_start3A_480] : memref<8x128x16xf32, #tpu.memory_space<vmem>> -> memref<1x128x16xf32, #tpu.memory_space<vmem>>
        %dma_start3A_482 = tpu.memref_squeeze %dma_start3A_481 : memref<1x128x16xf32, #tpu.memory_space<vmem>> -> memref<128x16xf32, #tpu.memory_space<vmem>>
        %dma_start3A_483 = arith.constant 0 : i32
        %dma_start3A_484 = tpu.memref_slice %arg7[%sub3A_477, %dma_start3A_483] : memref<40x128xi32, #tpu.memory_space<vmem>> -> memref<1x128xi32, #tpu.memory_space<vmem>>
        %dma_start3A_485 = tpu.memref_squeeze %dma_start3A_484 : memref<1x128xi32, #tpu.memory_space<vmem>> -> memref<128xi32, #tpu.memory_space<vmem>>
        %dma_start3A_486 = arith.constant 0 : i32
        %dma_start3A_487 = arith.constant 0 : i32
        %dma_start3A_488 = tpu.memref_slice %arg10[%dma_start3A_486, %dma_start3A_487] : memref<10000x16xf32, #tpu.memory_space<vmem_shared>> -> memref<10000x16xf32, #tpu.memory_space<vmem_shared>>
        tpu.enqueue_indirect_dma source(%dma_start3A_488 : memref<10000x16xf32, #tpu.memory_space<vmem_shared>>) target(%dma_start3A_482 : memref<128x16xf32, #tpu.memory_space<vmem>>) offsets(%dma_start3A_485 : memref<128xi32, #tpu.memory_space<vmem>>) semaphore(%arg16 : memref<!tpu.dma_semaphore, #tpu.memory_space<semaphore_mem>>)
      } else {
      }
      %mul3A_400 = arith.constant 8 : i32
      %mul3A_401 = arith.muli %scan3A_193, %mul3A_400 : i32
      %add3A_402 = arith.constant 6 : i32
      %add3A_403 = arith.addi %mul3A_401, %add3A_402 : i32
      %dma_wait3A_404 = arith.constant 6 : i32
      %dma_wait3A_405 = arith.constant 0 : i32
      %dma_wait3A_406 = arith.constant 0 : i32
      %dma_wait3A_407 = tpu.memref_slice %arg9[%dma_wait3A_404, %dma_wait3A_405, %dma_wait3A_406] : memref<8x128x16xf32, #tpu.memory_space<vmem>> -> memref<1x128x16xf32, #tpu.memory_space<vmem>>
      %dma_wait3A_408 = tpu.memref_squeeze %dma_wait3A_407 : memref<1x128x16xf32, #tpu.memory_space<vmem>> -> memref<128x16xf32, #tpu.memory_space<vmem>>
      %dma_wait3A_409 = arith.constant 0 : i32
      %dma_wait3A_410 = tpu.memref_slice %arg7[%add3A_403, %dma_wait3A_409] : memref<40x128xi32, #tpu.memory_space<vmem>> -> memref<1x128xi32, #tpu.memory_space<vmem>>
      %dma_wait3A_411 = tpu.memref_squeeze %dma_wait3A_410 : memref<1x128xi32, #tpu.memory_space<vmem>> -> memref<128xi32, #tpu.memory_space<vmem>>
      %dma_wait3A_412 = arith.constant 0 : i32
      %dma_wait3A_413 = arith.constant 0 : i32
      %dma_wait3A_414 = tpu.memref_slice %arg10[%dma_wait3A_412, %dma_wait3A_413] : memref<10000x16xf32, #tpu.memory_space<vmem_shared>> -> memref<10000x16xf32, #tpu.memory_space<vmem_shared>>
      tpu.wait_indirect_dma semaphore(%arg18 : memref<!tpu.dma_semaphore, #tpu.memory_space<semaphore_mem>>) src(%dma_wait3A_414 : memref<10000x16xf32, #tpu.memory_space<vmem_shared>>) dst(%dma_wait3A_408 : memref<128x16xf32, #tpu.memory_space<vmem>>)
      %dma_start3A_415 = arith.constant 6 : i32
      %dma_start3A_416 = arith.constant 0 : i32
      %dma_start3A_417 = arith.constant 0 : i32
      %dma_start3A_418 = tpu.memref_slice %arg9[%dma_start3A_415, %dma_start3A_416, %dma_start3A_417] : memref<8x128x16xf32, #tpu.memory_space<vmem>> -> memref<1x128x16xf32, #tpu.memory_space<vmem>>
      %dma_start3A_419 = tpu.memref_squeeze %dma_start3A_418 : memref<1x128x16xf32, #tpu.memory_space<vmem>> -> memref<128x16xf32, #tpu.memory_space<vmem>>
      %dma_start3A_420 = arith.constant 0 : i32
      %dma_start3A_421 = tpu.memref_slice %arg8[%add3A_403, %dma_start3A_420] : memref<40x128xi32, #tpu.memory_space<vmem>> -> memref<1x128xi32, #tpu.memory_space<vmem>>
      %dma_start3A_422 = tpu.memref_squeeze %dma_start3A_421 : memref<1x128xi32, #tpu.memory_space<vmem>> -> memref<128xi32, #tpu.memory_space<vmem>>
      %dma_start3A_423 = arith.constant 0 : i32
      %dma_start3A_424 = arith.constant 0 : i32
      %dma_start3A_425 = tpu.memref_slice %arg11[%dma_start3A_423, %dma_start3A_424] : memref<10240x16xf32, #tpu.memory_space<vmem_shared>> -> memref<10240x16xf32, #tpu.memory_space<vmem_shared>>
      tpu.enqueue_indirect_dma source(%dma_start3A_419 : memref<128x16xf32, #tpu.memory_space<vmem>>) target(%dma_start3A_425 : memref<10240x16xf32, #tpu.memory_space<vmem_shared>>) offsets(%dma_start3A_422 : memref<128xi32, #tpu.memory_space<vmem>>) semaphore(%arg26 : memref<!tpu.dma_semaphore, #tpu.memory_space<semaphore_mem>>) {add = true}
      %add3A_426 = arith.constant 8 : i32
      %add3A_427 = arith.addi %add3A_403, %add3A_426 : i32
      %sub3A_428 = arith.constant 1 : i32
      %sub3A_429 = arith.subi %add3A_427, %sub3A_428 : i32
      %lt3A_430 = arith.constant 40 : i32
      %lt3A_431 = arith.cmpi slt, %sub3A_429, %lt3A_430 : i32
      %convert_element_type3A_432 = arith.extui %lt3A_431 : i1 to i32
      %cond3A_433 = arith.constant 0 : i32
      %cond3A_434 = arith.cmpi ne, %convert_element_type3A_432, %cond3A_433 : i32
      scf.if %cond3A_434 {
        %ge3A = arith.constant 1 : i32
        %ge3A_470 = arith.cmpi sge, %add3A_403, %ge3A : i32
        %convert_element_type3A_471 = arith.extui %ge3A_470 : i1 to i32
        %cond3A_472 = arith.constant 0 : i32
        %cond3A_473 = arith.cmpi ne, %convert_element_type3A_471, %cond3A_472 : i32
        scf.if %cond3A_473 {
          %dma_wait3A_489 = arith.constant 5 : i32
          %dma_wait3A_490 = arith.constant 0 : i32
          %dma_wait3A_491 = arith.constant 0 : i32
          %dma_wait3A_492 = arith.constant 0 : i32
          %dma_wait3A_493 = tpu.memref_slice %arg9[%dma_wait3A_489, %dma_wait3A_491, %dma_wait3A_492] : memref<8x128x16xf32, #tpu.memory_space<vmem>> -> memref<1x128x16xf32, #tpu.memory_space<vmem>>
          %dma_wait3A_494 = tpu.memref_squeeze %dma_wait3A_493 : memref<1x128x16xf32, #tpu.memory_space<vmem>> -> memref<128x16xf32, #tpu.memory_space<vmem>>
          %dma_wait3A_495 = arith.constant 0 : i32
          %dma_wait3A_496 = tpu.memref_slice %arg8[%dma_wait3A_490, %dma_wait3A_495] : memref<40x128xi32, #tpu.memory_space<vmem>> -> memref<1x128xi32, #tpu.memory_space<vmem>>
          %dma_wait3A_497 = tpu.memref_squeeze %dma_wait3A_496 : memref<1x128xi32, #tpu.memory_space<vmem>> -> memref<128xi32, #tpu.memory_space<vmem>>
          %dma_wait3A_498 = arith.constant 0 : i32
          %dma_wait3A_499 = arith.constant 0 : i32
          %dma_wait3A_500 = tpu.memref_slice %arg11[%dma_wait3A_498, %dma_wait3A_499] : memref<10240x16xf32, #tpu.memory_space<vmem_shared>> -> memref<10240x16xf32, #tpu.memory_space<vmem_shared>>
          tpu.wait_indirect_dma semaphore(%arg25 : memref<!tpu.dma_semaphore, #tpu.memory_space<semaphore_mem>>) src(%dma_wait3A_494 : memref<128x16xf32, #tpu.memory_space<vmem>>) dst(%dma_wait3A_500 : memref<10240x16xf32, #tpu.memory_space<vmem_shared>>)
        } else {
        }
        %add3A_474 = arith.constant 8 : i32
        %add3A_475 = arith.addi %add3A_403, %add3A_474 : i32
        %sub3A_476 = arith.constant 1 : i32
        %sub3A_477 = arith.subi %add3A_475, %sub3A_476 : i32
        %dma_start3A_478 = arith.constant 5 : i32
        %dma_start3A_479 = arith.constant 0 : i32
        %dma_start3A_480 = arith.constant 0 : i32
        %dma_start3A_481 = tpu.memref_slice %arg9[%dma_start3A_478, %dma_start3A_479, %dma_start3A_480] : memref<8x128x16xf32, #tpu.memory_space<vmem>> -> memref<1x128x16xf32, #tpu.memory_space<vmem>>
        %dma_start3A_482 = tpu.memref_squeeze %dma_start3A_481 : memref<1x128x16xf32, #tpu.memory_space<vmem>> -> memref<128x16xf32, #tpu.memory_space<vmem>>
        %dma_start3A_483 = arith.constant 0 : i32
        %dma_start3A_484 = tpu.memref_slice %arg7[%sub3A_477, %dma_start3A_483] : memref<40x128xi32, #tpu.memory_space<vmem>> -> memref<1x128xi32, #tpu.memory_space<vmem>>
        %dma_start3A_485 = tpu.memref_squeeze %dma_start3A_484 : memref<1x128xi32, #tpu.memory_space<vmem>> -> memref<128xi32, #tpu.memory_space<vmem>>
        %dma_start3A_486 = arith.constant 0 : i32
        %dma_start3A_487 = arith.constant 0 : i32
        %dma_start3A_488 = tpu.memref_slice %arg10[%dma_start3A_486, %dma_start3A_487] : memref<10000x16xf32, #tpu.memory_space<vmem_shared>> -> memref<10000x16xf32, #tpu.memory_space<vmem_shared>>
        tpu.enqueue_indirect_dma source(%dma_start3A_488 : memref<10000x16xf32, #tpu.memory_space<vmem_shared>>) target(%dma_start3A_482 : memref<128x16xf32, #tpu.memory_space<vmem>>) offsets(%dma_start3A_485 : memref<128xi32, #tpu.memory_space<vmem>>) semaphore(%arg17 : memref<!tpu.dma_semaphore, #tpu.memory_space<semaphore_mem>>)
      } else {
      }
      %mul3A_435 = arith.constant 8 : i32
      %mul3A_436 = arith.muli %scan3A_193, %mul3A_435 : i32
      %add3A_437 = arith.constant 7 : i32
      %add3A_438 = arith.addi %mul3A_436, %add3A_437 : i32
      %dma_wait3A_439 = arith.constant 7 : i32
      %dma_wait3A_440 = arith.constant 0 : i32
      %dma_wait3A_441 = arith.constant 0 : i32
      %dma_wait3A_442 = tpu.memref_slice %arg9[%dma_wait3A_439, %dma_wait3A_440, %dma_wait3A_441] : memref<8x128x16xf32, #tpu.memory_space<vmem>> -> memref<1x128x16xf32, #tpu.memory_space<vmem>>
      %dma_wait3A_443 = tpu.memref_squeeze %dma_wait3A_442 : memref<1x128x16xf32, #tpu.memory_space<vmem>> -> memref<128x16xf32, #tpu.memory_space<vmem>>
      %dma_wait3A_444 = arith.constant 0 : i32
      %dma_wait3A_445 = tpu.memref_slice %arg7[%add3A_438, %dma_wait3A_444] : memref<40x128xi32, #tpu.memory_space<vmem>> -> memref<1x128xi32, #tpu.memory_space<vmem>>
      %dma_wait3A_446 = tpu.memref_squeeze %dma_wait3A_445 : memref<1x128xi32, #tpu.memory_space<vmem>> -> memref<128xi32, #tpu.memory_space<vmem>>
      %dma_wait3A_447 = arith.constant 0 : i32
      %dma_wait3A_448 = arith.constant 0 : i32
      %dma_wait3A_449 = tpu.memref_slice %arg10[%dma_wait3A_447, %dma_wait3A_448] : memref<10000x16xf32, #tpu.memory_space<vmem_shared>> -> memref<10000x16xf32, #tpu.memory_space<vmem_shared>>
      tpu.wait_indirect_dma semaphore(%arg19 : memref<!tpu.dma_semaphore, #tpu.memory_space<semaphore_mem>>) src(%dma_wait3A_449 : memref<10000x16xf32, #tpu.memory_space<vmem_shared>>) dst(%dma_wait3A_443 : memref<128x16xf32, #tpu.memory_space<vmem>>)
      %dma_start3A_450 = arith.constant 7 : i32
      %dma_start3A_451 = arith.constant 0 : i32
      %dma_start3A_452 = arith.constant 0 : i32
      %dma_start3A_453 = tpu.memref_slice %arg9[%dma_start3A_450, %dma_start3A_451, %dma_start3A_452] : memref<8x128x16xf32, #tpu.memory_space<vmem>> -> memref<1x128x16xf32, #tpu.memory_space<vmem>>
      %dma_start3A_454 = tpu.memref_squeeze %dma_start3A_453 : memref<1x128x16xf32, #tpu.memory_space<vmem>> -> memref<128x16xf32, #tpu.memory_space<vmem>>
      %dma_start3A_455 = arith.constant 0 : i32
      %dma_start3A_456 = tpu.memref_slice %arg8[%add3A_438, %dma_start3A_455] : memref<40x128xi32, #tpu.memory_space<vmem>> -> memref<1x128xi32, #tpu.memory_space<vmem>>
      %dma_start3A_457 = tpu.memref_squeeze %dma_start3A_456 : memref<1x128xi32, #tpu.memory_space<vmem>> -> memref<128xi32, #tpu.memory_space<vmem>>
      %dma_start3A_458 = arith.constant 0 : i32
      %dma_start3A_459 = arith.constant 0 : i32
      %dma_start3A_460 = tpu.memref_slice %arg11[%dma_start3A_458, %dma_start3A_459] : memref<10240x16xf32, #tpu.memory_space<vmem_shared>> -> memref<10240x16xf32, #tpu.memory_space<vmem_shared>>
      tpu.enqueue_indirect_dma source(%dma_start3A_454 : memref<128x16xf32, #tpu.memory_space<vmem>>) target(%dma_start3A_460 : memref<10240x16xf32, #tpu.memory_space<vmem_shared>>) offsets(%dma_start3A_457 : memref<128xi32, #tpu.memory_space<vmem>>) semaphore(%arg27 : memref<!tpu.dma_semaphore, #tpu.memory_space<semaphore_mem>>) {add = true}
      %add3A_461 = arith.constant 8 : i32
      %add3A_462 = arith.addi %add3A_438, %add3A_461 : i32
      %sub3A_463 = arith.constant 1 : i32
      %sub3A_464 = arith.subi %add3A_462, %sub3A_463 : i32
      %lt3A_465 = arith.constant 40 : i32
      %lt3A_466 = arith.cmpi slt, %sub3A_464, %lt3A_465 : i32
      %convert_element_type3A_467 = arith.extui %lt3A_466 : i1 to i32
      %cond3A_468 = arith.constant 0 : i32
      %cond3A_469 = arith.cmpi ne, %convert_element_type3A_467, %cond3A_468 : i32
      scf.if %cond3A_469 {
        %ge3A = arith.constant 1 : i32
        %ge3A_470 = arith.cmpi sge, %add3A_438, %ge3A : i32
        %convert_element_type3A_471 = arith.extui %ge3A_470 : i1 to i32
        %cond3A_472 = arith.constant 0 : i32
        %cond3A_473 = arith.cmpi ne, %convert_element_type3A_471, %cond3A_472 : i32
        scf.if %cond3A_473 {
          %dma_wait3A_489 = arith.constant 6 : i32
          %dma_wait3A_490 = arith.constant 0 : i32
          %dma_wait3A_491 = arith.constant 0 : i32
          %dma_wait3A_492 = arith.constant 0 : i32
          %dma_wait3A_493 = tpu.memref_slice %arg9[%dma_wait3A_489, %dma_wait3A_491, %dma_wait3A_492] : memref<8x128x16xf32, #tpu.memory_space<vmem>> -> memref<1x128x16xf32, #tpu.memory_space<vmem>>
          %dma_wait3A_494 = tpu.memref_squeeze %dma_wait3A_493 : memref<1x128x16xf32, #tpu.memory_space<vmem>> -> memref<128x16xf32, #tpu.memory_space<vmem>>
          %dma_wait3A_495 = arith.constant 0 : i32
          %dma_wait3A_496 = tpu.memref_slice %arg8[%dma_wait3A_490, %dma_wait3A_495] : memref<40x128xi32, #tpu.memory_space<vmem>> -> memref<1x128xi32, #tpu.memory_space<vmem>>
          %dma_wait3A_497 = tpu.memref_squeeze %dma_wait3A_496 : memref<1x128xi32, #tpu.memory_space<vmem>> -> memref<128xi32, #tpu.memory_space<vmem>>
          %dma_wait3A_498 = arith.constant 0 : i32
          %dma_wait3A_499 = arith.constant 0 : i32
          %dma_wait3A_500 = tpu.memref_slice %arg11[%dma_wait3A_498, %dma_wait3A_499] : memref<10240x16xf32, #tpu.memory_space<vmem_shared>> -> memref<10240x16xf32, #tpu.memory_space<vmem_shared>>
          tpu.wait_indirect_dma semaphore(%arg26 : memref<!tpu.dma_semaphore, #tpu.memory_space<semaphore_mem>>) src(%dma_wait3A_494 : memref<128x16xf32, #tpu.memory_space<vmem>>) dst(%dma_wait3A_500 : memref<10240x16xf32, #tpu.memory_space<vmem_shared>>)
        } else {
        }
        %add3A_474 = arith.constant 8 : i32
        %add3A_475 = arith.addi %add3A_438, %add3A_474 : i32
        %sub3A_476 = arith.constant 1 : i32
        %sub3A_477 = arith.subi %add3A_475, %sub3A_476 : i32
        %dma_start3A_478 = arith.constant 6 : i32
        %dma_start3A_479 = arith.constant 0 : i32
        %dma_start3A_480 = arith.constant 0 : i32
        %dma_start3A_481 = tpu.memref_slice %arg9[%dma_start3A_478, %dma_start3A_479, %dma_start3A_480] : memref<8x128x16xf32, #tpu.memory_space<vmem>> -> memref<1x128x16xf32, #tpu.memory_space<vmem>>
        %dma_start3A_482 = tpu.memref_squeeze %dma_start3A_481 : memref<1x128x16xf32, #tpu.memory_space<vmem>> -> memref<128x16xf32, #tpu.memory_space<vmem>>
        %dma_start3A_483 = arith.constant 0 : i32
        %dma_start3A_484 = tpu.memref_slice %arg7[%sub3A_477, %dma_start3A_483] : memref<40x128xi32, #tpu.memory_space<vmem>> -> memref<1x128xi32, #tpu.memory_space<vmem>>
        %dma_start3A_485 = tpu.memref_squeeze %dma_start3A_484 : memref<1x128xi32, #tpu.memory_space<vmem>> -> memref<128xi32, #tpu.memory_space<vmem>>
        %dma_start3A_486 = arith.constant 0 : i32
        %dma_start3A_487 = arith.constant 0 : i32
        %dma_start3A_488 = tpu.memref_slice %arg10[%dma_start3A_486, %dma_start3A_487] : memref<10000x16xf32, #tpu.memory_space<vmem_shared>> -> memref<10000x16xf32, #tpu.memory_space<vmem_shared>>
        tpu.enqueue_indirect_dma source(%dma_start3A_488 : memref<10000x16xf32, #tpu.memory_space<vmem_shared>>) target(%dma_start3A_482 : memref<128x16xf32, #tpu.memory_space<vmem>>) offsets(%dma_start3A_485 : memref<128xi32, #tpu.memory_space<vmem>>) semaphore(%arg18 : memref<!tpu.dma_semaphore, #tpu.memory_space<semaphore_mem>>)
      } else {
      }
    }
    %scan3A_94 = arith.constant 5 : i32
    %dma_wait3A = arith.constant 0 : i32
    %dma_wait3A_95 = arith.constant 0 : i32
    %dma_wait3A_96 = arith.constant 0 : i32
    %dma_wait3A_97 = arith.constant 0 : i32
    %dma_wait3A_98 = tpu.memref_slice %arg9[%dma_wait3A, %dma_wait3A_96, %dma_wait3A_97] : memref<8x128x16xf32, #tpu.memory_space<vmem>> -> memref<1x128x16xf32, #tpu.memory_space<vmem>>
    %dma_wait3A_99 = tpu.memref_squeeze %dma_wait3A_98 : memref<1x128x16xf32, #tpu.memory_space<vmem>> -> memref<128x16xf32, #tpu.memory_space<vmem>>
    %dma_wait3A_100 = arith.constant 0 : i32
    %dma_wait3A_101 = tpu.memref_slice %arg8[%dma_wait3A_95, %dma_wait3A_100] : memref<40x128xi32, #tpu.memory_space<vmem>> -> memref<1x128xi32, #tpu.memory_space<vmem>>
    %dma_wait3A_102 = tpu.memref_squeeze %dma_wait3A_101 : memref<1x128xi32, #tpu.memory_space<vmem>> -> memref<128xi32, #tpu.memory_space<vmem>>
    %dma_wait3A_103 = arith.constant 0 : i32
    %dma_wait3A_104 = arith.constant 0 : i32
    %dma_wait3A_105 = tpu.memref_slice %arg11[%dma_wait3A_103, %dma_wait3A_104] : memref<10240x16xf32, #tpu.memory_space<vmem_shared>> -> memref<10240x16xf32, #tpu.memory_space<vmem_shared>>
    tpu.wait_indirect_dma semaphore(%arg20 : memref<!tpu.dma_semaphore, #tpu.memory_space<semaphore_mem>>) src(%dma_wait3A_99 : memref<128x16xf32, #tpu.memory_space<vmem>>) dst(%dma_wait3A_105 : memref<10240x16xf32, #tpu.memory_space<vmem_shared>>)
    %dma_wait3A_106 = arith.constant 1 : i32
    %dma_wait3A_107 = arith.constant 0 : i32
    %dma_wait3A_108 = arith.constant 0 : i32
    %dma_wait3A_109 = arith.constant 0 : i32
    %dma_wait3A_110 = tpu.memref_slice %arg9[%dma_wait3A_106, %dma_wait3A_108, %dma_wait3A_109] : memref<8x128x16xf32, #tpu.memory_space<vmem>> -> memref<1x128x16xf32, #tpu.memory_space<vmem>>
    %dma_wait3A_111 = tpu.memref_squeeze %dma_wait3A_110 : memref<1x128x16xf32, #tpu.memory_space<vmem>> -> memref<128x16xf32, #tpu.memory_space<vmem>>
    %dma_wait3A_112 = arith.constant 0 : i32
    %dma_wait3A_113 = tpu.memref_slice %arg8[%dma_wait3A_107, %dma_wait3A_112] : memref<40x128xi32, #tpu.memory_space<vmem>> -> memref<1x128xi32, #tpu.memory_space<vmem>>
    %dma_wait3A_114 = tpu.memref_squeeze %dma_wait3A_113 : memref<1x128xi32, #tpu.memory_space<vmem>> -> memref<128xi32, #tpu.memory_space<vmem>>
    %dma_wait3A_115 = arith.constant 0 : i32
    %dma_wait3A_116 = arith.constant 0 : i32
    %dma_wait3A_117 = tpu.memref_slice %arg11[%dma_wait3A_115, %dma_wait3A_116] : memref<10240x16xf32, #tpu.memory_space<vmem_shared>> -> memref<10240x16xf32, #tpu.memory_space<vmem_shared>>
    tpu.wait_indirect_dma semaphore(%arg21 : memref<!tpu.dma_semaphore, #tpu.memory_space<semaphore_mem>>) src(%dma_wait3A_111 : memref<128x16xf32, #tpu.memory_space<vmem>>) dst(%dma_wait3A_117 : memref<10240x16xf32, #tpu.memory_space<vmem_shared>>)
    %dma_wait3A_118 = arith.constant 2 : i32
    %dma_wait3A_119 = arith.constant 0 : i32
    %dma_wait3A_120 = arith.constant 0 : i32
    %dma_wait3A_121 = arith.constant 0 : i32
    %dma_wait3A_122 = tpu.memref_slice %arg9[%dma_wait3A_118, %dma_wait3A_120, %dma_wait3A_121] : memref<8x128x16xf32, #tpu.memory_space<vmem>> -> memref<1x128x16xf32, #tpu.memory_space<vmem>>
    %dma_wait3A_123 = tpu.memref_squeeze %dma_wait3A_122 : memref<1x128x16xf32, #tpu.memory_space<vmem>> -> memref<128x16xf32, #tpu.memory_space<vmem>>
    %dma_wait3A_124 = arith.constant 0 : i32
    %dma_wait3A_125 = tpu.memref_slice %arg8[%dma_wait3A_119, %dma_wait3A_124] : memref<40x128xi32, #tpu.memory_space<vmem>> -> memref<1x128xi32, #tpu.memory_space<vmem>>
    %dma_wait3A_126 = tpu.memref_squeeze %dma_wait3A_125 : memref<1x128xi32, #tpu.memory_space<vmem>> -> memref<128xi32, #tpu.memory_space<vmem>>
    %dma_wait3A_127 = arith.constant 0 : i32
    %dma_wait3A_128 = arith.constant 0 : i32
    %dma_wait3A_129 = tpu.memref_slice %arg11[%dma_wait3A_127, %dma_wait3A_128] : memref<10240x16xf32, #tpu.memory_space<vmem_shared>> -> memref<10240x16xf32, #tpu.memory_space<vmem_shared>>
    tpu.wait_indirect_dma semaphore(%arg22 : memref<!tpu.dma_semaphore, #tpu.memory_space<semaphore_mem>>) src(%dma_wait3A_123 : memref<128x16xf32, #tpu.memory_space<vmem>>) dst(%dma_wait3A_129 : memref<10240x16xf32, #tpu.memory_space<vmem_shared>>)
    %dma_wait3A_130 = arith.constant 3 : i32
    %dma_wait3A_131 = arith.constant 0 : i32
    %dma_wait3A_132 = arith.constant 0 : i32
    %dma_wait3A_133 = arith.constant 0 : i32
    %dma_wait3A_134 = tpu.memref_slice %arg9[%dma_wait3A_130, %dma_wait3A_132, %dma_wait3A_133] : memref<8x128x16xf32, #tpu.memory_space<vmem>> -> memref<1x128x16xf32, #tpu.memory_space<vmem>>
    %dma_wait3A_135 = tpu.memref_squeeze %dma_wait3A_134 : memref<1x128x16xf32, #tpu.memory_space<vmem>> -> memref<128x16xf32, #tpu.memory_space<vmem>>
    %dma_wait3A_136 = arith.constant 0 : i32
    %dma_wait3A_137 = tpu.memref_slice %arg8[%dma_wait3A_131, %dma_wait3A_136] : memref<40x128xi32, #tpu.memory_space<vmem>> -> memref<1x128xi32, #tpu.memory_space<vmem>>
    %dma_wait3A_138 = tpu.memref_squeeze %dma_wait3A_137 : memref<1x128xi32, #tpu.memory_space<vmem>> -> memref<128xi32, #tpu.memory_space<vmem>>
    %dma_wait3A_139 = arith.constant 0 : i32
    %dma_wait3A_140 = arith.constant 0 : i32
    %dma_wait3A_141 = tpu.memref_slice %arg11[%dma_wait3A_139, %dma_wait3A_140] : memref<10240x16xf32, #tpu.memory_space<vmem_shared>> -> memref<10240x16xf32, #tpu.memory_space<vmem_shared>>
    tpu.wait_indirect_dma semaphore(%arg23 : memref<!tpu.dma_semaphore, #tpu.memory_space<semaphore_mem>>) src(%dma_wait3A_135 : memref<128x16xf32, #tpu.memory_space<vmem>>) dst(%dma_wait3A_141 : memref<10240x16xf32, #tpu.memory_space<vmem_shared>>)
    %dma_wait3A_142 = arith.constant 4 : i32
    %dma_wait3A_143 = arith.constant 0 : i32
    %dma_wait3A_144 = arith.constant 0 : i32
    %dma_wait3A_145 = arith.constant 0 : i32
    %dma_wait3A_146 = tpu.memref_slice %arg9[%dma_wait3A_142, %dma_wait3A_144, %dma_wait3A_145] : memref<8x128x16xf32, #tpu.memory_space<vmem>> -> memref<1x128x16xf32, #tpu.memory_space<vmem>>
    %dma_wait3A_147 = tpu.memref_squeeze %dma_wait3A_146 : memref<1x128x16xf32, #tpu.memory_space<vmem>> -> memref<128x16xf32, #tpu.memory_space<vmem>>
    %dma_wait3A_148 = arith.constant 0 : i32
    %dma_wait3A_149 = tpu.memref_slice %arg8[%dma_wait3A_143, %dma_wait3A_148] : memref<40x128xi32, #tpu.memory_space<vmem>> -> memref<1x128xi32, #tpu.memory_space<vmem>>
    %dma_wait3A_150 = tpu.memref_squeeze %dma_wait3A_149 : memref<1x128xi32, #tpu.memory_space<vmem>> -> memref<128xi32, #tpu.memory_space<vmem>>
    %dma_wait3A_151 = arith.constant 0 : i32
    %dma_wait3A_152 = arith.constant 0 : i32
    %dma_wait3A_153 = tpu.memref_slice %arg11[%dma_wait3A_151, %dma_wait3A_152] : memref<10240x16xf32, #tpu.memory_space<vmem_shared>> -> memref<10240x16xf32, #tpu.memory_space<vmem_shared>>
    tpu.wait_indirect_dma semaphore(%arg24 : memref<!tpu.dma_semaphore, #tpu.memory_space<semaphore_mem>>) src(%dma_wait3A_147 : memref<128x16xf32, #tpu.memory_space<vmem>>) dst(%dma_wait3A_153 : memref<10240x16xf32, #tpu.memory_space<vmem_shared>>)
    %dma_wait3A_154 = arith.constant 5 : i32
    %dma_wait3A_155 = arith.constant 0 : i32
    %dma_wait3A_156 = arith.constant 0 : i32
    %dma_wait3A_157 = arith.constant 0 : i32
    %dma_wait3A_158 = tpu.memref_slice %arg9[%dma_wait3A_154, %dma_wait3A_156, %dma_wait3A_157] : memref<8x128x16xf32, #tpu.memory_space<vmem>> -> memref<1x128x16xf32, #tpu.memory_space<vmem>>
    %dma_wait3A_159 = tpu.memref_squeeze %dma_wait3A_158 : memref<1x128x16xf32, #tpu.memory_space<vmem>> -> memref<128x16xf32, #tpu.memory_space<vmem>>
    %dma_wait3A_160 = arith.constant 0 : i32
    %dma_wait3A_161 = tpu.memref_slice %arg8[%dma_wait3A_155, %dma_wait3A_160] : memref<40x128xi32, #tpu.memory_space<vmem>> -> memref<1x128xi32, #tpu.memory_space<vmem>>
    %dma_wait3A_162 = tpu.memref_squeeze %dma_wait3A_161 : memref<1x128xi32, #tpu.memory_space<vmem>> -> memref<128xi32, #tpu.memory_space<vmem>>
    %dma_wait3A_163 = arith.constant 0 : i32
    %dma_wait3A_164 = arith.constant 0 : i32
    %dma_wait3A_165 = tpu.memref_slice %arg11[%dma_wait3A_163, %dma_wait3A_164] : memref<10240x16xf32, #tpu.memory_space<vmem_shared>> -> memref<10240x16xf32, #tpu.memory_space<vmem_shared>>
    tpu.wait_indirect_dma semaphore(%arg25 : memref<!tpu.dma_semaphore, #tpu.memory_space<semaphore_mem>>) src(%dma_wait3A_159 : memref<128x16xf32, #tpu.memory_space<vmem>>) dst(%dma_wait3A_165 : memref<10240x16xf32, #tpu.memory_space<vmem_shared>>)
    %dma_wait3A_166 = arith.constant 6 : i32
    %dma_wait3A_167 = arith.constant 0 : i32
    %dma_wait3A_168 = arith.constant 0 : i32
    %dma_wait3A_169 = arith.constant 0 : i32
    %dma_wait3A_170 = tpu.memref_slice %arg9[%dma_wait3A_166, %dma_wait3A_168, %dma_wait3A_169] : memref<8x128x16xf32, #tpu.memory_space<vmem>> -> memref<1x128x16xf32, #tpu.memory_space<vmem>>
    %dma_wait3A_171 = tpu.memref_squeeze %dma_wait3A_170 : memref<1x128x16xf32, #tpu.memory_space<vmem>> -> memref<128x16xf32, #tpu.memory_space<vmem>>
    %dma_wait3A_172 = arith.constant 0 : i32
    %dma_wait3A_173 = tpu.memref_slice %arg8[%dma_wait3A_167, %dma_wait3A_172] : memref<40x128xi32, #tpu.memory_space<vmem>> -> memref<1x128xi32, #tpu.memory_space<vmem>>
    %dma_wait3A_174 = tpu.memref_squeeze %dma_wait3A_173 : memref<1x128xi32, #tpu.memory_space<vmem>> -> memref<128xi32, #tpu.memory_space<vmem>>
    %dma_wait3A_175 = arith.constant 0 : i32
    %dma_wait3A_176 = arith.constant 0 : i32
    %dma_wait3A_177 = tpu.memref_slice %arg11[%dma_wait3A_175, %dma_wait3A_176] : memref<10240x16xf32, #tpu.memory_space<vmem_shared>> -> memref<10240x16xf32, #tpu.memory_space<vmem_shared>>
    tpu.wait_indirect_dma semaphore(%arg26 : memref<!tpu.dma_semaphore, #tpu.memory_space<semaphore_mem>>) src(%dma_wait3A_171 : memref<128x16xf32, #tpu.memory_space<vmem>>) dst(%dma_wait3A_177 : memref<10240x16xf32, #tpu.memory_space<vmem_shared>>)
    %dma_wait3A_178 = arith.constant 7 : i32
    %dma_wait3A_179 = arith.constant 0 : i32
    %dma_wait3A_180 = arith.constant 0 : i32
    %dma_wait3A_181 = arith.constant 0 : i32
    %dma_wait3A_182 = tpu.memref_slice %arg9[%dma_wait3A_178, %dma_wait3A_180, %dma_wait3A_181] : memref<8x128x16xf32, #tpu.memory_space<vmem>> -> memref<1x128x16xf32, #tpu.memory_space<vmem>>
    %dma_wait3A_183 = tpu.memref_squeeze %dma_wait3A_182 : memref<1x128x16xf32, #tpu.memory_space<vmem>> -> memref<128x16xf32, #tpu.memory_space<vmem>>
    %dma_wait3A_184 = arith.constant 0 : i32
    %dma_wait3A_185 = tpu.memref_slice %arg8[%dma_wait3A_179, %dma_wait3A_184] : memref<40x128xi32, #tpu.memory_space<vmem>> -> memref<1x128xi32, #tpu.memory_space<vmem>>
    %dma_wait3A_186 = tpu.memref_squeeze %dma_wait3A_185 : memref<1x128xi32, #tpu.memory_space<vmem>> -> memref<128xi32, #tpu.memory_space<vmem>>
    %dma_wait3A_187 = arith.constant 0 : i32
    %dma_wait3A_188 = arith.constant 0 : i32
    %dma_wait3A_189 = tpu.memref_slice %arg11[%dma_wait3A_187, %dma_wait3A_188] : memref<10240x16xf32, #tpu.memory_space<vmem_shared>> -> memref<10240x16xf32, #tpu.memory_space<vmem_shared>>
    tpu.wait_indirect_dma semaphore(%arg27 : memref<!tpu.dma_semaphore, #tpu.memory_space<semaphore_mem>>) src(%dma_wait3A_183 : memref<128x16xf32, #tpu.memory_space<vmem>>) dst(%dma_wait3A_189 : memref<10240x16xf32, #tpu.memory_space<vmem_shared>>)
    %barrier3A_190 = arith.constant 0 : index
    tpu.barrier barrier_id(%barrier3A_190)
    %mul3A_191 = arith.constant 16 : i32
    %mul3A_192 = arith.muli %arg0, %mul3A_191 : i32
    "tpu.region"() ({
      %run_scoped3A = tpu.sem_alloc : memref<!tpu.dma_semaphore, #tpu.memory_space<semaphore_mem>>
      %dma_start3A_193 = tpu.memref_slice %arg6[%mul3A_2, %mul3A_192] : memref<10240x128xf32, #tpu.memory_space<hbm>> -> memref<640x16xf32, #tpu.memory_space<hbm>>
      %dma_start3A_194 = arith.constant 0 : i32
      %dma_start3A_195 = tpu.memref_slice %arg11[%mul3A_2, %dma_start3A_194] : memref<10240x16xf32, #tpu.memory_space<vmem_shared>> -> memref<640x16xf32, #tpu.memory_space<vmem_shared>>
      tpu.enqueue_dma source(%dma_start3A_195 : memref<640x16xf32, #tpu.memory_space<vmem_shared>>) target(%dma_start3A_193 : memref<640x16xf32, #tpu.memory_space<hbm>>) target_semaphore(%run_scoped3A : memref<!tpu.dma_semaphore, #tpu.memory_space<semaphore_mem>>)
      %dma_wait3A_196 = tpu.memref_slice %arg6[%mul3A_2, %mul3A_192] : memref<10240x128xf32, #tpu.memory_space<hbm>> -> memref<640x16xf32, #tpu.memory_space<hbm>>
      %dma_wait3A_197 = arith.constant 0 : i32
      %dma_wait3A_198 = tpu.memref_slice %arg11[%mul3A_2, %dma_wait3A_197] : memref<10240x16xf32, #tpu.memory_space<vmem_shared>> -> memref<640x16xf32, #tpu.memory_space<vmem_shared>>
      tpu.wait_dma2 semaphore(%run_scoped3A : memref<!tpu.dma_semaphore, #tpu.memory_space<semaphore_mem>>) src(%dma_wait3A_198 : memref<640x16xf32, #tpu.memory_space<vmem_shared>>) dst(%dma_wait3A_196 : memref<640x16xf32, #tpu.memory_space<hbm>>)
      tpu.yield
    }) : () -> ()
    return
  }
}

#map = affine_map<(d0, d1) -> (0, 0)>
#map1 = affine_map<(d0, d1) -> (0, 0, 0)>
#map2 = affine_map<(d0, d1) -> (0)>
module attributes {stable_mosaic.version = 14 : i64} {
  func.func @k(%arg0: i32, %arg1: i32, %arg2: memref<10000x128xf32, #tpu.memory_space<hbm>>, %arg3: memref<32x40x128xi32, #tpu.memory_space<hbm>>, %arg4: memref<32x40x128xi32, #tpu.memory_space<hbm>>, %arg5: memref<640x64xf32, #tpu.memory_space<hbm>>, %arg6: memref<640xf32, #tpu.memory_space<hbm>>, %arg7: memref<10240x128xf32, #tpu.memory_space<hbm>>, %arg8: memref<2x10240xf32, #tpu.memory_space<hbm>>, %arg9: memref<40x128xi32, #tpu.memory_space<vmem>>, %arg10: memref<40x128xi32, #tpu.memory_space<vmem>>, %arg11: memref<4x128x64xf32, #tpu.memory_space<vmem>>, %arg12: memref<128xf32, #tpu.memory_space<vmem>>, %arg13: memref<10000x64xf32, #tpu.memory_space<vmem_shared>>, %arg14: memref<10240x64xf32, #tpu.memory_space<vmem_shared>>, %arg15: memref<10240xf32, #tpu.memory_space<vmem_shared>>, %arg16: memref<!tpu.dma_semaphore, #tpu.memory_space<semaphore_mem>>, %arg17: memref<!tpu.dma_semaphore, #tpu.memory_space<semaphore_mem>>, %arg18: memref<!tpu.dma_semaphore, #tpu.memory_space<semaphore_mem>>, %arg19: memref<!tpu.dma_semaphore, #tpu.memory_space<semaphore_mem>>, %arg20: memref<!tpu.dma_semaphore, #tpu.memory_space<semaphore_mem>>, %arg21: memref<!tpu.dma_semaphore, #tpu.memory_space<semaphore_mem>>, %arg22: memref<!tpu.dma_semaphore, #tpu.memory_space<semaphore_mem>>, %arg23: memref<!tpu.dma_semaphore, #tpu.memory_space<semaphore_mem>>, %arg24: memref<!tpu.dma_semaphore, #tpu.memory_space<semaphore_mem>>) attributes {dimension_semantics = [#tpu.dimension_semantics<core_parallel>, #tpu.dimension_semantics<subcore_parallel>], iteration_bounds = array<i64: 2, 16>, scalar_prefetch = 0 : i64, scratch_operands = 16 : i64, tpu.core_type = #tpu.core_type<sc_vector_subcore>, window_params = [{transform_indices = #map}, {transform_indices = #map1}, {transform_indices = #map1}, {transform_indices = #map}, {transform_indices = #map2}, {transform_indices = #map}, {transform_indices = #map}]} {
    %mul3A = arith.constant 2 : i32
    %mul3A_0 = arith.muli %arg1, %mul3A : i32
    %add3A = arith.addi %mul3A_0, %arg0 : i32
    %mul3A_1 = arith.constant 640 : i32
    %mul3A_2 = arith.muli %arg1, %mul3A_1 : i32
    "tpu.region"() ({
      %run_scoped3A = tpu.sem_alloc : memref<!tpu.dma_semaphore, #tpu.memory_space<semaphore_mem>>
      %dma_start3A_149 = arith.constant 0 : i32
      %dma_start3A_150 = arith.constant 0 : i32
      %dma_start3A_151 = tpu.memref_slice %arg3[%add3A, %dma_start3A_149, %dma_start3A_150] : memref<32x40x128xi32, #tpu.memory_space<hbm>> -> memref<1x40x128xi32, #tpu.memory_space<hbm>>
      %dma_start3A_152 = tpu.memref_squeeze %dma_start3A_151 : memref<1x40x128xi32, #tpu.memory_space<hbm>> -> memref<40x128xi32, #tpu.memory_space<hbm>>
      %dma_start3A_153 = arith.constant 0 : i32
      %dma_start3A_154 = arith.constant 0 : i32
      %dma_start3A_155 = tpu.memref_slice %arg3[%add3A, %dma_start3A_153, %dma_start3A_154] : memref<32x40x128xi32, #tpu.memory_space<hbm>> -> memref<1x40x128xi32, #tpu.memory_space<hbm>>
      %dma_start3A_156 = tpu.memref_squeeze %dma_start3A_155 : memref<1x40x128xi32, #tpu.memory_space<hbm>> -> memref<40x128xi32, #tpu.memory_space<hbm>>
      tpu.enqueue_dma source(%dma_start3A_156 : memref<40x128xi32, #tpu.memory_space<hbm>>) target(%arg9 : memref<40x128xi32, #tpu.memory_space<vmem>>) target_semaphore(%run_scoped3A : memref<!tpu.dma_semaphore, #tpu.memory_space<semaphore_mem>>)
      %dma_wait3A_157 = arith.constant 0 : i32
      %dma_wait3A_158 = arith.constant 0 : i32
      %dma_wait3A_159 = tpu.memref_slice %arg3[%add3A, %dma_wait3A_157, %dma_wait3A_158] : memref<32x40x128xi32, #tpu.memory_space<hbm>> -> memref<1x40x128xi32, #tpu.memory_space<hbm>>
      %dma_wait3A_160 = tpu.memref_squeeze %dma_wait3A_159 : memref<1x40x128xi32, #tpu.memory_space<hbm>> -> memref<40x128xi32, #tpu.memory_space<hbm>>
      %dma_wait3A_161 = arith.constant 0 : i32
      %dma_wait3A_162 = arith.constant 0 : i32
      %dma_wait3A_163 = tpu.memref_slice %arg3[%add3A, %dma_wait3A_161, %dma_wait3A_162] : memref<32x40x128xi32, #tpu.memory_space<hbm>> -> memref<1x40x128xi32, #tpu.memory_space<hbm>>
      %dma_wait3A_164 = tpu.memref_squeeze %dma_wait3A_163 : memref<1x40x128xi32, #tpu.memory_space<hbm>> -> memref<40x128xi32, #tpu.memory_space<hbm>>
      tpu.wait_dma2 semaphore(%run_scoped3A : memref<!tpu.dma_semaphore, #tpu.memory_space<semaphore_mem>>) src(%dma_wait3A_164 : memref<40x128xi32, #tpu.memory_space<hbm>>) dst(%arg9 : memref<40x128xi32, #tpu.memory_space<vmem>>)
      tpu.yield
    }) : () -> ()
    "tpu.region"() ({
      %run_scoped3A = tpu.sem_alloc : memref<!tpu.dma_semaphore, #tpu.memory_space<semaphore_mem>>
      %dma_start3A_149 = arith.constant 0 : i32
      %dma_start3A_150 = arith.constant 0 : i32
      %dma_start3A_151 = tpu.memref_slice %arg4[%add3A, %dma_start3A_149, %dma_start3A_150] : memref<32x40x128xi32, #tpu.memory_space<hbm>> -> memref<1x40x128xi32, #tpu.memory_space<hbm>>
      %dma_start3A_152 = tpu.memref_squeeze %dma_start3A_151 : memref<1x40x128xi32, #tpu.memory_space<hbm>> -> memref<40x128xi32, #tpu.memory_space<hbm>>
      %dma_start3A_153 = arith.constant 0 : i32
      %dma_start3A_154 = arith.constant 0 : i32
      %dma_start3A_155 = tpu.memref_slice %arg4[%add3A, %dma_start3A_153, %dma_start3A_154] : memref<32x40x128xi32, #tpu.memory_space<hbm>> -> memref<1x40x128xi32, #tpu.memory_space<hbm>>
      %dma_start3A_156 = tpu.memref_squeeze %dma_start3A_155 : memref<1x40x128xi32, #tpu.memory_space<hbm>> -> memref<40x128xi32, #tpu.memory_space<hbm>>
      tpu.enqueue_dma source(%dma_start3A_156 : memref<40x128xi32, #tpu.memory_space<hbm>>) target(%arg10 : memref<40x128xi32, #tpu.memory_space<vmem>>) target_semaphore(%run_scoped3A : memref<!tpu.dma_semaphore, #tpu.memory_space<semaphore_mem>>)
      %dma_wait3A_157 = arith.constant 0 : i32
      %dma_wait3A_158 = arith.constant 0 : i32
      %dma_wait3A_159 = tpu.memref_slice %arg4[%add3A, %dma_wait3A_157, %dma_wait3A_158] : memref<32x40x128xi32, #tpu.memory_space<hbm>> -> memref<1x40x128xi32, #tpu.memory_space<hbm>>
      %dma_wait3A_160 = tpu.memref_squeeze %dma_wait3A_159 : memref<1x40x128xi32, #tpu.memory_space<hbm>> -> memref<40x128xi32, #tpu.memory_space<hbm>>
      %dma_wait3A_161 = arith.constant 0 : i32
      %dma_wait3A_162 = arith.constant 0 : i32
      %dma_wait3A_163 = tpu.memref_slice %arg4[%add3A, %dma_wait3A_161, %dma_wait3A_162] : memref<32x40x128xi32, #tpu.memory_space<hbm>> -> memref<1x40x128xi32, #tpu.memory_space<hbm>>
      %dma_wait3A_164 = tpu.memref_squeeze %dma_wait3A_163 : memref<1x40x128xi32, #tpu.memory_space<hbm>> -> memref<40x128xi32, #tpu.memory_space<hbm>>
      tpu.wait_dma2 semaphore(%run_scoped3A : memref<!tpu.dma_semaphore, #tpu.memory_space<semaphore_mem>>) src(%dma_wait3A_164 : memref<40x128xi32, #tpu.memory_space<hbm>>) dst(%arg10 : memref<40x128xi32, #tpu.memory_space<vmem>>)
      tpu.yield
    }) : () -> ()
    %mul3A_3 = arith.constant 625 : i32
    %mul3A_4 = arith.muli %arg1, %mul3A_3 : i32
    %mul3A_5 = arith.constant 625 : i32
    %mul3A_6 = arith.muli %arg1, %mul3A_5 : i32
    "tpu.region"() ({
      %run_scoped3A = tpu.sem_alloc : memref<!tpu.dma_semaphore, #tpu.memory_space<semaphore_mem>>
      %dma_start3A_149 = arith.constant 0 : i32
      %dma_start3A_150 = tpu.memref_slice %arg13[%mul3A_6, %dma_start3A_149] : memref<10000x64xf32, #tpu.memory_space<vmem_shared>> -> memref<625x64xf32, #tpu.memory_space<vmem_shared>>
      %dma_start3A_151 = arith.constant 0 : i32
      %dma_start3A_152 = tpu.memref_slice %arg2[%mul3A_4, %dma_start3A_151] : memref<10000x128xf32, #tpu.memory_space<hbm>> -> memref<625x64xf32, #tpu.memory_space<hbm>>
      tpu.enqueue_dma source(%dma_start3A_152 : memref<625x64xf32, #tpu.memory_space<hbm>>) target(%dma_start3A_150 : memref<625x64xf32, #tpu.memory_space<vmem_shared>>) target_semaphore(%run_scoped3A : memref<!tpu.dma_semaphore, #tpu.memory_space<semaphore_mem>>)
      %dma_wait3A_153 = arith.constant 0 : i32
      %dma_wait3A_154 = tpu.memref_slice %arg13[%mul3A_6, %dma_wait3A_153] : memref<10000x64xf32, #tpu.memory_space<vmem_shared>> -> memref<625x64xf32, #tpu.memory_space<vmem_shared>>
      %dma_wait3A_155 = arith.constant 0 : i32
      %dma_wait3A_156 = tpu.memref_slice %arg2[%mul3A_4, %dma_wait3A_155] : memref<10000x128xf32, #tpu.memory_space<hbm>> -> memref<625x64xf32, #tpu.memory_space<hbm>>
      tpu.wait_dma2 semaphore(%run_scoped3A : memref<!tpu.dma_semaphore, #tpu.memory_space<semaphore_mem>>) src(%dma_wait3A_156 : memref<625x64xf32, #tpu.memory_space<hbm>>) dst(%dma_wait3A_154 : memref<625x64xf32, #tpu.memory_space<vmem_shared>>)
      tpu.yield
    }) : () -> ()
    "tpu.region"() ({
      %run_scoped3A = tpu.sem_alloc : memref<!tpu.dma_semaphore, #tpu.memory_space<semaphore_mem>>
      %dma_start3A_149 = arith.constant 0 : i32
      %dma_start3A_150 = tpu.memref_slice %arg14[%mul3A_2, %dma_start3A_149] : memref<10240x64xf32, #tpu.memory_space<vmem_shared>> -> memref<640x64xf32, #tpu.memory_space<vmem_shared>>
      tpu.enqueue_dma source(%arg5 : memref<640x64xf32, #tpu.memory_space<hbm>>) target(%dma_start3A_150 : memref<640x64xf32, #tpu.memory_space<vmem_shared>>) target_semaphore(%run_scoped3A : memref<!tpu.dma_semaphore, #tpu.memory_space<semaphore_mem>>)
      %dma_wait3A_151 = arith.constant 0 : i32
      %dma_wait3A_152 = tpu.memref_slice %arg14[%mul3A_2, %dma_wait3A_151] : memref<10240x64xf32, #tpu.memory_space<vmem_shared>> -> memref<640x64xf32, #tpu.memory_space<vmem_shared>>
      tpu.wait_dma2 semaphore(%run_scoped3A : memref<!tpu.dma_semaphore, #tpu.memory_space<semaphore_mem>>) src(%arg5 : memref<640x64xf32, #tpu.memory_space<hbm>>) dst(%dma_wait3A_152 : memref<640x64xf32, #tpu.memory_space<vmem_shared>>)
      tpu.yield
    }) : () -> ()
    "tpu.region"() ({
      %run_scoped3A = tpu.sem_alloc : memref<!tpu.dma_semaphore, #tpu.memory_space<semaphore_mem>>
      %dma_start3A_149 = tpu.memref_slice %arg15[%mul3A_2] : memref<10240xf32, #tpu.memory_space<vmem_shared>> -> memref<640xf32, #tpu.memory_space<vmem_shared>>
      tpu.enqueue_dma source(%arg6 : memref<640xf32, #tpu.memory_space<hbm>>) target(%dma_start3A_149 : memref<640xf32, #tpu.memory_space<vmem_shared>>) target_semaphore(%run_scoped3A : memref<!tpu.dma_semaphore, #tpu.memory_space<semaphore_mem>>)
      %dma_wait3A_150 = tpu.memref_slice %arg15[%mul3A_2] : memref<10240xf32, #tpu.memory_space<vmem_shared>> -> memref<640xf32, #tpu.memory_space<vmem_shared>>
      tpu.wait_dma2 semaphore(%run_scoped3A : memref<!tpu.dma_semaphore, #tpu.memory_space<semaphore_mem>>) src(%arg6 : memref<640xf32, #tpu.memory_space<hbm>>) dst(%dma_wait3A_150 : memref<640xf32, #tpu.memory_space<vmem_shared>>)
      tpu.yield
    }) : () -> ()
    %broadcast_in_dim3A = arith.constant 1.000000e+00 : f32
    %broadcast_in_dim3A_7 = vector.broadcast %broadcast_in_dim3A : f32 to vector<16xf32>
    %swap3A = arith.constant 0 : index
    %swap3A_8 = tpu.vector_load %arg12[%swap3A] {strides = array<i32>} : memref<128xf32, #tpu.memory_space<vmem>>, vector<16xf32>,
    %swap3A_9 = vector.shape_cast %swap3A_8 : vector<16xf32> to vector<16xf32>
    %swap3A_10 = vector.shape_cast %broadcast_in_dim3A_7 : vector<16xf32> to vector<16xf32>
    tpu.vector_store %arg12[%swap3A], %swap3A_10 {strides = array<i32>} : memref<128xf32, #tpu.memory_space<vmem>>, vector<16xf32>,
    %broadcast_in_dim3A_11 = arith.constant 1.000000e+00 : f32
    %broadcast_in_dim3A_12 = vector.broadcast %broadcast_in_dim3A_11 : f32 to vector<16xf32>
    %swap3A_13 = arith.constant 16 : index
    %swap3A_14 = tpu.vector_load %arg12[%swap3A_13] {strides = array<i32>} : memref<128xf32, #tpu.memory_space<vmem>>, vector<16xf32>,
    %swap3A_15 = vector.shape_cast %swap3A_14 : vector<16xf32> to vector<16xf32>
    %swap3A_16 = vector.shape_cast %broadcast_in_dim3A_12 : vector<16xf32> to vector<16xf32>
    tpu.vector_store %arg12[%swap3A_13], %swap3A_16 {strides = array<i32>} : memref<128xf32, #tpu.memory_space<vmem>>, vector<16xf32>,
    %broadcast_in_dim3A_17 = arith.constant 1.000000e+00 : f32
    %broadcast_in_dim3A_18 = vector.broadcast %broadcast_in_dim3A_17 : f32 to vector<16xf32>
    %swap3A_19 = arith.constant 32 : index
    %swap3A_20 = tpu.vector_load %arg12[%swap3A_19] {strides = array<i32>} : memref<128xf32, #tpu.memory_space<vmem>>, vector<16xf32>,
    %swap3A_21 = vector.shape_cast %swap3A_20 : vector<16xf32> to vector<16xf32>
    %swap3A_22 = vector.shape_cast %broadcast_in_dim3A_18 : vector<16xf32> to vector<16xf32>
    tpu.vector_store %arg12[%swap3A_19], %swap3A_22 {strides = array<i32>} : memref<128xf32, #tpu.memory_space<vmem>>, vector<16xf32>,
    %broadcast_in_dim3A_23 = arith.constant 1.000000e+00 : f32
    %broadcast_in_dim3A_24 = vector.broadcast %broadcast_in_dim3A_23 : f32 to vector<16xf32>
    %swap3A_25 = arith.constant 48 : index
    %swap3A_26 = tpu.vector_load %arg12[%swap3A_25] {strides = array<i32>} : memref<128xf32, #tpu.memory_space<vmem>>, vector<16xf32>,
    %swap3A_27 = vector.shape_cast %swap3A_26 : vector<16xf32> to vector<16xf32>
    %swap3A_28 = vector.shape_cast %broadcast_in_dim3A_24 : vector<16xf32> to vector<16xf32>
    tpu.vector_store %arg12[%swap3A_25], %swap3A_28 {strides = array<i32>} : memref<128xf32, #tpu.memory_space<vmem>>, vector<16xf32>,
    %broadcast_in_dim3A_29 = arith.constant 1.000000e+00 : f32
    %broadcast_in_dim3A_30 = vector.broadcast %broadcast_in_dim3A_29 : f32 to vector<16xf32>
    %swap3A_31 = arith.constant 64 : index
    %swap3A_32 = tpu.vector_load %arg12[%swap3A_31] {strides = array<i32>} : memref<128xf32, #tpu.memory_space<vmem>>, vector<16xf32>,
    %swap3A_33 = vector.shape_cast %swap3A_32 : vector<16xf32> to vector<16xf32>
    %swap3A_34 = vector.shape_cast %broadcast_in_dim3A_30 : vector<16xf32> to vector<16xf32>
    tpu.vector_store %arg12[%swap3A_31], %swap3A_34 {strides = array<i32>} : memref<128xf32, #tpu.memory_space<vmem>>, vector<16xf32>,
    %broadcast_in_dim3A_35 = arith.constant 1.000000e+00 : f32
    %broadcast_in_dim3A_36 = vector.broadcast %broadcast_in_dim3A_35 : f32 to vector<16xf32>
    %swap3A_37 = arith.constant 80 : index
    %swap3A_38 = tpu.vector_load %arg12[%swap3A_37] {strides = array<i32>} : memref<128xf32, #tpu.memory_space<vmem>>, vector<16xf32>,
    %swap3A_39 = vector.shape_cast %swap3A_38 : vector<16xf32> to vector<16xf32>
    %swap3A_40 = vector.shape_cast %broadcast_in_dim3A_36 : vector<16xf32> to vector<16xf32>
    tpu.vector_store %arg12[%swap3A_37], %swap3A_40 {strides = array<i32>} : memref<128xf32, #tpu.memory_space<vmem>>, vector<16xf32>,
    %broadcast_in_dim3A_41 = arith.constant 1.000000e+00 : f32
    %broadcast_in_dim3A_42 = vector.broadcast %broadcast_in_dim3A_41 : f32 to vector<16xf32>
    %swap3A_43 = arith.constant 96 : index
    %swap3A_44 = tpu.vector_load %arg12[%swap3A_43] {strides = array<i32>} : memref<128xf32, #tpu.memory_space<vmem>>, vector<16xf32>,
    %swap3A_45 = vector.shape_cast %swap3A_44 : vector<16xf32> to vector<16xf32>
    %swap3A_46 = vector.shape_cast %broadcast_in_dim3A_42 : vector<16xf32> to vector<16xf32>
    tpu.vector_store %arg12[%swap3A_43], %swap3A_46 {strides = array<i32>} : memref<128xf32, #tpu.memory_space<vmem>>, vector<16xf32>,
    %broadcast_in_dim3A_47 = arith.constant 1.000000e+00 : f32
    %broadcast_in_dim3A_48 = vector.broadcast %broadcast_in_dim3A_47 : f32 to vector<16xf32>
    %swap3A_49 = arith.constant 112 : index
    %swap3A_50 = tpu.vector_load %arg12[%swap3A_49] {strides = array<i32>} : memref<128xf32, #tpu.memory_space<vmem>>, vector<16xf32>,
    %swap3A_51 = vector.shape_cast %swap3A_50 : vector<16xf32> to vector<16xf32>
    %swap3A_52 = vector.shape_cast %broadcast_in_dim3A_48 : vector<16xf32> to vector<16xf32>
    tpu.vector_store %arg12[%swap3A_49], %swap3A_52 {strides = array<i32>} : memref<128xf32, #tpu.memory_space<vmem>>, vector<16xf32>,
    %barrier3A = arith.constant 0 : index
    tpu.barrier barrier_id(%barrier3A)
    %dma_start3A = arith.constant 0 : i32
    %dma_start3A_53 = arith.constant 0 : i32
    %dma_start3A_54 = arith.constant 0 : i32
    %dma_start3A_55 = arith.constant 0 : i32
    %dma_start3A_56 = tpu.memref_slice %arg11[%dma_start3A_53, %dma_start3A_54, %dma_start3A_55] : memref<4x128x64xf32, #tpu.memory_space<vmem>> -> memref<1x128x64xf32, #tpu.memory_space<vmem>>
    %dma_start3A_57 = tpu.memref_squeeze %dma_start3A_56 : memref<1x128x64xf32, #tpu.memory_space<vmem>> -> memref<128x64xf32, #tpu.memory_space<vmem>>
    %dma_start3A_58 = arith.constant 0 : i32
    %dma_start3A_59 = tpu.memref_slice %arg9[%dma_start3A, %dma_start3A_58] : memref<40x128xi32, #tpu.memory_space<vmem>> -> memref<1x128xi32, #tpu.memory_space<vmem>>
    %dma_start3A_60 = tpu.memref_squeeze %dma_start3A_59 : memref<1x128xi32, #tpu.memory_space<vmem>> -> memref<128xi32, #tpu.memory_space<vmem>>
    %dma_start3A_61 = arith.constant 0 : i32
    %dma_start3A_62 = arith.constant 0 : i32
    %dma_start3A_63 = tpu.memref_slice %arg13[%dma_start3A_61, %dma_start3A_62] : memref<10000x64xf32, #tpu.memory_space<vmem_shared>> -> memref<10000x64xf32, #tpu.memory_space<vmem_shared>>
    tpu.enqueue_indirect_dma source(%dma_start3A_63 : memref<10000x64xf32, #tpu.memory_space<vmem_shared>>) target(%dma_start3A_57 : memref<128x64xf32, #tpu.memory_space<vmem>>) offsets(%dma_start3A_60 : memref<128xi32, #tpu.memory_space<vmem>>) semaphore(%arg16 : memref<!tpu.dma_semaphore, #tpu.memory_space<semaphore_mem>>)
    %dma_start3A_64 = arith.constant 1 : i32
    %dma_start3A_65 = arith.constant 1 : i32
    %dma_start3A_66 = arith.constant 0 : i32
    %dma_start3A_67 = arith.constant 0 : i32
    %dma_start3A_68 = tpu.memref_slice %arg11[%dma_start3A_65, %dma_start3A_66, %dma_start3A_67] : memref<4x128x64xf32, #tpu.memory_space<vmem>> -> memref<1x128x64xf32, #tpu.memory_space<vmem>>
    %dma_start3A_69 = tpu.memref_squeeze %dma_start3A_68 : memref<1x128x64xf32, #tpu.memory_space<vmem>> -> memref<128x64xf32, #tpu.memory_space<vmem>>
    %dma_start3A_70 = arith.constant 0 : i32
    %dma_start3A_71 = tpu.memref_slice %arg9[%dma_start3A_64, %dma_start3A_70] : memref<40x128xi32, #tpu.memory_space<vmem>> -> memref<1x128xi32, #tpu.memory_space<vmem>>
    %dma_start3A_72 = tpu.memref_squeeze %dma_start3A_71 : memref<1x128xi32, #tpu.memory_space<vmem>> -> memref<128xi32, #tpu.memory_space<vmem>>
    %dma_start3A_73 = arith.constant 0 : i32
    %dma_start3A_74 = arith.constant 0 : i32
    %dma_start3A_75 = tpu.memref_slice %arg13[%dma_start3A_73, %dma_start3A_74] : memref<10000x64xf32, #tpu.memory_space<vmem_shared>> -> memref<10000x64xf32, #tpu.memory_space<vmem_shared>>
    tpu.enqueue_indirect_dma source(%dma_start3A_75 : memref<10000x64xf32, #tpu.memory_space<vmem_shared>>) target(%dma_start3A_69 : memref<128x64xf32, #tpu.memory_space<vmem>>) offsets(%dma_start3A_72 : memref<128xi32, #tpu.memory_space<vmem>>) semaphore(%arg17 : memref<!tpu.dma_semaphore, #tpu.memory_space<semaphore_mem>>)
    %dma_start3A_76 = arith.constant 2 : i32
    %dma_start3A_77 = arith.constant 2 : i32
    %dma_start3A_78 = arith.constant 0 : i32
    %dma_start3A_79 = arith.constant 0 : i32
    %dma_start3A_80 = tpu.memref_slice %arg11[%dma_start3A_77, %dma_start3A_78, %dma_start3A_79] : memref<4x128x64xf32, #tpu.memory_space<vmem>> -> memref<1x128x64xf32, #tpu.memory_space<vmem>>
    %dma_start3A_81 = tpu.memref_squeeze %dma_start3A_80 : memref<1x128x64xf32, #tpu.memory_space<vmem>> -> memref<128x64xf32, #tpu.memory_space<vmem>>
    %dma_start3A_82 = arith.constant 0 : i32
    %dma_start3A_83 = tpu.memref_slice %arg9[%dma_start3A_76, %dma_start3A_82] : memref<40x128xi32, #tpu.memory_space<vmem>> -> memref<1x128xi32, #tpu.memory_space<vmem>>
    %dma_start3A_84 = tpu.memref_squeeze %dma_start3A_83 : memref<1x128xi32, #tpu.memory_space<vmem>> -> memref<128xi32, #tpu.memory_space<vmem>>
    %dma_start3A_85 = arith.constant 0 : i32
    %dma_start3A_86 = arith.constant 0 : i32
    %dma_start3A_87 = tpu.memref_slice %arg13[%dma_start3A_85, %dma_start3A_86] : memref<10000x64xf32, #tpu.memory_space<vmem_shared>> -> memref<10000x64xf32, #tpu.memory_space<vmem_shared>>
    tpu.enqueue_indirect_dma source(%dma_start3A_87 : memref<10000x64xf32, #tpu.memory_space<vmem_shared>>) target(%dma_start3A_81 : memref<128x64xf32, #tpu.memory_space<vmem>>) offsets(%dma_start3A_84 : memref<128xi32, #tpu.memory_space<vmem>>) semaphore(%arg18 : memref<!tpu.dma_semaphore, #tpu.memory_space<semaphore_mem>>)
    %scan3A = arith.constant 0 : i32
    %scan3A_88 = arith.constant 0 : i32
    %scan3A_89 = arith.constant 10 : i32
    %scan3A_90 = arith.addi %scan3A_88, %scan3A_89 : i32
    %scan3A_91 = arith.constant 1 : i32
    scf.for %scan3A_149 = %scan3A_88 to %scan3A_90 step %scan3A_91  : i32 {
      %mul3A_150 = arith.constant 4 : i32
      %mul3A_151 = arith.muli %scan3A_149, %mul3A_150 : i32
      %add3A_152 = arith.constant 0 : i32
      %add3A_153 = arith.addi %mul3A_151, %add3A_152 : i32
      %dma_wait3A_154 = arith.constant 0 : i32
      %dma_wait3A_155 = arith.constant 0 : i32
      %dma_wait3A_156 = arith.constant 0 : i32
      %dma_wait3A_157 = tpu.memref_slice %arg11[%dma_wait3A_154, %dma_wait3A_155, %dma_wait3A_156] : memref<4x128x64xf32, #tpu.memory_space<vmem>> -> memref<1x128x64xf32, #tpu.memory_space<vmem>>
      %dma_wait3A_158 = tpu.memref_squeeze %dma_wait3A_157 : memref<1x128x64xf32, #tpu.memory_space<vmem>> -> memref<128x64xf32, #tpu.memory_space<vmem>>
      %dma_wait3A_159 = arith.constant 0 : i32
      %dma_wait3A_160 = tpu.memref_slice %arg9[%add3A_153, %dma_wait3A_159] : memref<40x128xi32, #tpu.memory_space<vmem>> -> memref<1x128xi32, #tpu.memory_space<vmem>>
      %dma_wait3A_161 = tpu.memref_squeeze %dma_wait3A_160 : memref<1x128xi32, #tpu.memory_space<vmem>> -> memref<128xi32, #tpu.memory_space<vmem>>
      %dma_wait3A_162 = arith.constant 0 : i32
      %dma_wait3A_163 = arith.constant 0 : i32
      %dma_wait3A_164 = tpu.memref_slice %arg13[%dma_wait3A_162, %dma_wait3A_163] : memref<10000x64xf32, #tpu.memory_space<vmem_shared>> -> memref<10000x64xf32, #tpu.memory_space<vmem_shared>>
      tpu.wait_indirect_dma semaphore(%arg16 : memref<!tpu.dma_semaphore, #tpu.memory_space<semaphore_mem>>) src(%dma_wait3A_164 : memref<10000x64xf32, #tpu.memory_space<vmem_shared>>) dst(%dma_wait3A_158 : memref<128x64xf32, #tpu.memory_space<vmem>>)
      %dma_start3A_165 = arith.constant 0 : i32
      %dma_start3A_166 = arith.constant 0 : i32
      %dma_start3A_167 = arith.constant 0 : i32
      %dma_start3A_168 = tpu.memref_slice %arg11[%dma_start3A_165, %dma_start3A_166, %dma_start3A_167] : memref<4x128x64xf32, #tpu.memory_space<vmem>> -> memref<1x128x64xf32, #tpu.memory_space<vmem>>
      %dma_start3A_169 = tpu.memref_squeeze %dma_start3A_168 : memref<1x128x64xf32, #tpu.memory_space<vmem>> -> memref<128x64xf32, #tpu.memory_space<vmem>>
      %dma_start3A_170 = arith.constant 0 : i32
      %dma_start3A_171 = tpu.memref_slice %arg10[%add3A_153, %dma_start3A_170] : memref<40x128xi32, #tpu.memory_space<vmem>> -> memref<1x128xi32, #tpu.memory_space<vmem>>
      %dma_start3A_172 = tpu.memref_squeeze %dma_start3A_171 : memref<1x128xi32, #tpu.memory_space<vmem>> -> memref<128xi32, #tpu.memory_space<vmem>>
      %dma_start3A_173 = arith.constant 0 : i32
      %dma_start3A_174 = arith.constant 0 : i32
      %dma_start3A_175 = tpu.memref_slice %arg14[%dma_start3A_173, %dma_start3A_174] : memref<10240x64xf32, #tpu.memory_space<vmem_shared>> -> memref<10240x64xf32, #tpu.memory_space<vmem_shared>>
      tpu.enqueue_indirect_dma source(%dma_start3A_169 : memref<128x64xf32, #tpu.memory_space<vmem>>) target(%dma_start3A_175 : memref<10240x64xf32, #tpu.memory_space<vmem_shared>>) offsets(%dma_start3A_172 : memref<128xi32, #tpu.memory_space<vmem>>) semaphore(%arg20 : memref<!tpu.dma_semaphore, #tpu.memory_space<semaphore_mem>>) {add = true}
      %dma_start3A_176 = arith.constant 0 : i32
      %dma_start3A_177 = tpu.memref_slice %arg10[%add3A_153, %dma_start3A_176] : memref<40x128xi32, #tpu.memory_space<vmem>> -> memref<1x128xi32, #tpu.memory_space<vmem>>
      %dma_start3A_178 = tpu.memref_squeeze %dma_start3A_177 : memref<1x128xi32, #tpu.memory_space<vmem>> -> memref<128xi32, #tpu.memory_space<vmem>>
      %dma_start3A_179 = arith.constant 0 : i32
      %dma_start3A_180 = tpu.memref_slice %arg15[%dma_start3A_179] : memref<10240xf32, #tpu.memory_space<vmem_shared>> -> memref<10240xf32, #tpu.memory_space<vmem_shared>>
      tpu.enqueue_indirect_dma source(%arg12 : memref<128xf32, #tpu.memory_space<vmem>>) target(%dma_start3A_180 : memref<10240xf32, #tpu.memory_space<vmem_shared>>) offsets(%dma_start3A_178 : memref<128xi32, #tpu.memory_space<vmem>>) semaphore(%arg24 : memref<!tpu.dma_semaphore, #tpu.memory_space<semaphore_mem>>) {add = true}
      %add3A_181 = arith.constant 4 : i32
      %add3A_182 = arith.addi %add3A_153, %add3A_181 : i32
      %sub3A = arith.constant 1 : i32
      %sub3A_183 = arith.subi %add3A_182, %sub3A : i32
      %lt3A = arith.constant 40 : i32
      %lt3A_184 = arith.cmpi slt, %sub3A_183, %lt3A : i32
      %convert_element_type3A = arith.extui %lt3A_184 : i1 to i32
      %cond3A = arith.constant 0 : i32
      %cond3A_185 = arith.cmpi ne, %convert_element_type3A, %cond3A : i32
      scf.if %cond3A_185 {
        %ge3A = arith.constant 1 : i32
        %ge3A_306 = arith.cmpi sge, %add3A_153, %ge3A : i32
        %convert_element_type3A_307 = arith.extui %ge3A_306 : i1 to i32
        %cond3A_308 = arith.constant 0 : i32
        %cond3A_309 = arith.cmpi ne, %convert_element_type3A_307, %cond3A_308 : i32
        scf.if %cond3A_309 {
          %dma_wait3A_325 = arith.constant 3 : i32
          %dma_wait3A_326 = arith.constant 0 : i32
          %dma_wait3A_327 = arith.constant 0 : i32
          %dma_wait3A_328 = arith.constant 0 : i32
          %dma_wait3A_329 = tpu.memref_slice %arg11[%dma_wait3A_325, %dma_wait3A_327, %dma_wait3A_328] : memref<4x128x64xf32, #tpu.memory_space<vmem>> -> memref<1x128x64xf32, #tpu.memory_space<vmem>>
          %dma_wait3A_330 = tpu.memref_squeeze %dma_wait3A_329 : memref<1x128x64xf32, #tpu.memory_space<vmem>> -> memref<128x64xf32, #tpu.memory_space<vmem>>
          %dma_wait3A_331 = arith.constant 0 : i32
          %dma_wait3A_332 = tpu.memref_slice %arg10[%dma_wait3A_326, %dma_wait3A_331] : memref<40x128xi32, #tpu.memory_space<vmem>> -> memref<1x128xi32, #tpu.memory_space<vmem>>
          %dma_wait3A_333 = tpu.memref_squeeze %dma_wait3A_332 : memref<1x128xi32, #tpu.memory_space<vmem>> -> memref<128xi32, #tpu.memory_space<vmem>>
          %dma_wait3A_334 = arith.constant 0 : i32
          %dma_wait3A_335 = arith.constant 0 : i32
          %dma_wait3A_336 = tpu.memref_slice %arg14[%dma_wait3A_334, %dma_wait3A_335] : memref<10240x64xf32, #tpu.memory_space<vmem_shared>> -> memref<10240x64xf32, #tpu.memory_space<vmem_shared>>
          tpu.wait_indirect_dma semaphore(%arg23 : memref<!tpu.dma_semaphore, #tpu.memory_space<semaphore_mem>>) src(%dma_wait3A_330 : memref<128x64xf32, #tpu.memory_space<vmem>>) dst(%dma_wait3A_336 : memref<10240x64xf32, #tpu.memory_space<vmem_shared>>)
        } else {
        }
        %add3A_310 = arith.constant 4 : i32
        %add3A_311 = arith.addi %add3A_153, %add3A_310 : i32
        %sub3A_312 = arith.constant 1 : i32
        %sub3A_313 = arith.subi %add3A_311, %sub3A_312 : i32
        %dma_start3A_314 = arith.constant 3 : i32
        %dma_start3A_315 = arith.constant 0 : i32
        %dma_start3A_316 = arith.constant 0 : i32
        %dma_start3A_317 = tpu.memref_slice %arg11[%dma_start3A_314, %dma_start3A_315, %dma_start3A_316] : memref<4x128x64xf32, #tpu.memory_space<vmem>> -> memref<1x128x64xf32, #tpu.memory_space<vmem>>
        %dma_start3A_318 = tpu.memref_squeeze %dma_start3A_317 : memref<1x128x64xf32, #tpu.memory_space<vmem>> -> memref<128x64xf32, #tpu.memory_space<vmem>>
        %dma_start3A_319 = arith.constant 0 : i32
        %dma_start3A_320 = tpu.memref_slice %arg9[%sub3A_313, %dma_start3A_319] : memref<40x128xi32, #tpu.memory_space<vmem>> -> memref<1x128xi32, #tpu.memory_space<vmem>>
        %dma_start3A_321 = tpu.memref_squeeze %dma_start3A_320 : memref<1x128xi32, #tpu.memory_space<vmem>> -> memref<128xi32, #tpu.memory_space<vmem>>
        %dma_start3A_322 = arith.constant 0 : i32
        %dma_start3A_323 = arith.constant 0 : i32
        %dma_start3A_324 = tpu.memref_slice %arg13[%dma_start3A_322, %dma_start3A_323] : memref<10000x64xf32, #tpu.memory_space<vmem_shared>> -> memref<10000x64xf32, #tpu.memory_space<vmem_shared>>
        tpu.enqueue_indirect_dma source(%dma_start3A_324 : memref<10000x64xf32, #tpu.memory_space<vmem_shared>>) target(%dma_start3A_318 : memref<128x64xf32, #tpu.memory_space<vmem>>) offsets(%dma_start3A_321 : memref<128xi32, #tpu.memory_space<vmem>>) semaphore(%arg19 : memref<!tpu.dma_semaphore, #tpu.memory_space<semaphore_mem>>)
      } else {
      }
      %mul3A_186 = arith.constant 4 : i32
      %mul3A_187 = arith.muli %scan3A_149, %mul3A_186 : i32
      %add3A_188 = arith.constant 1 : i32
      %add3A_189 = arith.addi %mul3A_187, %add3A_188 : i32
      %dma_wait3A_190 = arith.constant 1 : i32
      %dma_wait3A_191 = arith.constant 0 : i32
      %dma_wait3A_192 = arith.constant 0 : i32
      %dma_wait3A_193 = tpu.memref_slice %arg11[%dma_wait3A_190, %dma_wait3A_191, %dma_wait3A_192] : memref<4x128x64xf32, #tpu.memory_space<vmem>> -> memref<1x128x64xf32, #tpu.memory_space<vmem>>
      %dma_wait3A_194 = tpu.memref_squeeze %dma_wait3A_193 : memref<1x128x64xf32, #tpu.memory_space<vmem>> -> memref<128x64xf32, #tpu.memory_space<vmem>>
      %dma_wait3A_195 = arith.constant 0 : i32
      %dma_wait3A_196 = tpu.memref_slice %arg9[%add3A_189, %dma_wait3A_195] : memref<40x128xi32, #tpu.memory_space<vmem>> -> memref<1x128xi32, #tpu.memory_space<vmem>>
      %dma_wait3A_197 = tpu.memref_squeeze %dma_wait3A_196 : memref<1x128xi32, #tpu.memory_space<vmem>> -> memref<128xi32, #tpu.memory_space<vmem>>
      %dma_wait3A_198 = arith.constant 0 : i32
      %dma_wait3A_199 = arith.constant 0 : i32
      %dma_wait3A_200 = tpu.memref_slice %arg13[%dma_wait3A_198, %dma_wait3A_199] : memref<10000x64xf32, #tpu.memory_space<vmem_shared>> -> memref<10000x64xf32, #tpu.memory_space<vmem_shared>>
      tpu.wait_indirect_dma semaphore(%arg17 : memref<!tpu.dma_semaphore, #tpu.memory_space<semaphore_mem>>) src(%dma_wait3A_200 : memref<10000x64xf32, #tpu.memory_space<vmem_shared>>) dst(%dma_wait3A_194 : memref<128x64xf32, #tpu.memory_space<vmem>>)
      %dma_start3A_201 = arith.constant 1 : i32
      %dma_start3A_202 = arith.constant 0 : i32
      %dma_start3A_203 = arith.constant 0 : i32
      %dma_start3A_204 = tpu.memref_slice %arg11[%dma_start3A_201, %dma_start3A_202, %dma_start3A_203] : memref<4x128x64xf32, #tpu.memory_space<vmem>> -> memref<1x128x64xf32, #tpu.memory_space<vmem>>
      %dma_start3A_205 = tpu.memref_squeeze %dma_start3A_204 : memref<1x128x64xf32, #tpu.memory_space<vmem>> -> memref<128x64xf32, #tpu.memory_space<vmem>>
      %dma_start3A_206 = arith.constant 0 : i32
      %dma_start3A_207 = tpu.memref_slice %arg10[%add3A_189, %dma_start3A_206] : memref<40x128xi32, #tpu.memory_space<vmem>> -> memref<1x128xi32, #tpu.memory_space<vmem>>
      %dma_start3A_208 = tpu.memref_squeeze %dma_start3A_207 : memref<1x128xi32, #tpu.memory_space<vmem>> -> memref<128xi32, #tpu.memory_space<vmem>>
      %dma_start3A_209 = arith.constant 0 : i32
      %dma_start3A_210 = arith.constant 0 : i32
      %dma_start3A_211 = tpu.memref_slice %arg14[%dma_start3A_209, %dma_start3A_210] : memref<10240x64xf32, #tpu.memory_space<vmem_shared>> -> memref<10240x64xf32, #tpu.memory_space<vmem_shared>>
      tpu.enqueue_indirect_dma source(%dma_start3A_205 : memref<128x64xf32, #tpu.memory_space<vmem>>) target(%dma_start3A_211 : memref<10240x64xf32, #tpu.memory_space<vmem_shared>>) offsets(%dma_start3A_208 : memref<128xi32, #tpu.memory_space<vmem>>) semaphore(%arg21 : memref<!tpu.dma_semaphore, #tpu.memory_space<semaphore_mem>>) {add = true}
      %dma_start3A_212 = arith.constant 0 : i32
      %dma_start3A_213 = tpu.memref_slice %arg10[%add3A_189, %dma_start3A_212] : memref<40x128xi32, #tpu.memory_space<vmem>> -> memref<1x128xi32, #tpu.memory_space<vmem>>
      %dma_start3A_214 = tpu.memref_squeeze %dma_start3A_213 : memref<1x128xi32, #tpu.memory_space<vmem>> -> memref<128xi32, #tpu.memory_space<vmem>>
      %dma_start3A_215 = arith.constant 0 : i32
      %dma_start3A_216 = tpu.memref_slice %arg15[%dma_start3A_215] : memref<10240xf32, #tpu.memory_space<vmem_shared>> -> memref<10240xf32, #tpu.memory_space<vmem_shared>>
      tpu.enqueue_indirect_dma source(%arg12 : memref<128xf32, #tpu.memory_space<vmem>>) target(%dma_start3A_216 : memref<10240xf32, #tpu.memory_space<vmem_shared>>) offsets(%dma_start3A_214 : memref<128xi32, #tpu.memory_space<vmem>>) semaphore(%arg24 : memref<!tpu.dma_semaphore, #tpu.memory_space<semaphore_mem>>) {add = true}
      %add3A_217 = arith.constant 4 : i32
      %add3A_218 = arith.addi %add3A_189, %add3A_217 : i32
      %sub3A_219 = arith.constant 1 : i32
      %sub3A_220 = arith.subi %add3A_218, %sub3A_219 : i32
      %lt3A_221 = arith.constant 40 : i32
      %lt3A_222 = arith.cmpi slt, %sub3A_220, %lt3A_221 : i32
      %convert_element_type3A_223 = arith.extui %lt3A_222 : i1 to i32
      %cond3A_224 = arith.constant 0 : i32
      %cond3A_225 = arith.cmpi ne, %convert_element_type3A_223, %cond3A_224 : i32
      scf.if %cond3A_225 {
        %ge3A = arith.constant 1 : i32
        %ge3A_306 = arith.cmpi sge, %add3A_189, %ge3A : i32
        %convert_element_type3A_307 = arith.extui %ge3A_306 : i1 to i32
        %cond3A_308 = arith.constant 0 : i32
        %cond3A_309 = arith.cmpi ne, %convert_element_type3A_307, %cond3A_308 : i32
        scf.if %cond3A_309 {
          %dma_wait3A_325 = arith.constant 0 : i32
          %dma_wait3A_326 = arith.constant 0 : i32
          %dma_wait3A_327 = arith.constant 0 : i32
          %dma_wait3A_328 = arith.constant 0 : i32
          %dma_wait3A_329 = tpu.memref_slice %arg11[%dma_wait3A_325, %dma_wait3A_327, %dma_wait3A_328] : memref<4x128x64xf32, #tpu.memory_space<vmem>> -> memref<1x128x64xf32, #tpu.memory_space<vmem>>
          %dma_wait3A_330 = tpu.memref_squeeze %dma_wait3A_329 : memref<1x128x64xf32, #tpu.memory_space<vmem>> -> memref<128x64xf32, #tpu.memory_space<vmem>>
          %dma_wait3A_331 = arith.constant 0 : i32
          %dma_wait3A_332 = tpu.memref_slice %arg10[%dma_wait3A_326, %dma_wait3A_331] : memref<40x128xi32, #tpu.memory_space<vmem>> -> memref<1x128xi32, #tpu.memory_space<vmem>>
          %dma_wait3A_333 = tpu.memref_squeeze %dma_wait3A_332 : memref<1x128xi32, #tpu.memory_space<vmem>> -> memref<128xi32, #tpu.memory_space<vmem>>
          %dma_wait3A_334 = arith.constant 0 : i32
          %dma_wait3A_335 = arith.constant 0 : i32
          %dma_wait3A_336 = tpu.memref_slice %arg14[%dma_wait3A_334, %dma_wait3A_335] : memref<10240x64xf32, #tpu.memory_space<vmem_shared>> -> memref<10240x64xf32, #tpu.memory_space<vmem_shared>>
          tpu.wait_indirect_dma semaphore(%arg20 : memref<!tpu.dma_semaphore, #tpu.memory_space<semaphore_mem>>) src(%dma_wait3A_330 : memref<128x64xf32, #tpu.memory_space<vmem>>) dst(%dma_wait3A_336 : memref<10240x64xf32, #tpu.memory_space<vmem_shared>>)
        } else {
        }
        %add3A_310 = arith.constant 4 : i32
        %add3A_311 = arith.addi %add3A_189, %add3A_310 : i32
        %sub3A_312 = arith.constant 1 : i32
        %sub3A_313 = arith.subi %add3A_311, %sub3A_312 : i32
        %dma_start3A_314 = arith.constant 0 : i32
        %dma_start3A_315 = arith.constant 0 : i32
        %dma_start3A_316 = arith.constant 0 : i32
        %dma_start3A_317 = tpu.memref_slice %arg11[%dma_start3A_314, %dma_start3A_315, %dma_start3A_316] : memref<4x128x64xf32, #tpu.memory_space<vmem>> -> memref<1x128x64xf32, #tpu.memory_space<vmem>>
        %dma_start3A_318 = tpu.memref_squeeze %dma_start3A_317 : memref<1x128x64xf32, #tpu.memory_space<vmem>> -> memref<128x64xf32, #tpu.memory_space<vmem>>
        %dma_start3A_319 = arith.constant 0 : i32
        %dma_start3A_320 = tpu.memref_slice %arg9[%sub3A_313, %dma_start3A_319] : memref<40x128xi32, #tpu.memory_space<vmem>> -> memref<1x128xi32, #tpu.memory_space<vmem>>
        %dma_start3A_321 = tpu.memref_squeeze %dma_start3A_320 : memref<1x128xi32, #tpu.memory_space<vmem>> -> memref<128xi32, #tpu.memory_space<vmem>>
        %dma_start3A_322 = arith.constant 0 : i32
        %dma_start3A_323 = arith.constant 0 : i32
        %dma_start3A_324 = tpu.memref_slice %arg13[%dma_start3A_322, %dma_start3A_323] : memref<10000x64xf32, #tpu.memory_space<vmem_shared>> -> memref<10000x64xf32, #tpu.memory_space<vmem_shared>>
        tpu.enqueue_indirect_dma source(%dma_start3A_324 : memref<10000x64xf32, #tpu.memory_space<vmem_shared>>) target(%dma_start3A_318 : memref<128x64xf32, #tpu.memory_space<vmem>>) offsets(%dma_start3A_321 : memref<128xi32, #tpu.memory_space<vmem>>) semaphore(%arg16 : memref<!tpu.dma_semaphore, #tpu.memory_space<semaphore_mem>>)
      } else {
      }
      %mul3A_226 = arith.constant 4 : i32
      %mul3A_227 = arith.muli %scan3A_149, %mul3A_226 : i32
      %add3A_228 = arith.constant 2 : i32
      %add3A_229 = arith.addi %mul3A_227, %add3A_228 : i32
      %dma_wait3A_230 = arith.constant 2 : i32
      %dma_wait3A_231 = arith.constant 0 : i32
      %dma_wait3A_232 = arith.constant 0 : i32
      %dma_wait3A_233 = tpu.memref_slice %arg11[%dma_wait3A_230, %dma_wait3A_231, %dma_wait3A_232] : memref<4x128x64xf32, #tpu.memory_space<vmem>> -> memref<1x128x64xf32, #tpu.memory_space<vmem>>
      %dma_wait3A_234 = tpu.memref_squeeze %dma_wait3A_233 : memref<1x128x64xf32, #tpu.memory_space<vmem>> -> memref<128x64xf32, #tpu.memory_space<vmem>>
      %dma_wait3A_235 = arith.constant 0 : i32
      %dma_wait3A_236 = tpu.memref_slice %arg9[%add3A_229, %dma_wait3A_235] : memref<40x128xi32, #tpu.memory_space<vmem>> -> memref<1x128xi32, #tpu.memory_space<vmem>>
      %dma_wait3A_237 = tpu.memref_squeeze %dma_wait3A_236 : memref<1x128xi32, #tpu.memory_space<vmem>> -> memref<128xi32, #tpu.memory_space<vmem>>
      %dma_wait3A_238 = arith.constant 0 : i32
      %dma_wait3A_239 = arith.constant 0 : i32
      %dma_wait3A_240 = tpu.memref_slice %arg13[%dma_wait3A_238, %dma_wait3A_239] : memref<10000x64xf32, #tpu.memory_space<vmem_shared>> -> memref<10000x64xf32, #tpu.memory_space<vmem_shared>>
      tpu.wait_indirect_dma semaphore(%arg18 : memref<!tpu.dma_semaphore, #tpu.memory_space<semaphore_mem>>) src(%dma_wait3A_240 : memref<10000x64xf32, #tpu.memory_space<vmem_shared>>) dst(%dma_wait3A_234 : memref<128x64xf32, #tpu.memory_space<vmem>>)
      %dma_start3A_241 = arith.constant 2 : i32
      %dma_start3A_242 = arith.constant 0 : i32
      %dma_start3A_243 = arith.constant 0 : i32
      %dma_start3A_244 = tpu.memref_slice %arg11[%dma_start3A_241, %dma_start3A_242, %dma_start3A_243] : memref<4x128x64xf32, #tpu.memory_space<vmem>> -> memref<1x128x64xf32, #tpu.memory_space<vmem>>
      %dma_start3A_245 = tpu.memref_squeeze %dma_start3A_244 : memref<1x128x64xf32, #tpu.memory_space<vmem>> -> memref<128x64xf32, #tpu.memory_space<vmem>>
      %dma_start3A_246 = arith.constant 0 : i32
      %dma_start3A_247 = tpu.memref_slice %arg10[%add3A_229, %dma_start3A_246] : memref<40x128xi32, #tpu.memory_space<vmem>> -> memref<1x128xi32, #tpu.memory_space<vmem>>
      %dma_start3A_248 = tpu.memref_squeeze %dma_start3A_247 : memref<1x128xi32, #tpu.memory_space<vmem>> -> memref<128xi32, #tpu.memory_space<vmem>>
      %dma_start3A_249 = arith.constant 0 : i32
      %dma_start3A_250 = arith.constant 0 : i32
      %dma_start3A_251 = tpu.memref_slice %arg14[%dma_start3A_249, %dma_start3A_250] : memref<10240x64xf32, #tpu.memory_space<vmem_shared>> -> memref<10240x64xf32, #tpu.memory_space<vmem_shared>>
      tpu.enqueue_indirect_dma source(%dma_start3A_245 : memref<128x64xf32, #tpu.memory_space<vmem>>) target(%dma_start3A_251 : memref<10240x64xf32, #tpu.memory_space<vmem_shared>>) offsets(%dma_start3A_248 : memref<128xi32, #tpu.memory_space<vmem>>) semaphore(%arg22 : memref<!tpu.dma_semaphore, #tpu.memory_space<semaphore_mem>>) {add = true}
      %dma_start3A_252 = arith.constant 0 : i32
      %dma_start3A_253 = tpu.memref_slice %arg10[%add3A_229, %dma_start3A_252] : memref<40x128xi32, #tpu.memory_space<vmem>> -> memref<1x128xi32, #tpu.memory_space<vmem>>
      %dma_start3A_254 = tpu.memref_squeeze %dma_start3A_253 : memref<1x128xi32, #tpu.memory_space<vmem>> -> memref<128xi32, #tpu.memory_space<vmem>>
      %dma_start3A_255 = arith.constant 0 : i32
      %dma_start3A_256 = tpu.memref_slice %arg15[%dma_start3A_255] : memref<10240xf32, #tpu.memory_space<vmem_shared>> -> memref<10240xf32, #tpu.memory_space<vmem_shared>>
      tpu.enqueue_indirect_dma source(%arg12 : memref<128xf32, #tpu.memory_space<vmem>>) target(%dma_start3A_256 : memref<10240xf32, #tpu.memory_space<vmem_shared>>) offsets(%dma_start3A_254 : memref<128xi32, #tpu.memory_space<vmem>>) semaphore(%arg24 : memref<!tpu.dma_semaphore, #tpu.memory_space<semaphore_mem>>) {add = true}
      %add3A_257 = arith.constant 4 : i32
      %add3A_258 = arith.addi %add3A_229, %add3A_257 : i32
      %sub3A_259 = arith.constant 1 : i32
      %sub3A_260 = arith.subi %add3A_258, %sub3A_259 : i32
      %lt3A_261 = arith.constant 40 : i32
      %lt3A_262 = arith.cmpi slt, %sub3A_260, %lt3A_261 : i32
      %convert_element_type3A_263 = arith.extui %lt3A_262 : i1 to i32
      %cond3A_264 = arith.constant 0 : i32
      %cond3A_265 = arith.cmpi ne, %convert_element_type3A_263, %cond3A_264 : i32
      scf.if %cond3A_265 {
        %ge3A = arith.constant 1 : i32
        %ge3A_306 = arith.cmpi sge, %add3A_229, %ge3A : i32
        %convert_element_type3A_307 = arith.extui %ge3A_306 : i1 to i32
        %cond3A_308 = arith.constant 0 : i32
        %cond3A_309 = arith.cmpi ne, %convert_element_type3A_307, %cond3A_308 : i32
        scf.if %cond3A_309 {
          %dma_wait3A_325 = arith.constant 1 : i32
          %dma_wait3A_326 = arith.constant 0 : i32
          %dma_wait3A_327 = arith.constant 0 : i32
          %dma_wait3A_328 = arith.constant 0 : i32
          %dma_wait3A_329 = tpu.memref_slice %arg11[%dma_wait3A_325, %dma_wait3A_327, %dma_wait3A_328] : memref<4x128x64xf32, #tpu.memory_space<vmem>> -> memref<1x128x64xf32, #tpu.memory_space<vmem>>
          %dma_wait3A_330 = tpu.memref_squeeze %dma_wait3A_329 : memref<1x128x64xf32, #tpu.memory_space<vmem>> -> memref<128x64xf32, #tpu.memory_space<vmem>>
          %dma_wait3A_331 = arith.constant 0 : i32
          %dma_wait3A_332 = tpu.memref_slice %arg10[%dma_wait3A_326, %dma_wait3A_331] : memref<40x128xi32, #tpu.memory_space<vmem>> -> memref<1x128xi32, #tpu.memory_space<vmem>>
          %dma_wait3A_333 = tpu.memref_squeeze %dma_wait3A_332 : memref<1x128xi32, #tpu.memory_space<vmem>> -> memref<128xi32, #tpu.memory_space<vmem>>
          %dma_wait3A_334 = arith.constant 0 : i32
          %dma_wait3A_335 = arith.constant 0 : i32
          %dma_wait3A_336 = tpu.memref_slice %arg14[%dma_wait3A_334, %dma_wait3A_335] : memref<10240x64xf32, #tpu.memory_space<vmem_shared>> -> memref<10240x64xf32, #tpu.memory_space<vmem_shared>>
          tpu.wait_indirect_dma semaphore(%arg21 : memref<!tpu.dma_semaphore, #tpu.memory_space<semaphore_mem>>) src(%dma_wait3A_330 : memref<128x64xf32, #tpu.memory_space<vmem>>) dst(%dma_wait3A_336 : memref<10240x64xf32, #tpu.memory_space<vmem_shared>>)
        } else {
        }
        %add3A_310 = arith.constant 4 : i32
        %add3A_311 = arith.addi %add3A_229, %add3A_310 : i32
        %sub3A_312 = arith.constant 1 : i32
        %sub3A_313 = arith.subi %add3A_311, %sub3A_312 : i32
        %dma_start3A_314 = arith.constant 1 : i32
        %dma_start3A_315 = arith.constant 0 : i32
        %dma_start3A_316 = arith.constant 0 : i32
        %dma_start3A_317 = tpu.memref_slice %arg11[%dma_start3A_314, %dma_start3A_315, %dma_start3A_316] : memref<4x128x64xf32, #tpu.memory_space<vmem>> -> memref<1x128x64xf32, #tpu.memory_space<vmem>>
        %dma_start3A_318 = tpu.memref_squeeze %dma_start3A_317 : memref<1x128x64xf32, #tpu.memory_space<vmem>> -> memref<128x64xf32, #tpu.memory_space<vmem>>
        %dma_start3A_319 = arith.constant 0 : i32
        %dma_start3A_320 = tpu.memref_slice %arg9[%sub3A_313, %dma_start3A_319] : memref<40x128xi32, #tpu.memory_space<vmem>> -> memref<1x128xi32, #tpu.memory_space<vmem>>
        %dma_start3A_321 = tpu.memref_squeeze %dma_start3A_320 : memref<1x128xi32, #tpu.memory_space<vmem>> -> memref<128xi32, #tpu.memory_space<vmem>>
        %dma_start3A_322 = arith.constant 0 : i32
        %dma_start3A_323 = arith.constant 0 : i32
        %dma_start3A_324 = tpu.memref_slice %arg13[%dma_start3A_322, %dma_start3A_323] : memref<10000x64xf32, #tpu.memory_space<vmem_shared>> -> memref<10000x64xf32, #tpu.memory_space<vmem_shared>>
        tpu.enqueue_indirect_dma source(%dma_start3A_324 : memref<10000x64xf32, #tpu.memory_space<vmem_shared>>) target(%dma_start3A_318 : memref<128x64xf32, #tpu.memory_space<vmem>>) offsets(%dma_start3A_321 : memref<128xi32, #tpu.memory_space<vmem>>) semaphore(%arg17 : memref<!tpu.dma_semaphore, #tpu.memory_space<semaphore_mem>>)
      } else {
      }
      %mul3A_266 = arith.constant 4 : i32
      %mul3A_267 = arith.muli %scan3A_149, %mul3A_266 : i32
      %add3A_268 = arith.constant 3 : i32
      %add3A_269 = arith.addi %mul3A_267, %add3A_268 : i32
      %dma_wait3A_270 = arith.constant 3 : i32
      %dma_wait3A_271 = arith.constant 0 : i32
      %dma_wait3A_272 = arith.constant 0 : i32
      %dma_wait3A_273 = tpu.memref_slice %arg11[%dma_wait3A_270, %dma_wait3A_271, %dma_wait3A_272] : memref<4x128x64xf32, #tpu.memory_space<vmem>> -> memref<1x128x64xf32, #tpu.memory_space<vmem>>
      %dma_wait3A_274 = tpu.memref_squeeze %dma_wait3A_273 : memref<1x128x64xf32, #tpu.memory_space<vmem>> -> memref<128x64xf32, #tpu.memory_space<vmem>>
      %dma_wait3A_275 = arith.constant 0 : i32
      %dma_wait3A_276 = tpu.memref_slice %arg9[%add3A_269, %dma_wait3A_275] : memref<40x128xi32, #tpu.memory_space<vmem>> -> memref<1x128xi32, #tpu.memory_space<vmem>>
      %dma_wait3A_277 = tpu.memref_squeeze %dma_wait3A_276 : memref<1x128xi32, #tpu.memory_space<vmem>> -> memref<128xi32, #tpu.memory_space<vmem>>
      %dma_wait3A_278 = arith.constant 0 : i32
      %dma_wait3A_279 = arith.constant 0 : i32
      %dma_wait3A_280 = tpu.memref_slice %arg13[%dma_wait3A_278, %dma_wait3A_279] : memref<10000x64xf32, #tpu.memory_space<vmem_shared>> -> memref<10000x64xf32, #tpu.memory_space<vmem_shared>>
      tpu.wait_indirect_dma semaphore(%arg19 : memref<!tpu.dma_semaphore, #tpu.memory_space<semaphore_mem>>) src(%dma_wait3A_280 : memref<10000x64xf32, #tpu.memory_space<vmem_shared>>) dst(%dma_wait3A_274 : memref<128x64xf32, #tpu.memory_space<vmem>>)
      %dma_start3A_281 = arith.constant 3 : i32
      %dma_start3A_282 = arith.constant 0 : i32
      %dma_start3A_283 = arith.constant 0 : i32
      %dma_start3A_284 = tpu.memref_slice %arg11[%dma_start3A_281, %dma_start3A_282, %dma_start3A_283] : memref<4x128x64xf32, #tpu.memory_space<vmem>> -> memref<1x128x64xf32, #tpu.memory_space<vmem>>
      %dma_start3A_285 = tpu.memref_squeeze %dma_start3A_284 : memref<1x128x64xf32, #tpu.memory_space<vmem>> -> memref<128x64xf32, #tpu.memory_space<vmem>>
      %dma_start3A_286 = arith.constant 0 : i32
      %dma_start3A_287 = tpu.memref_slice %arg10[%add3A_269, %dma_start3A_286] : memref<40x128xi32, #tpu.memory_space<vmem>> -> memref<1x128xi32, #tpu.memory_space<vmem>>
      %dma_start3A_288 = tpu.memref_squeeze %dma_start3A_287 : memref<1x128xi32, #tpu.memory_space<vmem>> -> memref<128xi32, #tpu.memory_space<vmem>>
      %dma_start3A_289 = arith.constant 0 : i32
      %dma_start3A_290 = arith.constant 0 : i32
      %dma_start3A_291 = tpu.memref_slice %arg14[%dma_start3A_289, %dma_start3A_290] : memref<10240x64xf32, #tpu.memory_space<vmem_shared>> -> memref<10240x64xf32, #tpu.memory_space<vmem_shared>>
      tpu.enqueue_indirect_dma source(%dma_start3A_285 : memref<128x64xf32, #tpu.memory_space<vmem>>) target(%dma_start3A_291 : memref<10240x64xf32, #tpu.memory_space<vmem_shared>>) offsets(%dma_start3A_288 : memref<128xi32, #tpu.memory_space<vmem>>) semaphore(%arg23 : memref<!tpu.dma_semaphore, #tpu.memory_space<semaphore_mem>>) {add = true}
      %dma_start3A_292 = arith.constant 0 : i32
      %dma_start3A_293 = tpu.memref_slice %arg10[%add3A_269, %dma_start3A_292] : memref<40x128xi32, #tpu.memory_space<vmem>> -> memref<1x128xi32, #tpu.memory_space<vmem>>
      %dma_start3A_294 = tpu.memref_squeeze %dma_start3A_293 : memref<1x128xi32, #tpu.memory_space<vmem>> -> memref<128xi32, #tpu.memory_space<vmem>>
      %dma_start3A_295 = arith.constant 0 : i32
      %dma_start3A_296 = tpu.memref_slice %arg15[%dma_start3A_295] : memref<10240xf32, #tpu.memory_space<vmem_shared>> -> memref<10240xf32, #tpu.memory_space<vmem_shared>>
      tpu.enqueue_indirect_dma source(%arg12 : memref<128xf32, #tpu.memory_space<vmem>>) target(%dma_start3A_296 : memref<10240xf32, #tpu.memory_space<vmem_shared>>) offsets(%dma_start3A_294 : memref<128xi32, #tpu.memory_space<vmem>>) semaphore(%arg24 : memref<!tpu.dma_semaphore, #tpu.memory_space<semaphore_mem>>) {add = true}
      %add3A_297 = arith.constant 4 : i32
      %add3A_298 = arith.addi %add3A_269, %add3A_297 : i32
      %sub3A_299 = arith.constant 1 : i32
      %sub3A_300 = arith.subi %add3A_298, %sub3A_299 : i32
      %lt3A_301 = arith.constant 40 : i32
      %lt3A_302 = arith.cmpi slt, %sub3A_300, %lt3A_301 : i32
      %convert_element_type3A_303 = arith.extui %lt3A_302 : i1 to i32
      %cond3A_304 = arith.constant 0 : i32
      %cond3A_305 = arith.cmpi ne, %convert_element_type3A_303, %cond3A_304 : i32
      scf.if %cond3A_305 {
        %ge3A = arith.constant 1 : i32
        %ge3A_306 = arith.cmpi sge, %add3A_269, %ge3A : i32
        %convert_element_type3A_307 = arith.extui %ge3A_306 : i1 to i32
        %cond3A_308 = arith.constant 0 : i32
        %cond3A_309 = arith.cmpi ne, %convert_element_type3A_307, %cond3A_308 : i32
        scf.if %cond3A_309 {
          %dma_wait3A_325 = arith.constant 2 : i32
          %dma_wait3A_326 = arith.constant 0 : i32
          %dma_wait3A_327 = arith.constant 0 : i32
          %dma_wait3A_328 = arith.constant 0 : i32
          %dma_wait3A_329 = tpu.memref_slice %arg11[%dma_wait3A_325, %dma_wait3A_327, %dma_wait3A_328] : memref<4x128x64xf32, #tpu.memory_space<vmem>> -> memref<1x128x64xf32, #tpu.memory_space<vmem>>
          %dma_wait3A_330 = tpu.memref_squeeze %dma_wait3A_329 : memref<1x128x64xf32, #tpu.memory_space<vmem>> -> memref<128x64xf32, #tpu.memory_space<vmem>>
          %dma_wait3A_331 = arith.constant 0 : i32
          %dma_wait3A_332 = tpu.memref_slice %arg10[%dma_wait3A_326, %dma_wait3A_331] : memref<40x128xi32, #tpu.memory_space<vmem>> -> memref<1x128xi32, #tpu.memory_space<vmem>>
          %dma_wait3A_333 = tpu.memref_squeeze %dma_wait3A_332 : memref<1x128xi32, #tpu.memory_space<vmem>> -> memref<128xi32, #tpu.memory_space<vmem>>
          %dma_wait3A_334 = arith.constant 0 : i32
          %dma_wait3A_335 = arith.constant 0 : i32
          %dma_wait3A_336 = tpu.memref_slice %arg14[%dma_wait3A_334, %dma_wait3A_335] : memref<10240x64xf32, #tpu.memory_space<vmem_shared>> -> memref<10240x64xf32, #tpu.memory_space<vmem_shared>>
          tpu.wait_indirect_dma semaphore(%arg22 : memref<!tpu.dma_semaphore, #tpu.memory_space<semaphore_mem>>) src(%dma_wait3A_330 : memref<128x64xf32, #tpu.memory_space<vmem>>) dst(%dma_wait3A_336 : memref<10240x64xf32, #tpu.memory_space<vmem_shared>>)
        } else {
        }
        %add3A_310 = arith.constant 4 : i32
        %add3A_311 = arith.addi %add3A_269, %add3A_310 : i32
        %sub3A_312 = arith.constant 1 : i32
        %sub3A_313 = arith.subi %add3A_311, %sub3A_312 : i32
        %dma_start3A_314 = arith.constant 2 : i32
        %dma_start3A_315 = arith.constant 0 : i32
        %dma_start3A_316 = arith.constant 0 : i32
        %dma_start3A_317 = tpu.memref_slice %arg11[%dma_start3A_314, %dma_start3A_315, %dma_start3A_316] : memref<4x128x64xf32, #tpu.memory_space<vmem>> -> memref<1x128x64xf32, #tpu.memory_space<vmem>>
        %dma_start3A_318 = tpu.memref_squeeze %dma_start3A_317 : memref<1x128x64xf32, #tpu.memory_space<vmem>> -> memref<128x64xf32, #tpu.memory_space<vmem>>
        %dma_start3A_319 = arith.constant 0 : i32
        %dma_start3A_320 = tpu.memref_slice %arg9[%sub3A_313, %dma_start3A_319] : memref<40x128xi32, #tpu.memory_space<vmem>> -> memref<1x128xi32, #tpu.memory_space<vmem>>
        %dma_start3A_321 = tpu.memref_squeeze %dma_start3A_320 : memref<1x128xi32, #tpu.memory_space<vmem>> -> memref<128xi32, #tpu.memory_space<vmem>>
        %dma_start3A_322 = arith.constant 0 : i32
        %dma_start3A_323 = arith.constant 0 : i32
        %dma_start3A_324 = tpu.memref_slice %arg13[%dma_start3A_322, %dma_start3A_323] : memref<10000x64xf32, #tpu.memory_space<vmem_shared>> -> memref<10000x64xf32, #tpu.memory_space<vmem_shared>>
        tpu.enqueue_indirect_dma source(%dma_start3A_324 : memref<10000x64xf32, #tpu.memory_space<vmem_shared>>) target(%dma_start3A_318 : memref<128x64xf32, #tpu.memory_space<vmem>>) offsets(%dma_start3A_321 : memref<128xi32, #tpu.memory_space<vmem>>) semaphore(%arg18 : memref<!tpu.dma_semaphore, #tpu.memory_space<semaphore_mem>>)
      } else {
      }
    }
    %scan3A_92 = arith.constant 10 : i32
    %dma_wait3A = arith.constant 0 : i32
    %dma_wait3A_93 = arith.constant 0 : i32
    %dma_wait3A_94 = arith.constant 0 : i32
    %dma_wait3A_95 = arith.constant 0 : i32
    %dma_wait3A_96 = tpu.memref_slice %arg11[%dma_wait3A, %dma_wait3A_94, %dma_wait3A_95] : memref<4x128x64xf32, #tpu.memory_space<vmem>> -> memref<1x128x64xf32, #tpu.memory_space<vmem>>
    %dma_wait3A_97 = tpu.memref_squeeze %dma_wait3A_96 : memref<1x128x64xf32, #tpu.memory_space<vmem>> -> memref<128x64xf32, #tpu.memory_space<vmem>>
    %dma_wait3A_98 = arith.constant 0 : i32
    %dma_wait3A_99 = tpu.memref_slice %arg10[%dma_wait3A_93, %dma_wait3A_98] : memref<40x128xi32, #tpu.memory_space<vmem>> -> memref<1x128xi32, #tpu.memory_space<vmem>>
    %dma_wait3A_100 = tpu.memref_squeeze %dma_wait3A_99 : memref<1x128xi32, #tpu.memory_space<vmem>> -> memref<128xi32, #tpu.memory_space<vmem>>
    %dma_wait3A_101 = arith.constant 0 : i32
    %dma_wait3A_102 = arith.constant 0 : i32
    %dma_wait3A_103 = tpu.memref_slice %arg14[%dma_wait3A_101, %dma_wait3A_102] : memref<10240x64xf32, #tpu.memory_space<vmem_shared>> -> memref<10240x64xf32, #tpu.memory_space<vmem_shared>>
    tpu.wait_indirect_dma semaphore(%arg20 : memref<!tpu.dma_semaphore, #tpu.memory_space<semaphore_mem>>) src(%dma_wait3A_97 : memref<128x64xf32, #tpu.memory_space<vmem>>) dst(%dma_wait3A_103 : memref<10240x64xf32, #tpu.memory_space<vmem_shared>>)
    %dma_wait3A_104 = arith.constant 1 : i32
    %dma_wait3A_105 = arith.constant 0 : i32
    %dma_wait3A_106 = arith.constant 0 : i32
    %dma_wait3A_107 = arith.constant 0 : i32
    %dma_wait3A_108 = tpu.memref_slice %arg11[%dma_wait3A_104, %dma_wait3A_106, %dma_wait3A_107] : memref<4x128x64xf32, #tpu.memory_space<vmem>> -> memref<1x128x64xf32, #tpu.memory_space<vmem>>
    %dma_wait3A_109 = tpu.memref_squeeze %dma_wait3A_108 : memref<1x128x64xf32, #tpu.memory_space<vmem>> -> memref<128x64xf32, #tpu.memory_space<vmem>>
    %dma_wait3A_110 = arith.constant 0 : i32
    %dma_wait3A_111 = tpu.memref_slice %arg10[%dma_wait3A_105, %dma_wait3A_110] : memref<40x128xi32, #tpu.memory_space<vmem>> -> memref<1x128xi32, #tpu.memory_space<vmem>>
    %dma_wait3A_112 = tpu.memref_squeeze %dma_wait3A_111 : memref<1x128xi32, #tpu.memory_space<vmem>> -> memref<128xi32, #tpu.memory_space<vmem>>
    %dma_wait3A_113 = arith.constant 0 : i32
    %dma_wait3A_114 = arith.constant 0 : i32
    %dma_wait3A_115 = tpu.memref_slice %arg14[%dma_wait3A_113, %dma_wait3A_114] : memref<10240x64xf32, #tpu.memory_space<vmem_shared>> -> memref<10240x64xf32, #tpu.memory_space<vmem_shared>>
    tpu.wait_indirect_dma semaphore(%arg21 : memref<!tpu.dma_semaphore, #tpu.memory_space<semaphore_mem>>) src(%dma_wait3A_109 : memref<128x64xf32, #tpu.memory_space<vmem>>) dst(%dma_wait3A_115 : memref<10240x64xf32, #tpu.memory_space<vmem_shared>>)
    %dma_wait3A_116 = arith.constant 2 : i32
    %dma_wait3A_117 = arith.constant 0 : i32
    %dma_wait3A_118 = arith.constant 0 : i32
    %dma_wait3A_119 = arith.constant 0 : i32
    %dma_wait3A_120 = tpu.memref_slice %arg11[%dma_wait3A_116, %dma_wait3A_118, %dma_wait3A_119] : memref<4x128x64xf32, #tpu.memory_space<vmem>> -> memref<1x128x64xf32, #tpu.memory_space<vmem>>
    %dma_wait3A_121 = tpu.memref_squeeze %dma_wait3A_120 : memref<1x128x64xf32, #tpu.memory_space<vmem>> -> memref<128x64xf32, #tpu.memory_space<vmem>>
    %dma_wait3A_122 = arith.constant 0 : i32
    %dma_wait3A_123 = tpu.memref_slice %arg10[%dma_wait3A_117, %dma_wait3A_122] : memref<40x128xi32, #tpu.memory_space<vmem>> -> memref<1x128xi32, #tpu.memory_space<vmem>>
    %dma_wait3A_124 = tpu.memref_squeeze %dma_wait3A_123 : memref<1x128xi32, #tpu.memory_space<vmem>> -> memref<128xi32, #tpu.memory_space<vmem>>
    %dma_wait3A_125 = arith.constant 0 : i32
    %dma_wait3A_126 = arith.constant 0 : i32
    %dma_wait3A_127 = tpu.memref_slice %arg14[%dma_wait3A_125, %dma_wait3A_126] : memref<10240x64xf32, #tpu.memory_space<vmem_shared>> -> memref<10240x64xf32, #tpu.memory_space<vmem_shared>>
    tpu.wait_indirect_dma semaphore(%arg22 : memref<!tpu.dma_semaphore, #tpu.memory_space<semaphore_mem>>) src(%dma_wait3A_121 : memref<128x64xf32, #tpu.memory_space<vmem>>) dst(%dma_wait3A_127 : memref<10240x64xf32, #tpu.memory_space<vmem_shared>>)
    %dma_wait3A_128 = arith.constant 3 : i32
    %dma_wait3A_129 = arith.constant 0 : i32
    %dma_wait3A_130 = arith.constant 0 : i32
    %dma_wait3A_131 = arith.constant 0 : i32
    %dma_wait3A_132 = tpu.memref_slice %arg11[%dma_wait3A_128, %dma_wait3A_130, %dma_wait3A_131] : memref<4x128x64xf32, #tpu.memory_space<vmem>> -> memref<1x128x64xf32, #tpu.memory_space<vmem>>
    %dma_wait3A_133 = tpu.memref_squeeze %dma_wait3A_132 : memref<1x128x64xf32, #tpu.memory_space<vmem>> -> memref<128x64xf32, #tpu.memory_space<vmem>>
    %dma_wait3A_134 = arith.constant 0 : i32
    %dma_wait3A_135 = tpu.memref_slice %arg10[%dma_wait3A_129, %dma_wait3A_134] : memref<40x128xi32, #tpu.memory_space<vmem>> -> memref<1x128xi32, #tpu.memory_space<vmem>>
    %dma_wait3A_136 = tpu.memref_squeeze %dma_wait3A_135 : memref<1x128xi32, #tpu.memory_space<vmem>> -> memref<128xi32, #tpu.memory_space<vmem>>
    %dma_wait3A_137 = arith.constant 0 : i32
    %dma_wait3A_138 = arith.constant 0 : i32
    %dma_wait3A_139 = tpu.memref_slice %arg14[%dma_wait3A_137, %dma_wait3A_138] : memref<10240x64xf32, #tpu.memory_space<vmem_shared>> -> memref<10240x64xf32, #tpu.memory_space<vmem_shared>>
    tpu.wait_indirect_dma semaphore(%arg23 : memref<!tpu.dma_semaphore, #tpu.memory_space<semaphore_mem>>) src(%dma_wait3A_133 : memref<128x64xf32, #tpu.memory_space<vmem>>) dst(%dma_wait3A_139 : memref<10240x64xf32, #tpu.memory_space<vmem_shared>>)
    %scan3A_140 = arith.constant 0 : i32
    %scan3A_141 = arith.constant 0 : i32
    %scan3A_142 = arith.constant 40 : i32
    %scan3A_143 = arith.addi %scan3A_141, %scan3A_142 : i32
    %scan3A_144 = arith.constant 1 : i32
    scf.for %scan3A_149 = %scan3A_141 to %scan3A_143 step %scan3A_144  : i32 {
      %dma_wait3A_150 = arith.constant 0 : i32
      %dma_wait3A_151 = arith.constant 0 : i32
      %dma_wait3A_152 = tpu.memref_slice %arg10[%dma_wait3A_150, %dma_wait3A_151] : memref<40x128xi32, #tpu.memory_space<vmem>> -> memref<1x128xi32, #tpu.memory_space<vmem>>
      %dma_wait3A_153 = tpu.memref_squeeze %dma_wait3A_152 : memref<1x128xi32, #tpu.memory_space<vmem>> -> memref<128xi32, #tpu.memory_space<vmem>>
      %dma_wait3A_154 = arith.constant 0 : i32
      %dma_wait3A_155 = tpu.memref_slice %arg15[%dma_wait3A_154] : memref<10240xf32, #tpu.memory_space<vmem_shared>> -> memref<10240xf32, #tpu.memory_space<vmem_shared>>
      tpu.wait_indirect_dma semaphore(%arg24 : memref<!tpu.dma_semaphore, #tpu.memory_space<semaphore_mem>>) src(%arg12 : memref<128xf32, #tpu.memory_space<vmem>>) dst(%dma_wait3A_155 : memref<10240xf32, #tpu.memory_space<vmem_shared>>)
    }
    %scan3A_145 = arith.constant 40 : i32
    %barrier3A_146 = arith.constant 0 : index
    tpu.barrier barrier_id(%barrier3A_146)
    %mul3A_147 = arith.constant 64 : i32
    %mul3A_148 = arith.muli %arg0, %mul3A_147 : i32
    "tpu.region"() ({
      %run_scoped3A = tpu.sem_alloc : memref<!tpu.dma_semaphore, #tpu.memory_space<semaphore_mem>>
      %dma_start3A_149 = tpu.memref_slice %arg7[%mul3A_2, %mul3A_148] : memref<10240x128xf32, #tpu.memory_space<hbm>> -> memref<640x64xf32, #tpu.memory_space<hbm>>
      %dma_start3A_150 = arith.constant 0 : i32
      %dma_start3A_151 = tpu.memref_slice %arg14[%mul3A_2, %dma_start3A_150] : memref<10240x64xf32, #tpu.memory_space<vmem_shared>> -> memref<640x64xf32, #tpu.memory_space<vmem_shared>>
      tpu.enqueue_dma source(%dma_start3A_151 : memref<640x64xf32, #tpu.memory_space<vmem_shared>>) target(%dma_start3A_149 : memref<640x64xf32, #tpu.memory_space<hbm>>) target_semaphore(%run_scoped3A : memref<!tpu.dma_semaphore, #tpu.memory_space<semaphore_mem>>)
      %dma_wait3A_152 = tpu.memref_slice %arg7[%mul3A_2, %mul3A_148] : memref<10240x128xf32, #tpu.memory_space<hbm>> -> memref<640x64xf32, #tpu.memory_space<hbm>>
      %dma_wait3A_153 = arith.constant 0 : i32
      %dma_wait3A_154 = tpu.memref_slice %arg14[%mul3A_2, %dma_wait3A_153] : memref<10240x64xf32, #tpu.memory_space<vmem_shared>> -> memref<640x64xf32, #tpu.memory_space<vmem_shared>>
      tpu.wait_dma2 semaphore(%run_scoped3A : memref<!tpu.dma_semaphore, #tpu.memory_space<semaphore_mem>>) src(%dma_wait3A_154 : memref<640x64xf32, #tpu.memory_space<vmem_shared>>) dst(%dma_wait3A_152 : memref<640x64xf32, #tpu.memory_space<hbm>>)
      tpu.yield
    }) : () -> ()
    "tpu.region"() ({
      %run_scoped3A = tpu.sem_alloc : memref<!tpu.dma_semaphore, #tpu.memory_space<semaphore_mem>>
      %dma_start3A_149 = arith.constant 0 : i32
      %dma_start3A_150 = tpu.memref_slice %arg8[%arg0, %dma_start3A_149] : memref<2x10240xf32, #tpu.memory_space<hbm>> -> memref<1x10240xf32, #tpu.memory_space<hbm>>
      %dma_start3A_151 = tpu.memref_squeeze %dma_start3A_150 : memref<1x10240xf32, #tpu.memory_space<hbm>> -> memref<10240xf32, #tpu.memory_space<hbm>>
      %dma_start3A_152 = tpu.memref_slice %dma_start3A_151[%mul3A_2] : memref<10240xf32, #tpu.memory_space<hbm>> -> memref<640xf32, #tpu.memory_space<hbm>>
      %dma_start3A_153 = tpu.memref_slice %arg15[%mul3A_2] : memref<10240xf32, #tpu.memory_space<vmem_shared>> -> memref<640xf32, #tpu.memory_space<vmem_shared>>
      tpu.enqueue_dma source(%dma_start3A_153 : memref<640xf32, #tpu.memory_space<vmem_shared>>) target(%dma_start3A_152 : memref<640xf32, #tpu.memory_space<hbm>>) target_semaphore(%run_scoped3A : memref<!tpu.dma_semaphore, #tpu.memory_space<semaphore_mem>>)
      %dma_wait3A_154 = arith.constant 0 : i32
      %dma_wait3A_155 = tpu.memref_slice %arg8[%arg0, %dma_wait3A_154] : memref<2x10240xf32, #tpu.memory_space<hbm>> -> memref<1x10240xf32, #tpu.memory_space<hbm>>
      %dma_wait3A_156 = tpu.memref_squeeze %dma_wait3A_155 : memref<1x10240xf32, #tpu.memory_space<hbm>> -> memref<10240xf32, #tpu.memory_space<hbm>>
      %dma_wait3A_157 = tpu.memref_slice %dma_wait3A_156[%mul3A_2] : memref<10240xf32, #tpu.memory_space<hbm>> -> memref<640xf32, #tpu.memory_space<hbm>>
      %dma_wait3A_158 = tpu.memref_slice %arg15[%mul3A_2] : memref<10240xf32, #tpu.memory_space<vmem_shared>> -> memref<640xf32, #tpu.memory_space<vmem_shared>>
      tpu.wait_dma2 semaphore(%run_scoped3A : memref<!tpu.dma_semaphore, #tpu.memory_space<semaphore_mem>>) src(%dma_wait3A_158 : memref<640xf32, #tpu.memory_space<vmem_shared>>) dst(%dma_wait3A_157 : memref<640xf32, #tpu.memory_space<hbm>>)
      tpu.yield
    }) : () -> ()
    return
  }
}

module attributes {stable_mosaic.version = 14 : i64} {
  func.func @_mm_body(%arg0: i32, %arg1: memref<2000x767xf32, #tpu.memory_space<vmem>>, %arg2: memref<767x128xf32, #tpu.memory_space<vmem>>, %arg3: memref<2000x128xf32, #tpu.memory_space<vmem>>) attributes {dimension_semantics = [#tpu.dimension_semantics<arbitrary>], iteration_bounds = array<i64: 5>, scalar_prefetch = 0 : i64, scratch_operands = 0 : i64, tpu.core_type = #tpu.core_type<tc>, window_params = [{transform_indices = @transform_0, window_bounds = array<i64: 2000, 767>}, {pipeline_mode = #tpu.pipeline_mode<synchronous>, transform_indices = @transform_1, window_bounds = array<i64: 767, 128>}, {transform_indices = @transform_2, window_bounds = array<i64: 2000, 128>}]} {
    %get3A = arith.constant 0 : index
    %get3A_0 = arith.constant 0 : index
    %get3A_1 = vector.load %arg1[%get3A, %get3A_0] : memref<2000x767xf32, #tpu.memory_space<vmem>>, vector<2000x767xf32>
    %get3A_2 = arith.constant 0 : index
    %get3A_3 = arith.constant 0 : index
    %get3A_4 = vector.load %arg2[%get3A_2, %get3A_3] : memref<767x128xf32, #tpu.memory_space<vmem>>, vector<767x128xf32>
    %dot_general3A = arith.constant dense<0.000000e+00> : vector<2000x128xf32>
    %dot_general3A_5 = tpu.matmul %get3A_1, %get3A_4, %dot_general3A {dimension_numbers = #tpu.dot_dimension_numbers<[1], [0], [0], [1], [0, 0, 1, 1], [], []>, transpose_lhs_hint = false} : vector<2000x767xf32>, vector<767x128xf32>, vector<2000x128xf32> -> vector<2000x128xf32>
    %swap3A = arith.constant 0 : index
    %swap3A_6 = arith.constant 0 : index
    %swap3A_7 = vector.load %arg3[%swap3A, %swap3A_6] : memref<2000x128xf32, #tpu.memory_space<vmem>>, vector<2000x128xf32>
    tpu.vector_store %arg3[%swap3A, %swap3A_6], %dot_general3A_5 {strides = array<i32>} : memref<2000x128xf32, #tpu.memory_space<vmem>>, vector<2000x128xf32>,
    return
  }
  func.func @transform_0(%arg0: i32) -> (i32, i32) {
    %c0_i32 = arith.constant 0 : i32
    %c0_i32_0 = arith.constant 0 : i32
    return %arg0, %c0_i32 : i32, i32
  }
  func.func @transform_1(%arg0: i32) -> (i32, i32) {
    %c0_i32 = arith.constant 0 : i32
    %c0_i32_0 = arith.constant 0 : i32
    %c0_i32_1 = arith.constant 0 : i32
    return %c0_i32, %c0_i32_0 : i32, i32
  }
  func.func @transform_2(%arg0: i32) -> (i32, i32) {
    %c0_i32 = arith.constant 0 : i32
    %c0_i32_0 = arith.constant 0 : i32
    return %arg0, %c0_i32 : i32, i32
  }
}

module attributes {stable_mosaic.version = 14 : i64} {
  func.func @_combine1_body(%arg0: memref<10240x128xf32, #tpu.memory_space<vmem>>, %arg1: memref<2x10240xf32, #tpu.memory_space<vmem>>, %arg2: memref<10000x128xf32, #tpu.memory_space<vmem>>, %arg3: memref<1x64xf32, #tpu.memory_space<vmem>>, %arg4: memref<64x128xf32, #tpu.memory_space<vmem>>, %arg5: memref<1x128xf32, #tpu.memory_space<vmem>>, %arg6: memref<10000x128xf32, #tpu.memory_space<vmem>>) attributes {dimension_semantics = [], scalar_prefetch = 0 : i64, scratch_operands = 0 : i64, tpu.core_type = #tpu.core_type<tc>} {
    %get3A = arith.constant 0 : index
    %get3A_0 = arith.constant 0 : index
    %get3A_1 = vector.load %arg0[%get3A, %get3A_0] : memref<10240x128xf32, #tpu.memory_space<vmem>>, vector<10000x64xf32>
    %get3A_2 = arith.constant 0 : index
    %get3A_3 = arith.constant 64 : index
    %get3A_4 = vector.load %arg0[%get3A_2, %get3A_3] : memref<10240x128xf32, #tpu.memory_space<vmem>>, vector<10000x64xf32>
    %add3A = arith.addf %get3A_1, %get3A_4 : vector<10000x64xf32>
    %get3A_5 = arith.constant 0 : index
    %get3A_6 = arith.constant 0 : index
    %get3A_7 = vector.load %arg1[%get3A_5, %get3A_6] : memref<2x10240xf32, #tpu.memory_space<vmem>>, vector<1x10000xf32>
    %get3A_8 = vector.shape_cast %get3A_7 : vector<1x10000xf32> to vector<10000xf32>
    %get3A_9 = arith.constant 1 : index
    %get3A_10 = arith.constant 0 : index
    %get3A_11 = vector.load %arg1[%get3A_9, %get3A_10] : memref<2x10240xf32, #tpu.memory_space<vmem>>, vector<1x10000xf32>
    %get3A_12 = vector.shape_cast %get3A_11 : vector<1x10000xf32> to vector<10000xf32>
    %add3A_13 = arith.addf %get3A_8, %get3A_12 : vector<10000xf32>
    %max3A = arith.constant 1.000000e+00 : f32
    %max3A_14 = vector.broadcast %max3A : f32 to vector<10000xf32>
    %max3A_15 = arith.maximumf %add3A_13, %max3A_14 : vector<10000xf32>
    %div3A = arith.constant 1.000000e+00 : f32
    %div3A_16 = vector.broadcast %div3A : f32 to vector<10000xf32>
    %div3A_17 = arith.divf %div3A_16, %max3A_15 : vector<10000xf32>
    %broadcast_in_dim3A = vector.shape_cast %div3A_17 : vector<10000xf32> to vector<10000x1xf32>
    %mul3A = vector.broadcast %broadcast_in_dim3A : vector<10000x1xf32> to vector<10000x64xf32>
    %mul3A_18 = arith.mulf %add3A, %mul3A : vector<10000x64xf32>
    %get3A_19 = arith.constant 0 : index
    %get3A_20 = arith.constant 0 : index
    %get3A_21 = vector.load %arg3[%get3A_19, %get3A_20] : memref<1x64xf32, #tpu.memory_space<vmem>>, vector<1x64xf32>
    %add3A_22 = vector.broadcast %get3A_21 : vector<1x64xf32> to vector<10000x64xf32>
    %add3A_23 = arith.addf %mul3A_18, %add3A_22 : vector<10000x64xf32>
    %get3A_24 = arith.constant 0 : index
    %get3A_25 = arith.constant 64 : index
    %get3A_26 = vector.load %arg2[%get3A_24, %get3A_25] : memref<10000x128xf32, #tpu.memory_space<vmem>>, vector<10000x64xf32>
    %add3A_27 = arith.addf %add3A_23, %get3A_26 : vector<10000x64xf32>
    %max3A_28 = arith.constant 0.000000e+00 : f32
    %max3A_29 = vector.broadcast %max3A_28 : f32 to vector<10000x64xf32>
    %max3A_30 = arith.maximumf %add3A_27, %max3A_29 : vector<10000x64xf32>
    %get3A_31 = arith.constant 0 : index
    %get3A_32 = arith.constant 0 : index
    %get3A_33 = vector.load %arg4[%get3A_31, %get3A_32] : memref<64x128xf32, #tpu.memory_space<vmem>>, vector<64x128xf32>
    %dot_general3A = arith.constant dense<0.000000e+00> : vector<10000x128xf32>
    %dot_general3A_34 = tpu.matmul %max3A_30, %get3A_33, %dot_general3A {dimension_numbers = #tpu.dot_dimension_numbers<[1], [0], [0], [1], [0, 0, 1, 1], [], []>, transpose_lhs_hint = false} : vector<10000x64xf32>, vector<64x128xf32>, vector<10000x128xf32> -> vector<10000x128xf32>
    %get3A_35 = arith.constant 0 : index
    %get3A_36 = arith.constant 0 : index
    %get3A_37 = vector.load %arg5[%get3A_35, %get3A_36] : memref<1x128xf32, #tpu.memory_space<vmem>>, vector<1x128xf32>
    %add3A_38 = vector.broadcast %get3A_37 : vector<1x128xf32> to vector<10000x128xf32>
    %add3A_39 = arith.addf %dot_general3A_34, %add3A_38 : vector<10000x128xf32>
    %swap3A = arith.constant 0 : index
    %swap3A_40 = arith.constant 0 : index
    %swap3A_41 = vector.load %arg6[%swap3A, %swap3A_40] : memref<10000x128xf32, #tpu.memory_space<vmem>>, vector<10000x128xf32>
    tpu.vector_store %arg6[%swap3A, %swap3A_40], %add3A_39 {strides = array<i32>} : memref<10000x128xf32, #tpu.memory_space<vmem>>, vector<10000x128xf32>,
    return
  }
}

module attributes {stable_mosaic.version = 14 : i64} {
  func.func @_combine2_body(%arg0: memref<10240x128xf32, #tpu.memory_space<vmem>>, %arg1: memref<2x10240xf32, #tpu.memory_space<vmem>>, %arg2: memref<10000x128xf32, #tpu.memory_space<vmem>>, %arg3: memref<10000x10xf32, #tpu.memory_space<vmem>>) attributes {dimension_semantics = [], scalar_prefetch = 0 : i64, scratch_operands = 0 : i64, tpu.core_type = #tpu.core_type<tc>} {
    %get3A = arith.constant 0 : index
    %get3A_0 = arith.constant 0 : index
    %get3A_1 = vector.load %arg0[%get3A, %get3A_0] : memref<10240x128xf32, #tpu.memory_space<vmem>>, vector<10000x16xf32>
    %get3A_2 = arith.constant 0 : index
    %get3A_3 = arith.constant 16 : index
    %get3A_4 = vector.load %arg0[%get3A_2, %get3A_3] : memref<10240x128xf32, #tpu.memory_space<vmem>>, vector<10000x16xf32>
    %add3A = arith.addf %get3A_1, %get3A_4 : vector<10000x16xf32>
    %get3A_5 = arith.constant 0 : index
    %get3A_6 = arith.constant 0 : index
    %get3A_7 = vector.load %arg1[%get3A_5, %get3A_6] : memref<2x10240xf32, #tpu.memory_space<vmem>>, vector<1x10000xf32>
    %get3A_8 = vector.shape_cast %get3A_7 : vector<1x10000xf32> to vector<10000xf32>
    %get3A_9 = arith.constant 1 : index
    %get3A_10 = arith.constant 0 : index
    %get3A_11 = vector.load %arg1[%get3A_9, %get3A_10] : memref<2x10240xf32, #tpu.memory_space<vmem>>, vector<1x10000xf32>
    %get3A_12 = vector.shape_cast %get3A_11 : vector<1x10000xf32> to vector<10000xf32>
    %add3A_13 = arith.addf %get3A_8, %get3A_12 : vector<10000xf32>
    %max3A = arith.constant 1.000000e+00 : f32
    %max3A_14 = vector.broadcast %max3A : f32 to vector<10000xf32>
    %max3A_15 = arith.maximumf %add3A_13, %max3A_14 : vector<10000xf32>
    %div3A = arith.constant 1.000000e+00 : f32
    %div3A_16 = vector.broadcast %div3A : f32 to vector<10000xf32>
    %div3A_17 = arith.divf %div3A_16, %max3A_15 : vector<10000xf32>
    %broadcast_in_dim3A = vector.shape_cast %div3A_17 : vector<10000xf32> to vector<10000x1xf32>
    %mul3A = vector.broadcast %broadcast_in_dim3A : vector<10000x1xf32> to vector<10000x16xf32>
    %mul3A_18 = arith.mulf %add3A, %mul3A : vector<10000x16xf32>
    %get3A_19 = arith.constant 0 : index
    %get3A_20 = arith.constant 16 : index
    %get3A_21 = vector.load %arg2[%get3A_19, %get3A_20] : memref<10000x128xf32, #tpu.memory_space<vmem>>, vector<10000x16xf32>
    %add3A_22 = arith.addf %mul3A_18, %get3A_21 : vector<10000x16xf32>
    %slice3A = vector.extract_strided_slice %add3A_22 {offsets = [0, 0], sizes = [10000, 10], strides = [1, 1]} : vector<10000x16xf32> to vector<10000x10xf32>
    %swap3A = arith.constant 0 : index
    %swap3A_23 = arith.constant 0 : index
    %swap3A_24 = vector.load %arg3[%swap3A, %swap3A_23] : memref<10000x10xf32, #tpu.memory_space<vmem>>, vector<10000x10xf32>
    tpu.vector_store %arg3[%swap3A, %swap3A_23], %slice3A {strides = array<i32>} : memref<10000x10xf32, #tpu.memory_space<vmem>>, vector<10000x10xf32>,
    return
  }
}

</mosaic_0001>

<sc_bundles>
// kernel: kernel.10.cloned.1.call-start
scs
__scs_entry_jumppad:
0x0: {  	(pc) =	sbr.rel $0x88, $3  }
0x1: {  	(tag) =	ssettag $0x0;
	lr =	simm.s32 $0x1  }
0x2: {  	[smem:$0x3F99] =	sst lr;
	_ =	strace $0xD0000000  }
0x3: {  	_ = 	snop  }
0x4: {  	_ = 	snop  }
0x5: {  	_ = 	snop  }
0x6: {  	_ = 	snop  }
0x7: {  	_ = 	snop  }
__scs_overlays_trampoline_lowered:
0x8: {  	[smem:$0x3FA8] =	sst s0  }
0x9: {  	[smem:$0x3FA9] =	sst s1  }
0xa: {  	[smem:$0x3FAA] =	sst s2  }
0xb: {  	[smem:$0x3FAB] =	sst s3  }
0xc: {  	[smem:$0x3FAC] =	sst s4  }
0xd: {  	[smem:$0x3FAD] =	sst s5  }
0xe: {  	[smem:$0x3FAE] =	sst s6  }
0xf: {  	[smem:$0x3FAF] =	sst s7  }
0x10: {  	[smem:$0x3FB0] =	sst s8  }
0x11: {  	[smem:$0x3FB1] =	sst s9;
	s0 =	simm.s32 @!p0 $0x0  }
0x12: {  	s1 =	sld [smem:$0x3F97];
	s0 =	simm.s32 @p0 $0x1  }
0x13: {  	[smem:$0x3FB2] =	sst s0;
	s0 =	simm.s32 @!p1 $0x0  }
0x14: {  	s2 =	sld [smem:$0x3F96];
	s0 =	simm.s32 @p1 $0x1  }
0x15: {  	[smem:$0x3FB3] =	sst s0;
	s0 =	simm.s32 @!p2 $0x0  }
0x16: {  	s3 =	sld [smem:$0x3FDB];
	s0 =	simm.s32 @p2 $0x1  }
0x17: {  	s4 =	simm.s32 $0x1BF5;
	[smem:$0x3FB5] =	sst s0  }
0x18: {  	s0 =	sld [smem:$0x3F98];
	_ =	swait.ge [sflag:s4], $0x0  }
0x19: {  	s7 =	sld [smem:$0x3F99]  }
0x1a: {  	s8 =	sadd.s32 $0xFFFFE003, lr  }
0x1b: {  	s9 =	sadd.s32 $0xFFFFFEF7, lr;
	s5 =	simm.s32 $0xFFFFFFFF;
	p2 =	slt.u32 s8, $0xFFFFF086  }
0x1c: {  	p1 =	slt.u32 s9, $0xF7A;
	s5 =	simm.s32 @!p2 $0x0  }
0x1d: {  	s5 =	simm.s32 @p1 $0x1;
	p0 =	seq.s32 s7, s2  }
0x1e: {  	s7 =	smul.u32 @!p0 $0xF7A, s2;
	p2 =	seq.s32 @!p0 s5, $0x0  }
0x1f: {  	s9 =	smul.u32 $0xF7A, s1;
	s8 =	simm.s32 @!p0 $0x1BF5;
	p2 =	por !p2, p0  }
0x20: {  	[sflag:s8] =	ssyncset.s32 @!p0 $0xFFFFF086;
	s6 =	sadd.s32 @!p0 s3, s7;
	s7 =	simm.s32 @!p0 $0x108  }
0x21: {  	s3 =	sadd.s32 s3, s9;
	s6 =	sadd.s32 @!p0 $0x88, s6;
	s7 =	simm.s32 @p2 $0x1082  }
0x22: {  	[simem:s7], [sflag:s8] =	dma.local @!p0 [hbm:s6], $0xF7A  }
0x23: {  	s9 =	sor.u32 $0xD0000000, s2;
	s6 =	simm.s32 $0x108;
	_ =	swait.ge @!p0 [sflag:s8], $0x0  }
0x24: {  	s3 =	sadd.s32 $0x88, s3;
	s6 =	simm.s32 @!p1 $0x1082;
	[sflag:s4] =	ssyncset.s32 $0xFFFFF086  }
0x25: {  	[simem:s6], [sflag:s4] =	dma.local [hbm:s3], $0xF7A  }
0x26: {  	[smem:$0x3F99] =	sst s1;
	(tag) =	ssettag s2;
	_ =	strace s9  }
0x27: {  	s1 =	sld [smem:$0x3FA9]  }
0x28: {  	s2 =	sld [smem:$0x3FAA]  }
0x29: {  	s4 =	sld [smem:$0x3FAC]  }
0x2a: {  	p0 =	seq.s32 s5, $0x0;
	s5 =	sld [smem:$0x3FAD]  }
0x2b: {  	s6 =	sld [smem:$0x3FAE]  }
0x2c: {  	s7 =	sld [smem:$0x3FAF]  }
0x2d: {  	s3 =	simm.s32 $0x108;
	s8 =	sld [smem:$0x3FB0]  }
0x2e: {  	s3 =	simm.s32 @!p0 $0x1082;
	s9 =	sld [smem:$0x3FB1]  }
0x2f: {  	lr =	sadd.s32 s0, s3;
	s0 =	sld [smem:$0x3FA8]  }
0x30: {  	s3 =	sld [smem:$0x3FAB]  }
0x31: {  	[smem:$0x3FB4] =	sst s10  }
0x32: {  	s10 =	sld [smem:$0x3FB2];
	_ =	sdelay $0x3  }
0x33: {  	p0 =	seq.s32 s10, $0x1;
	s10 =	sld [smem:$0x3FB4];
	_ =	sdelay $0x3  }
0x34: {  	[smem:$0x3FB4] =	sst s10  }
0x35: {  	s10 =	sld [smem:$0x3FB3];
	_ =	sdelay $0x3  }
0x36: {  	p1 =	seq.s32 s10, $0x1;
	s10 =	sld [smem:$0x3FB4];
	_ =	sdelay $0x3  }
0x37: {  	[smem:$0x3FB4] =	sst s10  }
0x38: {  	s10 =	sld [smem:$0x3FB5]  }
0x39: {  	_ = 	snop;
	(pc) =	sbr.ind lr, $3  }
0x3a: {  	_ = 	snop  }
0x3b: {  	_ = 	snop  }
0x3c: {  	p2 =	seq.s32 s10, $0x1;
	s10 =	sld [smem:$0x3FB4]  }
0x3d: {  	_ =	shalt  }
0x3e: {  	_ =	shalt  }
0x3f: {  	_ =	shalt  }
0x40: {  	_ =	shalt  }
0x41: {  	_ =	shalt  }
0x42: {  	_ =	shalt  }
0x43: {  	_ =	shalt  }
0x44: {  	_ =	shalt  }
0x45: {  	_ =	shalt  }
0x46: {  	_ =	shalt  }
0x47: {  	_ =	shalt  }
0x48: {  	_ =	shalt  }
0x49: {  	_ =	shalt  }
0x4a: {  	_ =	shalt  }
0x4b: {  	_ =	shalt  }
0x4c: {  	_ =	shalt  }
0x4d: {  	_ =	shalt  }
0x4e: {  	_ =	shalt  }
0x4f: {  	_ =	shalt  }
0x50: {  	_ =	shalt  }
0x51: {  	_ =	shalt  }
0x52: {  	_ =	shalt  }
0x53: {  	_ =	shalt  }
0x54: {  	_ =	shalt  }
0x55: {  	_ =	shalt  }
0x56: {  	_ =	shalt  }
0x57: {  	_ =	shalt  }
0x58: {  	_ =	shalt  }
0x59: {  	_ =	shalt  }
0x5a: {  	_ =	shalt  }
0x5b: {  	_ =	shalt  }
0x5c: {  	_ =	shalt  }
0x5d: {  	_ =	shalt  }
0x5e: {  	_ =	shalt  }
0x5f: {  	_ =	shalt  }
0x60: {  	_ =	shalt  }
0x61: {  	_ =	shalt  }
0x62: {  	_ =	shalt  }
0x63: {  	_ =	shalt  }
0x64: {  	_ =	shalt  }
0x65: {  	_ =	shalt  }
0x66: {  	_ =	shalt  }
0x67: {  	_ =	shalt  }
0x68: {  	_ =	shalt  }
0x69: {  	_ =	shalt  }
0x6a: {  	_ =	shalt  }
0x6b: {  	_ =	shalt  }
0x6c: {  	_ =	shalt  }
0x6d: {  	_ =	shalt  }
0x6e: {  	_ =	shalt  }
0x6f: {  	_ =	shalt  }
0x70: {  	_ =	shalt  }
0x71: {  	_ =	shalt  }
0x72: {  	_ =	shalt  }
0x73: {  	_ =	shalt  }
0x74: {  	_ =	shalt  }
0x75: {  	_ =	shalt  }
0x76: {  	_ =	shalt  }
0x77: {  	_ =	shalt  }
0x78: {  	_ =	shalt  }
0x79: {  	_ =	shalt  }
0x7a: {  	_ =	shalt  }
0x7b: {  	_ =	shalt  }
0x7c: {  	_ =	shalt  }
0x7d: {  	_ =	shalt  }
0x7e: {  	_ =	shalt  }
0x7f: {  	_ =	shalt  }
0x80: {  	_ =	shalt  }
0x81: {  	_ =	shalt  }
0x82: {  	_ =	shalt  }
0x83: {  	_ =	shalt  }
0x84: {  	_ =	shalt  }
0x85: {  	_ =	shalt  }
0x86: {  	_ =	shalt  }
0x87: {  	_ =	shalt  }
.Lfunc_end0:
.L_simem_size_0:
called_computation.1_lowered:
.L_overlay_start_0:
0x88: {  	s2 =	sld [smem:$0x3FD9]  }
0x89: {  	s3 =	sld [smem:$0x3FFE];
	_ =	sdelay $0x1  }
0x8a: {  	s1 =	srdreg.scid  }
0x8b: {  	s0 =	sand.u32 $0x1, s1  }
0x8c: {  	s17 =	sshll.u32 s0, $0xA;
	s2 =	sadd.s32 s3, s2  }
0x8d: {  	s2 =	sadd.s32 s2, s17  }
0x8e: {  	[smem:$0x3FC0] =	sst s2  }
0x8f: {  	_ = 	snop  }
0x90: {  	s2 =	sld [smem:$0x3FD0];
	(tm) =	ssettm $0x1  }
0x91: {  	s18 =	sld [smem:$0x3FFB];
	_ =	sdelay $0x3  }
0x92: {  	_ =	strace s18  }
0x93: {  	s3 =	sld [smem:$0x3FFC];
	_ =	sdelay $0x3  }
0x94: {  	_ =	strace s3  }
0x95: {  	s3 =	sld [smem:$0x3FFD];
	_ =	sdelay $0x3  }
0x96: {  	_ =	strace s3  }
0x97: {  	_ =	strace $0x8FFFFFFF  }
0x98: {  	s19 =	sld [smem:$0x3FDB];
	_ =	sdelay $0x1  }
0x99: {  	s4 =	simm.s32 $_scs_section_size  }
0x9a: {  	s5 =	simm.s32 $_size__tile_overlayer_lowered;
	s6 =	simm.s32 $_tile_overlayer_lowered  }
0x9b: {  	s22 =	simm.s32 $0x1BFF;
	s21 =	sshll.u32 s6, $0x1;
	s3 =	sadd.s32 s4, s19  }
0x9c: {  	s7 =	simm.s32 $0x0;
	s20 =	sshll.u32 s5, $0x1;
	s5 =	sadd.s32 s21, s3  }
0x9d: {  	[timem:s7], [sflag:s22] =	dma.local [hbm:s5], s20  }
0x9e: {  	_ =	swait.ge [sflag:s22], s20  }
0x9f: {  	s4 =	ssub.s32 $0x0, s20;
	[sflag:s22] =	ssyncset.done $0x0  }
0xa0: {  	[sflag:s22] =	ssyncadd.s32 s4;
	_ =	sdelay $0x1  }
0xa1: {  	s23 =	simm.s32 $0x1B8B  }
0xa2: {  	_ =	swait.ge [sflag:s23], $0x1  }
0xa3: {  	[sflag:s23] =	ssyncset.done $0x0  }
0xa4: {  	s25 =	simm.s32 $0x1B8E;
	s24 =	sld [smem:$0x3FFE];
	[sflag:s23] =	ssyncadd.s32 $0xFFFFFFFF  }
0xa5: {  	s26 =	simm.s32 $execute0_lowered;
	[smem:$0x3FD2] =	sst s25  }
0xa6: {  	s5 =	sshll.u32 s26, $0x1;
	_ =	strace $0x80000049;
	[dreg:$0x1] =	wrdreg $0xFFFFFFFF  }
0xa7: {  	s28 =	simm.s32 $_size_execute0_lowered;
	s3 =	sadd.s32 s3, s5;
	[dreg:$0x0] =	wrdreg $0x0  }
0xa8: {  	s5 =	sshll.u32 s28, $0x1;
	[dreg:$0x2] =	wrdreg s3  }
0xa9: {  	[dreg:$0x3] =	wrdreg s5  }
0xaa: {  	[dreg:$0x4] =	wrdreg $0xC0  }
0xab: {  	_ =	task [dreg:s7], $0x5FFFF  }
0xac: {  	[dreg:$0x1] =	wrdreg $0xFFFFFFFF  }
0xad: {  	[dreg:$0x0] =	wrdreg $0x60  }
0xae: {  	[dreg:$0x2] =	wrdreg s24  }
0xaf: {  	[dreg:$0x3] =	wrdreg s2  }
0xb0: {  	[dreg:$0x4] =	wrdreg $0x68000  }
0xb1: {  	[dreg:$0x5] =	wrdreg $0x8F100  }
0xb2: {  	[dreg:$0x6] =	wrdreg $0x9  }
0xb3: {  	_ =	task.clear_ibuf [dreg:s7], $0x7FFFF;
	_ =	strace $0x90000049  }
0xb4: {  	s29 =	simm.s32 $0x9;
	_ =	strace $0x8000004B  }
0xb5: {  	_ =	swait.ge [sflag:s29], $0x1  }
0xb6: {  	[sflag:s29] =	ssyncadd.s32 $0xFFFFFFFF  }
0xb7: {  	_ =	strace $0x9000004B  }
0xb8: {  	_ =	sfence  }
0xb9: {  	s30 =	sld [smem:$0x0];
	_ =	sdelay $0x2  }
0xba: {  	s31 =	sshll.u32 s1, $0xD;
	s1 =	sshrl.u32 s1, $0x2  }
0xbb: {  	s3 =	sand.u32 $0x4000, s31;
	s1 =	sadd.s32 s1, s30  }
0xbc: {  	s0 =	sor.u32 s3, s0;
	s1 =	sshll.u32 s1, $0x11  }
0xbd: {  	s0 =	sor.u32 s1, s0  }
0xbe: {  	s0 =	sadd.s32 $0x8F2B, s0  }
0xbf: {  	[sflag:s0] =	ssyncadd.remote.s32 $0x1  }
0xc0: {  	_ =	sfence.sel $0xFFFF  }
0xc1: {  	[dreg:$0x0] =	wrdreg $0xFFFFFFFF;
	(pc) =	sbr.abs _section_cstart, $3  }
0xc2: {  	[dreg:$0x1] =	wrdreg $0xFFFFFFFF  }
0xc3: {  	_ =	task.clear_ibuf [dreg:s7], $0x2FFFF;
	_ =	strace $0x9FFFFFFF  }
0xc4: {  	(tm) =	ssettm $0x7FFFFFFF  }
0xc5: {  	_ =	shalt  }
tec
execute0_lowered:
.L_overlay_start_1:
0x0: {  	(tag) =	ssettag $0x1  }
0x1: {  	s0 =	rddreg [dreg:$0x0]  }
0x2: {  	s3 =	rddreg [dreg:$0x2]  }
0x3: {  	s4 =	rddreg [dreg:$0x3]  }
0x4: {  	s10 =	stileid.u32;
	s1 =	srdreg.scid;
	s6 =	simm.s32 $0x0  }
0x5: {  	s11 =	simm.s32 $0x11;
	s15 =	simm.s32 $0x1;
	s16 =	simm.s32 $0x2  }
0x6: {  	s17 =	simm.s32 $0x10;
	s30 =	simm.s32 $0x5000;
	s5 =	smul.u32 $0x2710, s10  }
0x7: {  	s12 =	simm.s32 $0x6;
	s29 =	simm.s32 $0xD;
	s19 =	smul.u32 $0x14000, s10  }
0x8: {  	s31 =	simm.s32 $0xE;
	s1 =	sand.u32 $0x1, s1;
	s20 =	smul.u32 $0x9C40, s10  }
0x9: {  	s2 =	sshll.u32 s10, $0x1;
	[smem:$0x7FF] =	sst s6;
	s9 =	smul.u32 $0xA000, s10  }
0xa: {  	s26 =	sshll.u32 s10, $0x6;
	s2 =	sor.u32 s1, s2;
	_ =	strace $0x8000004A  }
0xb: {  	s7 =	sshll.u32 s1, $0x4;
	s1 =	ssub.s32 $0x2, s1;
	s13 =	sor.u32 $0x1C11, s26  }
0xc: {  	s2 =	smul.u32 $0x280, s2;
	s5 =	sadd.s32 s5, s0;
	s6 =	sor.u32 s7, s19  }
0xd: {  	s8 =	sshrl.u32 s1, $0x1;
	s22 =	sshrl.u32 s20, $0x2;
	s23 =	sshrl.u32 s9, $0x2  }
0xe: {  	s19 =	simm.s32 $0x80;
	s20 =	simm.s32 $0x2800;
	s7 =	simm.s32 $0x0  }
0xf: {  	s6 =	sshrl.u32 s6, $0x3;
	s1 =	ssub.s32 s1, s8;
	s5 =	sadd.s32 $0xA600, s5  }
0x10: {  	s24 =	sadd.s32 s23, s4;
	s2 =	sadd.s32 s2, s0;
	s0 =	sadd.s32 s6, s0  }
0x11: {  	[dreg:$0x7] =	wrdreg s5;
	s25 =	smax.u32 s1, $0x1;
	s18 =	sshrl.u32 s24, $0x3  }
0x12: {  	s1 =	simm.s32 $0x6000;
	s21 =	sadd.s32 $0x5600, s2;
	[dreg:$0x9] =	wrdreg s25  }
.Ltmp0:
0x13: {  	s2 =	sadd.s32 $0x600, s2;
	[dreg:$0x5] =	wrdreg s21;
	(pc) =	sbr.rel .LBB2_1-.Ltmp0, $4  }
0x14: {  	s6 =	simm.s32 $0xF;
	s0 =	sadd.s32 $0x31800, s0;
	[dreg:$0x6] =	wrdreg s2  }
0x15: {  	s25 =	simm.s32 $0x4000;
	s2 =	sadd.s32 s22, s3;
	[dreg:$0x8] =	wrdreg s0  }
0x16: {  	s21 =	simm.s32 $0x3000;
	s0 =	simm.s32 $0x5800;
	s28 =	sshrl.u32 s2, $0x3  }
0x17: {  	s22 =	simm.s32 $0x8;
	s2 =	simm.s32 $0x4;
	[dreg:$0xa] =	wrdreg s28  }
.LBB2_4:
0x18: {  	s5 =	simm.s32 $0x9  }
0x19: {  	_ =	swait.ge [sflag:s5], $0x800  }
0x1a: {  	[sflag:s5] =	ssyncset.done $0x0  }
0x1b: {  	s14 =	simm.s32 $0xA;
	[sflag:s5] =	ssyncadd.s32 $0xFFFFF800  }
0x1c: {  	_ =	swait.ge [sflag:s14], $0x800  }
0x1d: {  	[sflag:s14] =	ssyncset.done $0x0  }
0x1e: {  	s23 =	simm.s32 $0xB;
	[sflag:s14] =	ssyncadd.s32 $0xFFFFF800  }
0x1f: {  	_ =	swait.ge [sflag:s23], $0x800  }
0x20: {  	[sflag:s23] =	ssyncset.done $0x0  }
0x21: {  	s24 =	simm.s32 $0xC;
	[sflag:s23] =	ssyncadd.s32 $0xFFFFF800  }
0x22: {  	_ =	swait.ge [sflag:s24], $0x800  }
0x23: {  	[sflag:s24] =	ssyncset.done $0x0  }
0x24: {  	[sflag:s24] =	ssyncadd.s32 $0xFFFFF800  }
0x25: {  	_ =	swait.ge [sflag:s29], $0x800  }
0x26: {  	[sflag:s29] =	ssyncset.done $0x0  }
0x27: {  	[sflag:s29] =	ssyncadd.s32 $0xFFFFF800  }
0x28: {  	_ =	swait.ge [sflag:s31], $0x800  }
0x29: {  	[sflag:s31] =	ssyncset.done $0x0  }
0x2a: {  	[sflag:s31] =	ssyncadd.s32 $0xFFFFF800  }
0x2b: {  	_ =	swait.ge [sflag:s6], $0x800  }
0x2c: {  	[sflag:s6] =	ssyncset.done $0x0  }
0x2d: {  	[sflag:s6] =	ssyncadd.s32 $0xFFFFF800  }
0x2e: {  	_ =	swait.ge [sflag:s17], $0x800  }
0x2f: {  	[sflag:s17] =	ssyncset.done $0x0  }
0x30: {  	[sflag:s17] =	ssyncadd.s32 $0xFFFFF800  }
0x31: {  	[bflag:$0x0] =	sbarrier.arrive $0xFFFF  }
0x32: {  	s26 =	rddreg [dreg:$0x8]  }
0x33: {  	[hbm:s26@s17], [sflag:s13] =	dma.strided [spmem:s18@s16], $0x500, s15, $0x2   }
0x34: {  	_ =	swait.ge [sflag:s11], $0x500  }
0x35: {  	s7 =	sadd.s32 $0x1, s7;
	s28 =	rddreg [dreg:$0x9]  }
0x36: {  	p0 =	sne.s32 s7, s28  }
.Ltmp1:
0x37: {  	_ = 	snop;
	(pc) =	sbr.rel @!p0 .LBB2_5-.Ltmp1, $3  }
0x38: {  	_ =	sdelay $0x1  }
0x39: {  	[sflag:s11] =	ssyncset.done $0x0  }
0x3a: {  	[sflag:s11] =	ssyncadd.s32 $0xFFFFFB00  }
.LBB2_1:
0x3b: {  	s8 =	simm.s32 $0x0;
	s5 =	rddreg [dreg:$0x5]  }
0x3c: {  	[tilespmem:s8], [sflag:$0x11] =	stream.linear.gather [hbm4b:s5+s8], $0x1400, $0x38;
	[tilespmem:$0xB710] =	vst v63  }
0x3d: {  	_ =	swait.ge [sflag:s11], $0x1400  }
0x3e: {  	[sflag:s11] =	ssyncset.done $0x0  }
0x3f: {  	s9 =	simm.s32 $0x1400;
	s23 =	rddreg [dreg:$0x6];
	[sflag:s11] =	ssyncadd.s32 $0xFFFFEC00  }
0x40: {  	[tilespmem:s9], [sflag:$0x11] =	stream.linear.gather [hbm4b:s23+s8], $0x1400, $0x38;
	[tilespmem:$0xB710] =	vst v63  }
0x41: {  	_ =	swait.ge [sflag:s11], $0x1400  }
0x42: {  	[sflag:s11] =	ssyncset.done $0x0;
	s24 =	rddreg [dreg:$0x7]  }
0x43: {  	s26 =	rddreg [dreg:$0xa];
	[sflag:s11] =	ssyncadd.s32 $0xFFFFEC00  }
0x44: {  	[spmem:s26@s16], [sflag:s13] =	dma.strided [hbm:s24@s17], $0x4E2, s15, $0x2   }
0x45: {  	_ =	swait.ge [sflag:s11], $0x4E2  }
0x46: {  	[sflag:s11] =	ssyncset.done $0x0  }
0x47: {  	[sflag:s11] =	ssyncadd.s32 $0xFFFFFB1E  }
0x48: {  	s28 =	rddreg [dreg:$0x1]  }
0x49: {  	[spmem:s18], [sflag:s13] =	dma.local [hbm:s28], $0x500  }
0x4a: {  	_ =	swait.ge [sflag:s11], $0x500  }
0x4b: {  	[sflag:s11] =	ssyncset.done $0x0  }
0x4c: {  	[sflag:s11] =	ssyncadd.s32 $0xFFFFFB00  }
0x4d: {  	[bflag:$0x0] =	sbarrier.arrive $0xFFFF  }
0x4e: {  	[tilespmem:s20], [sflag:$0x1] =	stream.indirect.gather [spmem:s3], $0x10, s8, s19, $0xb8;
	[tilespmem:$0xB710] =	vst v63  }
0x4f: {  	_ = 	snop  }
0x50: {  	[tilespmem:s21], [sflag:$0x2] =	stream.indirect.gather [spmem:s3], $0x10, s19, s19, $0xb8;
	[tilespmem:$0xB710] =	vst v63  }
0x51: {  	s10 =	simm.s32 $0x3800;
	s9 =	simm.s32 $0x100  }
0x52: {  	[tilespmem:s10], [sflag:$0x3] =	stream.indirect.gather [spmem:s3], $0x10, s9, s19, $0xb8;
	[tilespmem:$0xB710] =	vst v63  }
0x53: {  	s14 =	simm.s32 $0x180  }
0x54: {  	[tilespmem:s25], [sflag:$0x4] =	stream.indirect.gather [spmem:s3], $0x10, s14, s19, $0xb8;
	[tilespmem:$0xB710] =	vst v63  }
0x55: {  	s23 =	simm.s32 $0x200;
	s24 =	simm.s32 $0x4800  }
0x56: {  	[tilespmem:s24], [sflag:$0x5] =	stream.indirect.gather [spmem:s3], $0x10, s23, s19, $0xb8;
	[tilespmem:$0xB710] =	vst v63  }
0x57: {  	s26 =	simm.s32 $0x280  }
0x58: {  	[tilespmem:s30], [sflag:$0x6] =	stream.indirect.gather [spmem:s3], $0x10, s26, s19, $0xb8;
	[tilespmem:$0xB710] =	vst v63  }
0x59: {  	s28 =	simm.s32 $0x300;
	s8 =	simm.s32 $0x0  }
0x5a: {  	[tilespmem:s0], [sflag:$0x7] =	stream.indirect.gather [spmem:s3], $0x10, s28, s19, $0xb8;
	[tilespmem:$0xB710] =	vst v63  }
.LBB2_2:
0x5b: {  	_ =	swait.ge [sflag:s15], $0x800  }
0x5c: {  	s9 =	sshra.s32 s8, $0x2;
	[sflag:s15] =	ssyncset.done $0x0  }
0x5d: {  	p0 =	seq.s32 s8, $0x0;
	s5 =	sadd.s32 $0x1400, s9;
	[sflag:s15] =	ssyncadd.s32 $0xFFFFF800  }
0x5e: {  	[spmem:s4] =	stream.indirect.scatter.add.f32 [tilespmem:s20], [sflag:$0x9], $0x10, s5, s19, $0xb8;
	[tilespmem:$0xB710] =	vst v63  }
0x5f: {  	s5 =	simm.s32 @!p0 $0x10  }
0x60: {  	_ =	swait.ge @!p0 [sflag:s5], $0x800  }
0x61: {  	[sflag:s5] =	ssyncset.done @!p0 $0x0  }
0x62: {  	s24 =	sadd.s32 $0x380, s9;
	[sflag:s5] =	ssyncadd.s32 @!p0 $0xFFFFF800  }
0x63: {  	[tilespmem:s1], [sflag:$0x8] =	stream.indirect.gather [spmem:s3], $0x10, s24, s19, $0xb8;
	[tilespmem:$0xB710] =	vst v63  }
0x64: {  	_ =	swait.ge [sflag:s16], $0x800  }
0x65: {  	p0 =	seq.s32 s8, $0x4000;
	[sflag:s16] =	ssyncset.done $0x0  }
0x66: {  	s26 =	sadd.s32 $0x1480, s9;
	s5 =	simm.s32 @p0 $0x3;
	[sflag:s16] =	ssyncadd.s32 $0xFFFFF800  }
0x67: {  	[spmem:s4] =	stream.indirect.scatter.add.f32 [tilespmem:s21], [sflag:$0xA], $0x10, s26, s19, $0xb8;
	[tilespmem:$0xB710] =	vst v63  }
0x68: {  	_ =	swait.ge @p0 [sflag:s5], $0x800  }
0x69: {  	[sflag:s5] =	ssyncset.done @p0 $0x0  }
0x6a: {  	[sflag:s5] =	ssyncadd.s32 @p0 $0xFFFFF800;
	s5 =	sshra.s32 @p0 s8, $0x2  }
0x6b: {  	s23 =	simm.s32 @p0 $0x80;
	s14 =	simm.s32 @p0 $0x3800;
	s10 =	sadd.s32 @p0 $0x1500, s5  }
0x6c: {  	[spmem:s4] =	stream.indirect.scatter.add.f32 @p0 [tilespmem:s14], [sflag:$0xB], $0x10, s10, s23, $0xb8;
	[tilespmem:$0xB710] =	vst v63  }
0x6d: {  	s10 =	simm.s32 @!p0 $0x9  }
0x6e: {  	_ =	swait.ge @!p0 [sflag:s10], $0x800  }
0x6f: {  	[sflag:s10] =	ssyncset.done @!p0 $0x0  }
0x70: {  	[sflag:s10] =	ssyncadd.s32 @!p0 $0xFFFFF800;
	s10 =	sshra.s32 @!p0 s8, $0x2  }
0x71: {  	s26 =	simm.s32 @!p0 $0x2800;
	s14 =	simm.s32 @!p0 $0x80;
	s24 =	sadd.s32 @!p0 $0x400, s10  }
0x72: {  	[tilespmem:s26], [sflag:$0x1] =	stream.indirect.gather @!p0 [spmem:s3], $0x10, s24, s14, $0xb8;
	[tilespmem:$0xB710] =	vst v63  }
0x73: {  	s24 =	simm.s32 @!p0 $0x3  }
0x74: {  	_ =	swait.ge @!p0 [sflag:s24], $0x800  }
0x75: {  	[sflag:s24] =	ssyncset.done @!p0 $0x0  }
0x76: {  	s26 =	simm.s32 @!p0 $0x3800;
	[sflag:s24] =	ssyncadd.s32 @!p0 $0xFFFFF800;
	s24 =	sadd.s32 @!p0 $0x1500, s10  }
0x77: {  	[spmem:s4] =	stream.indirect.scatter.add.f32 @!p0 [tilespmem:s26], [sflag:$0xB], $0x10, s24, s14, $0xb8;
	[tilespmem:$0xB710] =	vst v63  }
0x78: {  	s24 =	simm.s32 @!p0 $0xA  }
0x79: {  	_ =	swait.ge @!p0 [sflag:s24], $0x800  }
0x7a: {  	[sflag:s24] =	ssyncset.done @!p0 $0x0  }
0x7b: {  	s28 =	simm.s32 @!p0 $0x3000;
	[sflag:s24] =	ssyncadd.s32 @!p0 $0xFFFFF800;
	s24 =	sadd.s32 @!p0 $0x480, s10  }
0x7c: {  	[tilespmem:s28], [sflag:$0x2] =	stream.indirect.gather @!p0 [spmem:s3], $0x10, s24, s14, $0xb8;
	[tilespmem:$0xB710] =	vst v63  }
0x7d: {  	_ =	swait.ge [sflag:s2], $0x800  }
0x7e: {  	[sflag:s2] =	ssyncset.done $0x0  }
0x7f: {  	s28 =	sadd.s32 $0x1580, s9;
	s24 =	simm.s32 @p0 $0x5;
	[sflag:s2] =	ssyncadd.s32 $0xFFFFF800  }
0x80: {  	[spmem:s4] =	stream.indirect.scatter.add.f32 [tilespmem:s25], [sflag:$0xC], $0x10, s28, s19, $0xb8;
	[tilespmem:$0xB710] =	vst v63  }
0x81: {  	_ =	swait.ge @p0 [sflag:s24], $0x800  }
0x82: {  	[sflag:s24] =	ssyncset.done @p0 $0x0  }
0x83: {  	s28 =	simm.s32 @p0 $0x4800;
	[sflag:s24] =	ssyncadd.s32 @p0 $0xFFFFF800;
	s24 =	sadd.s32 @p0 $0x1600, s5  }
0x84: {  	[spmem:s4] =	stream.indirect.scatter.add.f32 @p0 [tilespmem:s28], [sflag:$0xD], $0x10, s24, s23, $0xb8;
	[tilespmem:$0xB710] =	vst v63  }
0x85: {  	s24 =	simm.s32 @!p0 $0xB  }
0x86: {  	_ =	swait.ge @!p0 [sflag:s24], $0x800  }
0x87: {  	[sflag:s24] =	ssyncset.done @!p0 $0x0  }
0x88: {  	[sflag:s24] =	ssyncadd.s32 @!p0 $0xFFFFF800;
	s24 =	sadd.s32 @!p0 $0x500, s10  }
0x89: {  	[tilespmem:s26], [sflag:$0x3] =	stream.indirect.gather @!p0 [spmem:s3], $0x10, s24, s14, $0xb8;
	[tilespmem:$0xB710] =	vst v63  }
0x8a: {  	s24 =	simm.s32 @!p0 $0x5  }
0x8b: {  	_ =	swait.ge @!p0 [sflag:s24], $0x800  }
0x8c: {  	[sflag:s24] =	ssyncset.done @!p0 $0x0  }
0x8d: {  	s26 =	simm.s32 @!p0 $0x4800;
	[sflag:s24] =	ssyncadd.s32 @!p0 $0xFFFFF800;
	s24 =	sadd.s32 @!p0 $0x1600, s10  }
0x8e: {  	[spmem:s4] =	stream.indirect.scatter.add.f32 @!p0 [tilespmem:s26], [sflag:$0xD], $0x10, s24, s14, $0xb8;
	[tilespmem:$0xB710] =	vst v63  }
0x8f: {  	s24 =	simm.s32 @!p0 $0xC  }
0x90: {  	_ =	swait.ge @!p0 [sflag:s24], $0x800  }
0x91: {  	[sflag:s24] =	ssyncset.done @!p0 $0x0  }
0x92: {  	s28 =	simm.s32 @!p0 $0x4000;
	[sflag:s24] =	ssyncadd.s32 @!p0 $0xFFFFF800;
	s24 =	sadd.s32 @!p0 $0x580, s10  }
0x93: {  	[tilespmem:s28], [sflag:$0x4] =	stream.indirect.gather @!p0 [spmem:s3], $0x10, s24, s14, $0xb8;
	[tilespmem:$0xB710] =	vst v63  }
0x94: {  	_ =	swait.ge [sflag:s12], $0x800  }
0x95: {  	[sflag:s12] =	ssyncset.done $0x0  }
0x96: {  	s28 =	sadd.s32 $0x1680, s9;
	s24 =	simm.s32 @p0 $0x7;
	[sflag:s12] =	ssyncadd.s32 $0xFFFFF800  }
0x97: {  	[spmem:s4] =	stream.indirect.scatter.add.f32 [tilespmem:s30], [sflag:$0xE], $0x10, s28, s19, $0xb8;
	[tilespmem:$0xB710] =	vst v63  }
0x98: {  	_ =	swait.ge @p0 [sflag:s24], $0x800  }
0x99: {  	[sflag:s24] =	ssyncset.done @p0 $0x0  }
0x9a: {  	s5 =	sadd.s32 @p0 $0x1700, s5;
	[sflag:s24] =	ssyncadd.s32 @p0 $0xFFFFF800;
	s24 =	simm.s32 @p0 $0x5800  }
0x9b: {  	[spmem:s4] =	stream.indirect.scatter.add.f32 @p0 [tilespmem:s24], [sflag:$0xF], $0x10, s5, s23, $0xb8;
	[tilespmem:$0xB710] =	vst v63  }
0x9c: {  	s5 =	simm.s32 @!p0 $0xD  }
0x9d: {  	_ =	swait.ge @!p0 [sflag:s5], $0x800  }
0x9e: {  	[sflag:s5] =	ssyncset.done @!p0 $0x0  }
0x9f: {  	[sflag:s5] =	ssyncadd.s32 @!p0 $0xFFFFF800;
	s5 =	sadd.s32 @!p0 $0x600, s10  }
0xa0: {  	[tilespmem:s26], [sflag:$0x5] =	stream.indirect.gather @!p0 [spmem:s3], $0x10, s5, s14, $0xb8;
	[tilespmem:$0xB710] =	vst v63  }
0xa1: {  	s5 =	simm.s32 @!p0 $0x7  }
0xa2: {  	_ =	swait.ge @!p0 [sflag:s5], $0x800  }
0xa3: {  	[sflag:s5] =	ssyncset.done @!p0 $0x0  }
0xa4: {  	s23 =	simm.s32 @!p0 $0x5800;
	[sflag:s5] =	ssyncadd.s32 @!p0 $0xFFFFF800;
	s5 =	sadd.s32 @!p0 $0x1700, s10  }
0xa5: {  	[spmem:s4] =	stream.indirect.scatter.add.f32 @!p0 [tilespmem:s23], [sflag:$0xF], $0x10, s5, s14, $0xb8;
	[tilespmem:$0xB710] =	vst v63  }
0xa6: {  	s5 =	simm.s32 @!p0 $0xE  }
0xa7: {  	_ =	swait.ge @!p0 [sflag:s5], $0x800  }
0xa8: {  	[sflag:s5] =	ssyncset.done @!p0 $0x0  }
0xa9: {  	[sflag:s5] =	ssyncadd.s32 @!p0 $0xFFFFF800;
	s5 =	sadd.s32 @!p0 $0x680, s10;
	s10 =	simm.s32 @!p0 $0x5000  }
0xaa: {  	[tilespmem:s10], [sflag:$0x6] =	stream.indirect.gather @!p0 [spmem:s3], $0x10, s5, s14, $0xb8;
	[tilespmem:$0xB710] =	vst v63  }
.Ltmp2:
0xab: {  	_ = 	snop;
	(pc) =	sbr.rel @p0 .LBB2_4-.Ltmp2, $4  }
0xac: {  	_ =	swait.ge [sflag:s22], $0x800  }
0xad: {  	[sflag:s22] =	ssyncset.done $0x0  }
0xae: {  	s28 =	sadd.s32 $0x1780, s9;
	[sflag:s22] =	ssyncadd.s32 $0xFFFFF800  }
0xaf: {  	[spmem:s4] =	stream.indirect.scatter.add.f32 [tilespmem:s1], [sflag:$0x10], $0x10, s28, s19, $0xb8;
	[tilespmem:$0xB710] =	vst v63  }
.Ltmp3:
0xb0: {  	(pc) =	sbr.rel .LBB2_2-.Ltmp3, $4  }
0xb1: {  	_ =	swait.ge [sflag:s6], $0x800  }
0xb2: {  	[sflag:s6] =	ssyncset.done $0x0  }
0xb3: {  	s5 =	sadd.s32 $0x700, s9;
	s8 =	sadd.s32 $0x1000, s8;
	[sflag:s6] =	ssyncadd.s32 $0xFFFFF800  }
0xb4: {  	[tilespmem:s0], [sflag:$0x7] =	stream.indirect.gather [spmem:s3], $0x10, s5, s19, $0xb8;
	[tilespmem:$0xB710] =	vst v63  }
.LBB2_5:
0xb5: {  	_ =	sfence.sel $0x180000  }
0xb6: {  	[bflag:$0x0] =	sbarrier.arrive $0xFFFF  }
0xb7: {  	_ =	strace $0x9000004A  }
0xb8: {  	s0 =	stileid.u32;
	[bflag:$0x2] =	sbarrier.arrive $0xFFFF  }
0xb9: {  	p0 =	sne.s32 s0, $0x0;
	s0 =	rddreg [dreg:$0x4]  }
0xba: {  	s0 =	sadd.s32 @!p0 $0x100000, s0  }
0xbb: {  	[sflag:s0] =	ssyncadd.tile.s32 @!p0 $0x1;
	_ =	shalt  }
.Lfunc_end2:
_tile_overlayer_lowered:
.L_overlay_start_2:
0xbc: {  	(tag) =	ssettag $0x2  }
0xbd: {  	s0 =	rddreg [dreg:$0x0];
	s2 =	stileid.u32  }
0xbe: {  	s1 =	rddreg [dreg:$0x1];
	p0 =	sne.s32 s2, $0x0  }
0xbf: {  	s3 =	rddreg [dreg:$0x2];
	[bflag:$0x3] =	sbarrier.arrive $0xFFFF;
	s2 =	simm.s32 @!p0 $0x1C11  }
0xc0: {  	[timem:s3], [sflag:s2] =	dma.local @!p0 [hbm:s0], s1  }
0xc1: {  	s0 =	simm.s32 @!p0 $0x11  }
0xc2: {  	_ =	swait.ge @!p0 [sflag:s0], s1  }
0xc3: {  	s1 =	ssub.s32 @!p0 $0x0, s1;
	[sflag:s0] =	ssyncset.done @!p0 $0x0  }
0xc4: {  	[sflag:s0] =	ssyncadd.s32 @!p0 s1  }
0xc5: {  	[bflag:$0x3] =	sbarrier.arrive $0xFFFF  }
0xc6: {  	_ =	shalt  }

// kernel: kernel.7.cloned.1.call-start
scs
__scs_entry_jumppad:
0x0: {  	(pc) =	sbr.rel $0x88, $3  }
0x1: {  	(tag) =	ssettag $0x0;
	lr =	simm.s32 $0x1  }
0x2: {  	[smem:$0x3F99] =	sst lr;
	_ =	strace $0xD0000000  }
0x3: {  	_ = 	snop  }
0x4: {  	_ = 	snop  }
0x5: {  	_ = 	snop  }
0x6: {  	_ = 	snop  }
0x7: {  	_ = 	snop  }
__scs_overlays_trampoline_lowered:
0x8: {  	[smem:$0x3FA8] =	sst s0  }
0x9: {  	[smem:$0x3FA9] =	sst s1  }
0xa: {  	[smem:$0x3FAA] =	sst s2  }
0xb: {  	[smem:$0x3FAB] =	sst s3  }
0xc: {  	[smem:$0x3FAC] =	sst s4  }
0xd: {  	[smem:$0x3FAD] =	sst s5  }
0xe: {  	[smem:$0x3FAE] =	sst s6  }
0xf: {  	[smem:$0x3FAF] =	sst s7  }
0x10: {  	[smem:$0x3FB0] =	sst s8  }
0x11: {  	[smem:$0x3FB1] =	sst s9;
	s0 =	simm.s32 @!p0 $0x0  }
0x12: {  	s1 =	sld [smem:$0x3F97];
	s0 =	simm.s32 @p0 $0x1  }
0x13: {  	[smem:$0x3FB2] =	sst s0;
	s0 =	simm.s32 @!p1 $0x0  }
0x14: {  	s2 =	sld [smem:$0x3F96];
	s0 =	simm.s32 @p1 $0x1  }
0x15: {  	[smem:$0x3FB3] =	sst s0;
	s0 =	simm.s32 @!p2 $0x0  }
0x16: {  	s3 =	sld [smem:$0x3FDB];
	s0 =	simm.s32 @p2 $0x1  }
0x17: {  	s4 =	simm.s32 $0x1BF5;
	[smem:$0x3FB5] =	sst s0  }
0x18: {  	s0 =	sld [smem:$0x3F98];
	_ =	swait.ge [sflag:s4], $0x0  }
0x19: {  	s7 =	sld [smem:$0x3F99]  }
0x1a: {  	s8 =	sadd.s32 $0xFFFFE003, lr  }
0x1b: {  	s9 =	sadd.s32 $0xFFFFFEF7, lr;
	s5 =	simm.s32 $0xFFFFFFFF;
	p2 =	slt.u32 s8, $0xFFFFF086  }
0x1c: {  	p1 =	slt.u32 s9, $0xF7A;
	s5 =	simm.s32 @!p2 $0x0  }
0x1d: {  	s5 =	simm.s32 @p1 $0x1;
	p0 =	seq.s32 s7, s2  }
0x1e: {  	s7 =	smul.u32 @!p0 $0xF7A, s2;
	p2 =	seq.s32 @!p0 s5, $0x0  }
0x1f: {  	s9 =	smul.u32 $0xF7A, s1;
	s8 =	simm.s32 @!p0 $0x1BF5;
	p2 =	por !p2, p0  }
0x20: {  	[sflag:s8] =	ssyncset.s32 @!p0 $0xFFFFF086;
	s6 =	sadd.s32 @!p0 s3, s7;
	s7 =	simm.s32 @!p0 $0x108  }
0x21: {  	s3 =	sadd.s32 s3, s9;
	s6 =	sadd.s32 @!p0 $0x88, s6;
	s7 =	simm.s32 @p2 $0x1082  }
0x22: {  	[simem:s7], [sflag:s8] =	dma.local @!p0 [hbm:s6], $0xF7A  }
0x23: {  	s9 =	sor.u32 $0xD0000000, s2;
	s6 =	simm.s32 $0x108;
	_ =	swait.ge @!p0 [sflag:s8], $0x0  }
0x24: {  	s3 =	sadd.s32 $0x88, s3;
	s6 =	simm.s32 @!p1 $0x1082;
	[sflag:s4] =	ssyncset.s32 $0xFFFFF086  }
0x25: {  	[simem:s6], [sflag:s4] =	dma.local [hbm:s3], $0xF7A  }
0x26: {  	[smem:$0x3F99] =	sst s1;
	(tag) =	ssettag s2;
	_ =	strace s9  }
0x27: {  	s1 =	sld [smem:$0x3FA9]  }
0x28: {  	s2 =	sld [smem:$0x3FAA]  }
0x29: {  	s4 =	sld [smem:$0x3FAC]  }
0x2a: {  	p0 =	seq.s32 s5, $0x0;
	s5 =	sld [smem:$0x3FAD]  }
0x2b: {  	s6 =	sld [smem:$0x3FAE]  }
0x2c: {  	s7 =	sld [smem:$0x3FAF]  }
0x2d: {  	s3 =	simm.s32 $0x108;
	s8 =	sld [smem:$0x3FB0]  }
0x2e: {  	s3 =	simm.s32 @!p0 $0x1082;
	s9 =	sld [smem:$0x3FB1]  }
0x2f: {  	lr =	sadd.s32 s0, s3;
	s0 =	sld [smem:$0x3FA8]  }
0x30: {  	s3 =	sld [smem:$0x3FAB]  }
0x31: {  	[smem:$0x3FB4] =	sst s10  }
0x32: {  	s10 =	sld [smem:$0x3FB2];
	_ =	sdelay $0x3  }
0x33: {  	p0 =	seq.s32 s10, $0x1;
	s10 =	sld [smem:$0x3FB4];
	_ =	sdelay $0x3  }
0x34: {  	[smem:$0x3FB4] =	sst s10  }
0x35: {  	s10 =	sld [smem:$0x3FB3];
	_ =	sdelay $0x3  }
0x36: {  	p1 =	seq.s32 s10, $0x1;
	s10 =	sld [smem:$0x3FB4];
	_ =	sdelay $0x3  }
0x37: {  	[smem:$0x3FB4] =	sst s10  }
0x38: {  	s10 =	sld [smem:$0x3FB5]  }
0x39: {  	_ = 	snop;
	(pc) =	sbr.ind lr, $3  }
0x3a: {  	_ = 	snop  }
0x3b: {  	_ = 	snop  }
0x3c: {  	p2 =	seq.s32 s10, $0x1;
	s10 =	sld [smem:$0x3FB4]  }
0x3d: {  	_ =	shalt  }
0x3e: {  	_ =	shalt  }
0x3f: {  	_ =	shalt  }
0x40: {  	_ =	shalt  }
0x41: {  	_ =	shalt  }
0x42: {  	_ =	shalt  }
0x43: {  	_ =	shalt  }
0x44: {  	_ =	shalt  }
0x45: {  	_ =	shalt  }
0x46: {  	_ =	shalt  }
0x47: {  	_ =	shalt  }
0x48: {  	_ =	shalt  }
0x49: {  	_ =	shalt  }
0x4a: {  	_ =	shalt  }
0x4b: {  	_ =	shalt  }
0x4c: {  	_ =	shalt  }
0x4d: {  	_ =	shalt  }
0x4e: {  	_ =	shalt  }
0x4f: {  	_ =	shalt  }
0x50: {  	_ =	shalt  }
0x51: {  	_ =	shalt  }
0x52: {  	_ =	shalt  }
0x53: {  	_ =	shalt  }
0x54: {  	_ =	shalt  }
0x55: {  	_ =	shalt  }
0x56: {  	_ =	shalt  }
0x57: {  	_ =	shalt  }
0x58: {  	_ =	shalt  }
0x59: {  	_ =	shalt  }
0x5a: {  	_ =	shalt  }
0x5b: {  	_ =	shalt  }
0x5c: {  	_ =	shalt  }
0x5d: {  	_ =	shalt  }
0x5e: {  	_ =	shalt  }
0x5f: {  	_ =	shalt  }
0x60: {  	_ =	shalt  }
0x61: {  	_ =	shalt  }
0x62: {  	_ =	shalt  }
0x63: {  	_ =	shalt  }
0x64: {  	_ =	shalt  }
0x65: {  	_ =	shalt  }
0x66: {  	_ =	shalt  }
0x67: {  	_ =	shalt  }
0x68: {  	_ =	shalt  }
0x69: {  	_ =	shalt  }
0x6a: {  	_ =	shalt  }
0x6b: {  	_ =	shalt  }
0x6c: {  	_ =	shalt  }
0x6d: {  	_ =	shalt  }
0x6e: {  	_ =	shalt  }
0x6f: {  	_ =	shalt  }
0x70: {  	_ =	shalt  }
0x71: {  	_ =	shalt  }
0x72: {  	_ =	shalt  }
0x73: {  	_ =	shalt  }
0x74: {  	_ =	shalt  }
0x75: {  	_ =	shalt  }
0x76: {  	_ =	shalt  }
0x77: {  	_ =	shalt  }
0x78: {  	_ =	shalt  }
0x79: {  	_ =	shalt  }
0x7a: {  	_ =	shalt  }
0x7b: {  	_ =	shalt  }
0x7c: {  	_ =	shalt  }
0x7d: {  	_ =	shalt  }
0x7e: {  	_ =	shalt  }
0x7f: {  	_ =	shalt  }
0x80: {  	_ =	shalt  }
0x81: {  	_ =	shalt  }
0x82: {  	_ =	shalt  }
0x83: {  	_ =	shalt  }
0x84: {  	_ =	shalt  }
0x85: {  	_ =	shalt  }
0x86: {  	_ =	shalt  }
0x87: {  	_ =	shalt  }
.Lfunc_end0:
.L_simem_size_0:
called_computation_lowered:
.L_overlay_start_0:
0x88: {  	s2 =	sld [smem:$0x3FD9]  }
0x89: {  	s3 =	sld [smem:$0x3FFE];
	_ =	sdelay $0x1  }
0x8a: {  	s1 =	srdreg.scid  }
0x8b: {  	s0 =	sand.u32 $0x1, s1  }
0x8c: {  	s17 =	sshll.u32 s0, $0xA;
	s2 =	sadd.s32 s3, s2  }
0x8d: {  	s2 =	sadd.s32 s2, s17  }
0x8e: {  	[smem:$0x3FC0] =	sst s2  }
0x8f: {  	_ = 	snop  }
0x90: {  	s2 =	sld [smem:$0x3FD0];
	(tm) =	ssettm $0x1  }
0x91: {  	s18 =	sld [smem:$0x3FFB];
	_ =	sdelay $0x3  }
0x92: {  	_ =	strace s18  }
0x93: {  	s3 =	sld [smem:$0x3FFC];
	_ =	sdelay $0x3  }
0x94: {  	_ =	strace s3  }
0x95: {  	s3 =	sld [smem:$0x3FFD];
	_ =	sdelay $0x3  }
0x96: {  	_ =	strace s3  }
0x97: {  	_ =	strace $0x8FFFFFFF  }
0x98: {  	s19 =	sld [smem:$0x3FDB];
	_ =	sdelay $0x1  }
0x99: {  	s4 =	simm.s32 $_scs_section_size  }
0x9a: {  	s5 =	simm.s32 $_size__tile_overlayer_lowered;
	s6 =	simm.s32 $_tile_overlayer_lowered  }
0x9b: {  	s22 =	simm.s32 $0x1BFF;
	s21 =	sshll.u32 s6, $0x1;
	s3 =	sadd.s32 s4, s19  }
0x9c: {  	s7 =	simm.s32 $0x0;
	s20 =	sshll.u32 s5, $0x1;
	s5 =	sadd.s32 s21, s3  }
0x9d: {  	[timem:s7], [sflag:s22] =	dma.local [hbm:s5], s20  }
0x9e: {  	_ =	swait.ge [sflag:s22], s20  }
0x9f: {  	s4 =	ssub.s32 $0x0, s20;
	[sflag:s22] =	ssyncset.done $0x0  }
0xa0: {  	[sflag:s22] =	ssyncadd.s32 s4;
	_ =	sdelay $0x1  }
0xa1: {  	s23 =	simm.s32 $0x1B8B  }
0xa2: {  	_ =	swait.ge [sflag:s23], $0x1  }
0xa3: {  	[sflag:s23] =	ssyncset.done $0x0  }
0xa4: {  	s25 =	simm.s32 $0x1B8E;
	s24 =	sld [smem:$0x3FFE];
	[sflag:s23] =	ssyncadd.s32 $0xFFFFFFFF  }
0xa5: {  	s26 =	simm.s32 $execute0_lowered;
	[smem:$0x3FD2] =	sst s25  }
0xa6: {  	s5 =	sshll.u32 s26, $0x1;
	_ =	strace $0x80000046;
	[dreg:$0x1] =	wrdreg $0xFFFFFFFF  }
0xa7: {  	s28 =	simm.s32 $_size_execute0_lowered;
	s3 =	sadd.s32 s3, s5;
	[dreg:$0x0] =	wrdreg $0x0  }
0xa8: {  	s5 =	sshll.u32 s28, $0x1;
	[dreg:$0x2] =	wrdreg s3  }
0xa9: {  	[dreg:$0x3] =	wrdreg s5  }
0xaa: {  	[dreg:$0x4] =	wrdreg $0xC0  }
0xab: {  	_ =	task [dreg:s7], $0x5FFFF  }
0xac: {  	[dreg:$0x1] =	wrdreg $0xFFFFFFFF  }
0xad: {  	[dreg:$0x0] =	wrdreg $0x60  }
0xae: {  	[dreg:$0x2] =	wrdreg s24  }
0xaf: {  	[dreg:$0x3] =	wrdreg s2  }
0xb0: {  	[dreg:$0x4] =	wrdreg $0xA8800  }
0xb1: {  	[dreg:$0x5] =	wrdreg $0x144C00  }
0xb2: {  	[dreg:$0x6] =	wrdreg $0x1E4C00  }
0xb3: {  	[dreg:$0x7] =	wrdreg $0x9  }
0xb4: {  	_ =	task.clear_ibuf [dreg:s7], $0x8FFFF;
	_ =	strace $0x90000046  }
0xb5: {  	s29 =	simm.s32 $0x9;
	_ =	strace $0x80000048  }
0xb6: {  	_ =	swait.ge [sflag:s29], $0x1  }
0xb7: {  	[sflag:s29] =	ssyncadd.s32 $0xFFFFFFFF  }
0xb8: {  	_ =	strace $0x90000048  }
0xb9: {  	_ =	sfence  }
0xba: {  	s30 =	sld [smem:$0x0];
	_ =	sdelay $0x2  }
0xbb: {  	s31 =	sshll.u32 s1, $0xD;
	s1 =	sshrl.u32 s1, $0x2  }
0xbc: {  	s3 =	sand.u32 $0x4000, s31;
	s1 =	sadd.s32 s1, s30  }
0xbd: {  	s0 =	sor.u32 s3, s0;
	s1 =	sshll.u32 s1, $0x11  }
0xbe: {  	s0 =	sor.u32 s1, s0  }
0xbf: {  	s0 =	sadd.s32 $0x8F2B, s0  }
0xc0: {  	[sflag:s0] =	ssyncadd.remote.s32 $0x1  }
0xc1: {  	_ =	sfence.sel $0xFFFF  }
0xc2: {  	[dreg:$0x0] =	wrdreg $0xFFFFFFFF;
	(pc) =	sbr.abs _section_cstart, $3  }
0xc3: {  	[dreg:$0x1] =	wrdreg $0xFFFFFFFF  }
0xc4: {  	_ =	task.clear_ibuf [dreg:s7], $0x2FFFF;
	_ =	strace $0x9FFFFFFF  }
0xc5: {  	(tm) =	ssettm $0x7FFFFFFF  }
tec
execute0_lowered:
.L_overlay_start_1:
0x0: {  	(tag) =	ssettag $0x1  }
0x1: {  	s0 =	rddreg [dreg:$0x0]  }
0x2: {  	s3 =	rddreg [dreg:$0x2]  }
0x3: {  	s4 =	rddreg [dreg:$0x3]  }
0x4: {  	s5 =	rddreg [dreg:$0x4]  }
0x5: {  	s15 =	stileid.u32;
	s1 =	srdreg.scid  }
0x6: {  	s6 =	simm.s32 $0x0;
	s13 =	simm.s32 $0xA;
	s14 =	simm.s32 $0x1400  }
0x7: {  	s16 =	simm.s32 $0x10;
	s28 =	simm.s32 $0x6800;
	s7 =	smul.u32 $0x2710, s15  }
0x8: {  	s29 =	simm.s32 $0xA800;
	s31 =	simm.s32 $0x8800;
	s8 =	smul.u32 $0x14000, s15  }
0x9: {  	s30 =	simm.s32 $0x3;
	s1 =	sand.u32 $0x1, s1;
	s18 =	smul.u32 $0x280, s15  }
0xa: {  	s2 =	sshll.u32 s15, $0x1;
	[smem:$0x7FF] =	sst s6;
	s12 =	smul.u32 $0x27100, s15  }
0xb: {  	s10 =	sadd.s32 $0x31800, s0;
	s19 =	smul.u32 $0x28000, s15;
	s25 =	sshll.u32 s15, $0x6  }
0xc: {  	s2 =	sor.u32 s1, s2;
	_ =	strace $0x80000047;
	s9 =	sshll.u32 s1, $0x6  }
0xd: {  	[dreg:$0x6] =	wrdreg s10;
	s17 =	smul.u32 $0x500, s1;
	s1 =	ssub.s32 $0x2, s1  }
0xe: {  	s15 =	sor.u32 $0x1C0A, s25;
	s25 =	simm.s32 $0x4800;
	s10 =	simm.s32 $0x7  }
0xf: {  	s2 =	smul.u32 $0x280, s2;
	s7 =	sadd.s32 s7, s0;
	s8 =	sor.u32 s9, s8  }
0x10: {  	s11 =	sshrl.u32 s1, $0x1;
	s21 =	sshrl.u32 s12, $0x2;
	s22 =	sshrl.u32 s19, $0x2  }
0x11: {  	s23 =	sadd.s32 s18, s5;
	s24 =	sshrl.u32 s18, $0x3;
	s18 =	simm.s32 $0x8  }
0x12: {  	s12 =	simm.s32 $0x0;
	s8 =	sshrl.u32 s8, $0x3;
	s1 =	ssub.s32 s1, s11  }
0x13: {  	s7 =	sadd.s32 $0xA600, s7;
	s11 =	simm.s32 $0x9;
	s2 =	sadd.s32 s2, s0  }
0x14: {  	s8 =	sadd.s32 s8, s0;
	s0 =	sadd.s32 s17, s0;
	[dreg:$0x9] =	wrdreg s7  }
0x15: {  	s7 =	sadd.s32 s22, s4;
	s1 =	smax.u32 s1, $0x1;
	s17 =	simm.s32 $0x1  }
0x16: {  	s22 =	simm.s32 $0x80;
	s20 =	sadd.s32 $0x5600, s2;
	[dreg:$0xb] =	wrdreg s1  }
0x17: {  	s2 =	sadd.s32 $0x600, s2;
	s8 =	sadd.s32 $0x32400, s8;
	[dreg:$0x7] =	wrdreg s20  }
0x18: {  	s0 =	sadd.s32 $0x31A00, s0;
	[dreg:$0x8] =	wrdreg s2;
	s2 =	sadd.s32 s21, s3  }
0x19: {  	[dreg:$0xa] =	wrdreg s8;
	s20 =	sshrl.u32 s7, $0x3;
	s21 =	sshrl.u32 s23, $0x3  }
0x1a: {  	s23 =	simm.s32 $0x2800;
	s0 =	sadd.s32 s24, s0;
	s7 =	simm.s32 $0x6  }
0x1b: {  	s8 =	simm.s32 $0x4;
	s26 =	sshrl.u32 s2, $0x3;
	[dreg:$0xd] =	wrdreg s0  }
0x1c: {  	v0 =	vimm.f32 $1.000000000e+00;
	s0 =	simm.s32 $0x2;
	s2 =	simm.s32 $0x5;
	[dreg:$0xc] =	wrdreg s26  }
.LBB2_1:
0x1d: {  	s1 =	rddreg [dreg:$0x7]  }
0x1e: {  	[tilespmem:s6], [sflag:$0xA] =	stream.linear.gather [hbm4b:s1+s6], $0x1400, $0x38;
	[tilespmem:$0x1E740] =	vst v63  }
0x1f: {  	_ =	swait.ge [sflag:s13], $0x1400  }
0x20: {  	[sflag:s13] =	ssyncset.done $0x0  }
0x21: {  	s24 =	rddreg [dreg:$0x8];
	[sflag:s13] =	ssyncadd.s32 $0xFFFFEC00  }
0x22: {  	[tilespmem:s14], [sflag:$0xA] =	stream.linear.gather [hbm4b:s24+s6], $0x1400, $0x38;
	[tilespmem:$0x1E740] =	vst v63  }
0x23: {  	_ =	swait.ge [sflag:s13], $0x1400  }
0x24: {  	[sflag:s13] =	ssyncset.done $0x0;
	s26 =	rddreg [dreg:$0x9]  }
0x25: {  	s9 =	rddreg [dreg:$0xc];
	[sflag:s13] =	ssyncadd.s32 $0xFFFFEC00  }
0x26: {  	[spmem:s9@s18], [sflag:s15] =	dma.strided [hbm:s26@s16], $0x1388, s17, $0x8   }
0x27: {  	_ =	swait.ge [sflag:s13], $0x1388  }
0x28: {  	[sflag:s13] =	ssyncset.done $0x0  }
0x29: {  	[sflag:s13] =	ssyncadd.s32 $0xFFFFEC78  }
0x2a: {  	s9 =	rddreg [dreg:$0x1]  }
0x2b: {  	[spmem:s20], [sflag:s15] =	dma.local [hbm:s9], $0x1400  }
0x2c: {  	_ =	swait.ge [sflag:s13], $0x1400  }
0x2d: {  	[sflag:s13] =	ssyncset.done $0x0  }
0x2e: {  	s16 =	rddreg [dreg:$0x6];
	[sflag:s13] =	ssyncadd.s32 $0xFFFFEC00  }
0x2f: {  	[spmem:s21], [sflag:s15] =	dma.local [hbm:s16], $0x50  }
0x30: {  	_ =	swait.ge [sflag:s13], $0x50  }
0x31: {  	[sflag:s13] =	ssyncset.done $0x0  }
0x32: {  	[sflag:s13] =	ssyncadd.s32 $0xFFFFFFB0  }
0x33: {  	[tilespmem:$0xA800] =	vst v0  }
0x34: {  	[tilespmem:$0xA810] =	vst v0  }
0x35: {  	[tilespmem:$0xA820] =	vst v0  }
0x36: {  	[tilespmem:$0xA830] =	vst v0  }
0x37: {  	[tilespmem:$0xA840] =	vst v0  }
0x38: {  	[tilespmem:$0xA850] =	vst v0  }
0x39: {  	[tilespmem:$0xA860] =	vst v0  }
0x3a: {  	[tilespmem:$0xA870] =	vst v0  }
0x3b: {  	[bflag:$0x0] =	sbarrier.arrive $0xFFFF  }
0x3c: {  	[tilespmem:s23], [sflag:$0x1] =	stream.indirect.gather [spmem:s3], $0x40, s6, s22, $0xb8;
	[tilespmem:$0x1E740] =	vst v63  }
0x3d: {  	_ = 	snop  }
0x3e: {  	[tilespmem:s25], [sflag:$0x2] =	stream.indirect.gather [spmem:s3], $0x40, s22, s22, $0xb8;
	[tilespmem:$0x1E740] =	vst v63  }
0x3f: {  	s19 =	simm.s32 $0x100  }
0x40: {  	[tilespmem:s28], [sflag:$0x3] =	stream.indirect.gather [spmem:s3], $0x40, s19, s22, $0xb8;
	[tilespmem:$0x1E740] =	vst v63  }
0x41: {  	_ =	swait.ge [sflag:s17], $0x2000  }
0x42: {  	[sflag:s17] =	ssyncset.done $0x0  }
0x43: {  	[sflag:s17] =	ssyncadd.s32 $0xFFFFE000  }
0x44: {  	[spmem:s4] =	stream.indirect.scatter.add.f32 [tilespmem:s23], [sflag:$0x5], $0x40, s14, s22, $0xb8;
	[tilespmem:$0x1E740] =	vst v63  }
0x45: {  	_ = 	snop  }
0x46: {  	[spmem:s5] =	stream.indirect.scatter.add.f32 [tilespmem:s29], [sflag:$0x9], $0x1, s14, s22, $0xb8;
	[tilespmem:$0x1E740] =	vst v63  }
0x47: {  	s24 =	simm.s32 $0x180  }
0x48: {  	[tilespmem:s31], [sflag:$0x4] =	stream.indirect.gather [spmem:s3], $0x40, s24, s22, $0xb8;
	[tilespmem:$0x1E740] =	vst v63  }
0x49: {  	_ =	swait.ge [sflag:s0], $0x2000  }
0x4a: {  	[sflag:s0] =	ssyncset.done $0x0  }
0x4b: {  	s26 =	simm.s32 $0x1480;
	[sflag:s0] =	ssyncadd.s32 $0xFFFFE000  }
0x4c: {  	[spmem:s4] =	stream.indirect.scatter.add.f32 [tilespmem:s25], [sflag:$0x6], $0x40, s26, s22, $0xb8;
	[tilespmem:$0x1E740] =	vst v63  }
0x4d: {  	_ = 	snop  }
0x4e: {  	[spmem:s5] =	stream.indirect.scatter.add.f32 [tilespmem:s29], [sflag:$0x9], $0x1, s26, s22, $0xb8;
	[tilespmem:$0x1E740] =	vst v63  }
0x4f: {  	_ =	swait.ge [sflag:s2], $0x2000  }
0x50: {  	[sflag:s2] =	ssyncset.done $0x0  }
0x51: {  	s9 =	simm.s32 $0x200;
	[sflag:s2] =	ssyncadd.s32 $0xFFFFE000  }
0x52: {  	[tilespmem:s23], [sflag:$0x1] =	stream.indirect.gather [spmem:s3], $0x40, s9, s22, $0xb8;
	[tilespmem:$0x1E740] =	vst v63  }
0x53: {  	_ =	swait.ge [sflag:s30], $0x2000  }
0x54: {  	[sflag:s30] =	ssyncset.done $0x0  }
0x55: {  	s16 =	simm.s32 $0x1500;
	[sflag:s30] =	ssyncadd.s32 $0xFFFFE000  }
0x56: {  	[spmem:s4] =	stream.indirect.scatter.add.f32 [tilespmem:s28], [sflag:$0x7], $0x40, s16, s22, $0xb8;
	[tilespmem:$0x1E740] =	vst v63  }
0x57: {  	_ = 	snop  }
0x58: {  	[spmem:s5] =	stream.indirect.scatter.add.f32 [tilespmem:s29], [sflag:$0x9], $0x1, s16, s22, $0xb8;
	[tilespmem:$0x1E740] =	vst v63  }
0x59: {  	_ =	swait.ge [sflag:s7], $0x2000  }
0x5a: {  	[sflag:s7] =	ssyncset.done $0x0  }
0x5b: {  	s19 =	simm.s32 $0x280;
	[sflag:s7] =	ssyncadd.s32 $0xFFFFE000  }
0x5c: {  	[tilespmem:s25], [sflag:$0x2] =	stream.indirect.gather [spmem:s3], $0x40, s19, s22, $0xb8;
	[tilespmem:$0x1E740] =	vst v63  }
0x5d: {  	_ =	swait.ge [sflag:s8], $0x2000  }
0x5e: {  	[sflag:s8] =	ssyncset.done $0x0  }
0x5f: {  	s24 =	simm.s32 $0x1580;
	[sflag:s8] =	ssyncadd.s32 $0xFFFFE000  }
0x60: {  	[spmem:s4] =	stream.indirect.scatter.add.f32 [tilespmem:s31], [sflag:$0x8], $0x40, s24, s22, $0xb8;
	[tilespmem:$0x1E740] =	vst v63  }
0x61: {  	_ = 	snop  }
0x62: {  	[spmem:s5] =	stream.indirect.scatter.add.f32 [tilespmem:s29], [sflag:$0x9], $0x1, s24, s22, $0xb8;
	[tilespmem:$0x1E740] =	vst v63  }
0x63: {  	_ =	swait.ge [sflag:s10], $0x2000  }
0x64: {  	[sflag:s10] =	ssyncset.done $0x0  }
0x65: {  	s26 =	simm.s32 $0x300;
	s19 =	simm.s32 $0x0;
	[sflag:s10] =	ssyncadd.s32 $0xFFFFE000  }
0x66: {  	[tilespmem:s28], [sflag:$0x3] =	stream.indirect.gather [spmem:s3], $0x40, s26, s22, $0xb8;
	[tilespmem:$0x1E740] =	vst v63  }
.LBB2_2:
0x67: {  	_ =	swait.ge [sflag:s17], $0x2000  }
0x68: {  	s16 =	sshra.s32 s19, $0x2;
	[sflag:s17] =	ssyncset.done $0x0  }
0x69: {  	s24 =	sadd.s32 $0x1600, s16;
	[sflag:s17] =	ssyncadd.s32 $0xFFFFE000  }
0x6a: {  	[spmem:s4] =	stream.indirect.scatter.add.f32 [tilespmem:s23], [sflag:$0x5], $0x40, s24, s22, $0xb8;
	[tilespmem:$0x1E740] =	vst v63  }
0x6b: {  	_ = 	snop  }
0x6c: {  	[spmem:s5] =	stream.indirect.scatter.add.f32 [tilespmem:s29], [sflag:$0x9], $0x1, s24, s22, $0xb8;
	[tilespmem:$0x1E740] =	vst v63  }
0x6d: {  	_ =	swait.ge [sflag:s18], $0x2000  }
0x6e: {  	[sflag:s18] =	ssyncset.done $0x0  }
0x6f: {  	s1 =	sadd.s32 $0x380, s16;
	[sflag:s18] =	ssyncadd.s32 $0xFFFFE000  }
0x70: {  	[tilespmem:s31], [sflag:$0x4] =	stream.indirect.gather [spmem:s3], $0x40, s1, s22, $0xb8;
	[tilespmem:$0x1E740] =	vst v63  }
0x71: {  	_ =	swait.ge [sflag:s0], $0x2000  }
0x72: {  	[sflag:s0] =	ssyncset.done $0x0  }
0x73: {  	p0 =	seq.s32 s19, $0x4000;
	s9 =	sadd.s32 $0x1680, s16;
	[sflag:s0] =	ssyncadd.s32 $0xFFFFE000  }
0x74: {  	[spmem:s4] =	stream.indirect.scatter.add.f32 [tilespmem:s25], [sflag:$0x6], $0x40, s9, s22, $0xb8;
	[tilespmem:$0x1E740] =	vst v63  }
0x75: {  	s24 =	simm.s32 @p0 $0x3  }
0x76: {  	[spmem:s5] =	stream.indirect.scatter.add.f32 [tilespmem:s29], [sflag:$0x9], $0x1, s9, s22, $0xb8;
	[tilespmem:$0x1E740] =	vst v63  }
0x77: {  	_ =	swait.ge @p0 [sflag:s24], $0x2000  }
0x78: {  	[sflag:s24] =	ssyncset.done @p0 $0x0  }
0x79: {  	[sflag:s24] =	ssyncadd.s32 @p0 $0xFFFFE000;
	s24 =	sshra.s32 @p0 s19, $0x2  }
0x7a: {  	s26 =	simm.s32 @p0 $0x6800;
	s1 =	simm.s32 @p0 $0x80;
	s24 =	sadd.s32 @p0 $0x1700, s24  }
0x7b: {  	[spmem:s4] =	stream.indirect.scatter.add.f32 @p0 [tilespmem:s26], [sflag:$0x7], $0x40, s24, s1, $0xb8;
	[tilespmem:$0x1E740] =	vst v63  }
0x7c: {  	s26 =	simm.s32 @p0 $0xA800  }
0x7d: {  	[spmem:s5] =	stream.indirect.scatter.add.f32 @p0 [tilespmem:s26], [sflag:$0x9], $0x1, s24, s1, $0xb8;
	[tilespmem:$0x1E740] =	vst v63  }
0x7e: {  	s1 =	simm.s32 @!p0 $0x5  }
0x7f: {  	_ =	swait.ge @!p0 [sflag:s1], $0x2000  }
0x80: {  	[sflag:s1] =	ssyncset.done @!p0 $0x0  }
0x81: {  	[sflag:s1] =	ssyncadd.s32 @!p0 $0xFFFFE000;
	s1 =	sshra.s32 @!p0 s19, $0x2  }
0x82: {  	s9 =	simm.s32 @!p0 $0x2800;
	s26 =	simm.s32 @!p0 $0x80;
	s24 =	sadd.s32 @!p0 $0x400, s1  }
0x83: {  	[tilespmem:s9], [sflag:$0x1] =	stream.indirect.gather @!p0 [spmem:s3], $0x40, s24, s26, $0xb8;
	[tilespmem:$0x1E740] =	vst v63  }
0x84: {  	s9 =	simm.s32 @!p0 $0x3  }
0x85: {  	_ =	swait.ge @!p0 [sflag:s9], $0x2000  }
0x86: {  	[sflag:s9] =	ssyncset.done @!p0 $0x0  }
0x87: {  	s24 =	simm.s32 @!p0 $0x6800;
	[sflag:s9] =	ssyncadd.s32 @!p0 $0xFFFFE000;
	s9 =	sadd.s32 @!p0 $0x1700, s1  }
0x88: {  	[spmem:s4] =	stream.indirect.scatter.add.f32 @!p0 [tilespmem:s24], [sflag:$0x7], $0x40, s9, s26, $0xb8;
	[tilespmem:$0x1E740] =	vst v63  }
0x89: {  	s24 =	simm.s32 @!p0 $0xA800  }
0x8a: {  	[spmem:s5] =	stream.indirect.scatter.add.f32 @!p0 [tilespmem:s24], [sflag:$0x9], $0x1, s9, s26, $0xb8;
	[tilespmem:$0x1E740] =	vst v63  }
0x8b: {  	s9 =	simm.s32 @!p0 $0x6  }
0x8c: {  	_ =	swait.ge @!p0 [sflag:s9], $0x2000  }
0x8d: {  	[sflag:s9] =	ssyncset.done @!p0 $0x0  }
0x8e: {  	s1 =	sadd.s32 @!p0 $0x480, s1;
	[sflag:s9] =	ssyncadd.s32 @!p0 $0xFFFFE000;
	s9 =	simm.s32 @!p0 $0x4800  }
0x8f: {  	[tilespmem:s9], [sflag:$0x2] =	stream.indirect.gather @!p0 [spmem:s3], $0x40, s1, s26, $0xb8;
	[tilespmem:$0x1E740] =	vst v63  }
0x90: {  	_ =	swait.ge [sflag:s8], $0x2000  }
.Ltmp0:
0x91: {  	[sflag:s8] =	ssyncset.done $0x0;
	(pc) =	sbr.rel @p0 .LBB2_4-.Ltmp0, $4  }
0x92: {  	s26 =	sadd.s32 $0x1780, s16;
	[sflag:s8] =	ssyncadd.s32 $0xFFFFE000  }
0x93: {  	[spmem:s4] =	stream.indirect.scatter.add.f32 [tilespmem:s31], [sflag:$0x8], $0x40, s26, s22, $0xb8;
	[tilespmem:$0x1E740] =	vst v63  }
0x94: {  	_ = 	snop  }
0x95: {  	[spmem:s5] =	stream.indirect.scatter.add.f32 [tilespmem:s29], [sflag:$0x9], $0x1, s26, s22, $0xb8;
	[tilespmem:$0x1E740] =	vst v63  }
.Ltmp1:
0x96: {  	(pc) =	sbr.rel .LBB2_2-.Ltmp1, $4  }
0x97: {  	_ =	swait.ge [sflag:s10], $0x2000  }
0x98: {  	[sflag:s10] =	ssyncset.done $0x0  }
0x99: {  	s1 =	sadd.s32 $0x500, s16;
	s19 =	sadd.s32 $0x800, s19;
	[sflag:s10] =	ssyncadd.s32 $0xFFFFE000  }
0x9a: {  	[tilespmem:s28], [sflag:$0x3] =	stream.indirect.gather [spmem:s3], $0x40, s1, s22, $0xb8;
	[tilespmem:$0x1E740] =	vst v63  }
.LBB2_4:
0x9b: {  	_ =	swait.ge [sflag:s2], $0x2000  }
0x9c: {  	[sflag:s2] =	ssyncset.done $0x0  }
0x9d: {  	[sflag:s2] =	ssyncadd.s32 $0xFFFFE000  }
0x9e: {  	_ =	swait.ge [sflag:s7], $0x2000  }
0x9f: {  	[sflag:s7] =	ssyncset.done $0x0  }
0xa0: {  	[sflag:s7] =	ssyncadd.s32 $0xFFFFE000  }
0xa1: {  	_ =	swait.ge [sflag:s10], $0x2000  }
0xa2: {  	[sflag:s10] =	ssyncset.done $0x0  }
0xa3: {  	[sflag:s10] =	ssyncadd.s32 $0xFFFFE000  }
0xa4: {  	_ =	swait.ge [sflag:s18], $0x2000  }
0xa5: {  	[sflag:s18] =	ssyncset.done $0x0  }
0xa6: {  	[sflag:s18] =	ssyncadd.s32 $0xFFFFE000  }
0xa7: {  	_ =	swait.ge [sflag:s11], $0x80  }
0xa8: {  	s16 =	simm.s32 $0x27;
	[sflag:s11] =	ssyncset.done $0x0  }
.LBB2_5:
0xa9: {  	p0 =	sne.s32 s16, $0x1;
	s16 =	sadd.s32 $0xFFFFFFFF, s16;
	[sflag:s11] =	ssyncadd.s32 $0xFFFFFF80  }
.Ltmp2:
0xaa: {  	(pc) =	sbr.rel @p0 .LBB2_5-.Ltmp2, $3  }
0xab: {  	_ =	sdelay $0x1  }
0xac: {  	_ =	swait.ge [sflag:s11], $0x80  }
0xad: {  	[sflag:s11] =	ssyncset.done $0x0  }
0xae: {  	[sflag:s11] =	ssyncadd.s32 $0xFFFFFF80  }
0xaf: {  	[bflag:$0x0] =	sbarrier.arrive $0xFFFF  }
0xb0: {  	s16 =	simm.s32 $0x10;
	s1 =	rddreg [dreg:$0xa]  }
0xb1: {  	[hbm:s1@s16], [sflag:s15] =	dma.strided [spmem:s20@s18], $0x1400, s17, $0x8   }
0xb2: {  	_ =	swait.ge [sflag:s13], $0x1400  }
0xb3: {  	[sflag:s13] =	ssyncset.done $0x0  }
0xb4: {  	s24 =	rddreg [dreg:$0xd];
	[sflag:s13] =	ssyncadd.s32 $0xFFFFEC00  }
0xb5: {  	[hbm:s24], [sflag:s15] =	dma.local [spmem:s21], $0x50  }
0xb6: {  	_ =	swait.ge [sflag:s13], $0x50  }
0xb7: {  	s12 =	sadd.s32 $0x1, s12;
	s26 =	rddreg [dreg:$0xb]  }
0xb8: {  	p0 =	sne.s32 s12, s26  }
.Ltmp3:
0xb9: {  	_ = 	snop;
	(pc) =	sbr.rel @p0 .LBB2_1-.Ltmp3, $3  }
0xba: {  	_ =	sdelay $0x1  }
0xbb: {  	[sflag:s13] =	ssyncset.done $0x0  }
0xbc: {  	[sflag:s13] =	ssyncadd.s32 $0xFFFFFFB0  }
0xbd: {  	_ =	sfence.sel $0x180000  }
0xbe: {  	[bflag:$0x0] =	sbarrier.arrive $0xFFFF  }
0xbf: {  	_ =	strace $0x90000047  }
0xc0: {  	s0 =	stileid.u32;
	[bflag:$0x2] =	sbarrier.arrive $0xFFFF  }
0xc1: {  	p0 =	sne.s32 s0, $0x0;
	s0 =	rddreg [dreg:$0x5]  }
0xc2: {  	s0 =	sadd.s32 @!p0 $0x100000, s0  }
0xc3: {  	[sflag:s0] =	ssyncadd.tile.s32 @!p0 $0x1;
	_ =	shalt  }
.Lfunc_end2:
_tile_overlayer_lowered:
.L_overlay_start_2:
0xc4: {  	(tag) =	ssettag $0x2  }
0xc5: {  	s0 =	rddreg [dreg:$0x0];
	s2 =	stileid.u32  }
0xc6: {  	s1 =	rddreg [dreg:$0x1];
	p0 =	sne.s32 s2, $0x0  }
0xc7: {  	s3 =	rddreg [dreg:$0x2];
	[bflag:$0x3] =	sbarrier.arrive $0xFFFF;
	s2 =	simm.s32 @!p0 $0x1C0A  }
0xc8: {  	[timem:s3], [sflag:s2] =	dma.local @!p0 [hbm:s0], s1  }
0xc9: {  	s0 =	simm.s32 @!p0 $0xA  }
0xca: {  	_ =	swait.ge @!p0 [sflag:s0], s1  }
0xcb: {  	s1 =	ssub.s32 @!p0 $0x0, s1;
	[sflag:s0] =	ssyncset.done @!p0 $0x0  }
0xcc: {  	[sflag:s0] =	ssyncadd.s32 @!p0 s1  }
0xcd: {  	[bflag:$0x3] =	sbarrier.arrive $0xFFFF  }
0xce: {  	_ =	shalt  }

</sc_bundles>
